<compile_context>
chip_gen: v7x
topology: tpu7x:2x2x1
jax: 0.10.2.dev20260603
libtpu: 0.0.44.dev20260713+nightly
codegen_flags: <defaults>
</compile_context>

<pallas_src>
import functools

import jax
import jax.numpy as jnp
from jax import lax
from jax.experimental import pallas as pl
from jax.experimental.pallas import tpu as pltpu
from jax.experimental.pallas import tpu_sc as plsc

EMB = 32
NUM_CORES = 2
NUM_SUBCORES = 16
NUM_WORKERS = NUM_CORES * NUM_SUBCORES
CHUNK = 1280
DEPTH = 3


def _build(n):
    per_w = n // NUM_WORKERS
    n_chunks = per_w // CHUNK
    mesh = plsc.VectorSubcoreMesh(
        core_axis_name="c",
        subcore_axis_name="s",
        num_cores=NUM_CORES,
        num_subcores=NUM_SUBCORES,
    )

    @functools.partial(
        pl.kernel,
        out_type=jax.ShapeDtypeStruct((n, EMB), jnp.float32),
        mesh=mesh,
        scratch_types=[
            pltpu.VMEM((DEPTH, CHUNK), jnp.int32),
            pltpu.VMEM((DEPTH, CHUNK, EMB), jnp.float32),
        ]
        + [pltpu.SemaphoreType.DMA] * (3 * DEPTH),
        compiler_params=pltpu.CompilerParams(use_tc_tiling_on_sc=False),
    )
    def emb_kernel(idx_hbm, table_hbm, out_hbm, idx_v, rows_v, *sems):
        wid = lax.axis_index("s") * NUM_CORES + lax.axis_index("c")
        base = wid * per_w
        sem_i = sems[0:DEPTH]
        sem_g = sems[DEPTH : 2 * DEPTH]
        sem_w = sems[2 * DEPTH : 3 * DEPTH]

        idxl = [None] * DEPTH
        gathers = [None] * DEPTH
        writes = [None] * DEPTH
        LAG = DEPTH - 2

        idxl[0] = pltpu.async_copy(
            idx_hbm.at[pl.ds(base, CHUNK)], idx_v.at[0], sem_i[0]
        )
        for i in range(n_chunks):
            b = i % DEPTH
            if i + 1 < n_chunks:
                nb = (i + 1) % DEPTH
                if writes[nb] is not None:
                    writes[nb].wait()
                    writes[nb] = None
                idxl[nb] = pltpu.async_copy(
                    idx_hbm.at[pl.ds(base + (i + 1) * CHUNK, CHUNK)],
                    idx_v.at[nb],
                    sem_i[nb],
                )
            idxl[b].wait()
            gathers[b] = pltpu.async_copy(
                table_hbm.at[idx_v.at[b]], rows_v.at[b], sem_g[b]
            )
            j = i - LAG
            if j >= 0:
                bj = j % DEPTH
                gathers[bj].wait()
                writes[bj] = pltpu.async_copy(
                    rows_v.at[bj],
                    out_hbm.at[pl.ds(base + j * CHUNK, CHUNK)],
                    sem_w[bj],
                )
        for j in range(max(0, n_chunks - LAG), n_chunks):
            bj = j % DEPTH
            gathers[bj].wait()
            writes[bj] = pltpu.async_copy(
                rows_v.at[bj],
                out_hbm.at[pl.ds(base + j * CHUNK, CHUNK)],
                sem_w[bj],
            )
        for w in writes:
            if w is not None:
                w.wait()

    return emb_kernel


def kernel(input, table):
    B, L = input.shape
    n = B * L
    idx = input.reshape(n).astype(jnp.int32)
    out = _build(n)(idx, table)
    return out.reshape(B, L, EMB)

# --- scband reference (transcript-rebuilt; emitter-appended) ---
"""Pipeline reference for scband-embed-70025146794490 (READ-ONLY COPY).

The authoritative reference and input builder live on the scoring server;
editing this copy changes nothing except your own understanding.
"""

import jax, jax.numpy as jnp
import numpy as np

VOCAB = 1000000
EMB = 32
B = 4096
L = 200

def setup_inputs(seed: int = 0) -> dict:
    key = jax.random.key(seed)
    k1, k2 = jax.random.split(key)
    table = jax.random.normal(k1, (VOCAB, EMB), dtype=jnp.float32)
    indices = jax.random.randint(k2, (B, L), 0, VOCAB, dtype=jnp.int64)
    return {"input": indices, "table": table}

def reference(input, table):
    # nn.Embedding lookup; dropout is identity in eval mode
    embedded = jnp.take(table, input, axis=0)
    return embedded

if __name__ == "__main__":
    import jax
    _d = setup_inputs()
    print(jax.jit(kernel)(*tuple(_d.values())))

</pallas_src>

<mosaic_0001>
#map = affine_map<(d0, d1) -> (0)>
#map1 = affine_map<(d0, d1) -> (0, 0)>
module attributes {stable_mosaic.version = 14 : i64} {
  func.func @emb_kernel(%arg0: i32, %arg1: i32, %arg2: memref<819200xi32, #tpu.memory_space<hbm>>, %arg3: memref<1000000x32xf32, #tpu.memory_space<hbm>>, %arg4: memref<819200x32xf32, #tpu.memory_space<hbm>>, %arg5: memref<3x1280xi32, #tpu.memory_space<vmem>>, %arg6: memref<3x1280x32xf32, #tpu.memory_space<vmem>>, %arg7: memref<!tpu.dma_semaphore, #tpu.memory_space<semaphore_mem>>, %arg8: memref<!tpu.dma_semaphore, #tpu.memory_space<semaphore_mem>>, %arg9: memref<!tpu.dma_semaphore, #tpu.memory_space<semaphore_mem>>, %arg10: memref<!tpu.dma_semaphore, #tpu.memory_space<semaphore_mem>>, %arg11: memref<!tpu.dma_semaphore, #tpu.memory_space<semaphore_mem>>, %arg12: memref<!tpu.dma_semaphore, #tpu.memory_space<semaphore_mem>>, %arg13: memref<!tpu.dma_semaphore, #tpu.memory_space<semaphore_mem>>, %arg14: memref<!tpu.dma_semaphore, #tpu.memory_space<semaphore_mem>>, %arg15: memref<!tpu.dma_semaphore, #tpu.memory_space<semaphore_mem>>) attributes {dimension_semantics = [#tpu.dimension_semantics<core_parallel>, #tpu.dimension_semantics<subcore_parallel>], iteration_bounds = array<i64: 2, 16>, scalar_prefetch = 0 : i64, scratch_operands = 11 : i64, tpu.core_type = #tpu.core_type<sc_vector_subcore>, window_params = [{transform_indices = #map}, {transform_indices = #map1}, {transform_indices = #map1}]} {
    %mul3A = arith.constant 2 : i32
    %mul3A_0 = arith.muli %arg1, %mul3A : i32
    %add3A = arith.addi %mul3A_0, %arg0 : i32
    %mul3A_1 = arith.constant 25600 : i32
    %mul3A_2 = arith.muli %add3A, %mul3A_1 : i32
    %dma_start3A = arith.constant 0 : i32
    %dma_start3A_3 = arith.constant 0 : i32
    %dma_start3A_4 = tpu.memref_slice %arg5[%dma_start3A, %dma_start3A_3] : memref<3x1280xi32, #tpu.memory_space<vmem>> -> memref<1x1280xi32, #tpu.memory_space<vmem>>
    %dma_start3A_5 = tpu.memref_squeeze %dma_start3A_4 : memref<1x1280xi32, #tpu.memory_space<vmem>> -> memref<1280xi32, #tpu.memory_space<vmem>>
    %dma_start3A_6 = tpu.memref_slice %arg2[%mul3A_2] : memref<819200xi32, #tpu.memory_space<hbm>> -> memref<1280xi32, #tpu.memory_space<hbm>>
    %dma_start3A_7 = arith.constant 0 : i32
    %dma_start3A_8 = tpu.memref_slice %arg5[%dma_start3A, %dma_start3A_7] : memref<3x1280xi32, #tpu.memory_space<vmem>> -> memref<1x1280xi32, #tpu.memory_space<vmem>>
    %dma_start3A_9 = tpu.memref_squeeze %dma_start3A_8 : memref<1x1280xi32, #tpu.memory_space<vmem>> -> memref<1280xi32, #tpu.memory_space<vmem>>
    %dma_start3A_10 = tpu.memref_slice %arg2[%mul3A_2] : memref<819200xi32, #tpu.memory_space<hbm>> -> memref<1280xi32, #tpu.memory_space<hbm>>
    tpu.enqueue_dma source(%dma_start3A_10 : memref<1280xi32, #tpu.memory_space<hbm>>) target(%dma_start3A_9 : memref<1280xi32, #tpu.memory_space<vmem>>) target_semaphore(%arg7 : memref<!tpu.dma_semaphore, #tpu.memory_space<semaphore_mem>>)
    %add3A_11 = arith.constant 1280 : i32
    %add3A_12 = arith.addi %mul3A_2, %add3A_11 : i32
    %dma_start3A_13 = arith.constant 1 : i32
    %dma_start3A_14 = arith.constant 0 : i32
    %dma_start3A_15 = tpu.memref_slice %arg5[%dma_start3A_13, %dma_start3A_14] : memref<3x1280xi32, #tpu.memory_space<vmem>> -> memref<1x1280xi32, #tpu.memory_space<vmem>>
    %dma_start3A_16 = tpu.memref_squeeze %dma_start3A_15 : memref<1x1280xi32, #tpu.memory_space<vmem>> -> memref<1280xi32, #tpu.memory_space<vmem>>
    %dma_start3A_17 = tpu.memref_slice %arg2[%add3A_12] : memref<819200xi32, #tpu.memory_space<hbm>> -> memref<1280xi32, #tpu.memory_space<hbm>>
    %dma_start3A_18 = arith.constant 0 : i32
    %dma_start3A_19 = tpu.memref_slice %arg5[%dma_start3A_13, %dma_start3A_18] : memref<3x1280xi32, #tpu.memory_space<vmem>> -> memref<1x1280xi32, #tpu.memory_space<vmem>>
    %dma_start3A_20 = tpu.memref_squeeze %dma_start3A_19 : memref<1x1280xi32, #tpu.memory_space<vmem>> -> memref<1280xi32, #tpu.memory_space<vmem>>
    %dma_start3A_21 = tpu.memref_slice %arg2[%add3A_12] : memref<819200xi32, #tpu.memory_space<hbm>> -> memref<1280xi32, #tpu.memory_space<hbm>>
    tpu.enqueue_dma source(%dma_start3A_21 : memref<1280xi32, #tpu.memory_space<hbm>>) target(%dma_start3A_20 : memref<1280xi32, #tpu.memory_space<vmem>>) target_semaphore(%arg8 : memref<!tpu.dma_semaphore, #tpu.memory_space<semaphore_mem>>)
    %dma_wait3A = arith.constant 0 : i32
    %dma_wait3A_22 = arith.constant 0 : i32
    %dma_wait3A_23 = tpu.memref_slice %arg5[%dma_wait3A, %dma_wait3A_22] : memref<3x1280xi32, #tpu.memory_space<vmem>> -> memref<1x1280xi32, #tpu.memory_space<vmem>>
    %dma_wait3A_24 = tpu.memref_squeeze %dma_wait3A_23 : memref<1x1280xi32, #tpu.memory_space<vmem>> -> memref<1280xi32, #tpu.memory_space<vmem>>
    %dma_wait3A_25 = tpu.memref_slice %arg2[%mul3A_2] : memref<819200xi32, #tpu.memory_space<hbm>> -> memref<1280xi32, #tpu.memory_space<hbm>>
    %dma_wait3A_26 = arith.constant 0 : i32
    %dma_wait3A_27 = tpu.memref_slice %arg5[%dma_wait3A, %dma_wait3A_26] : memref<3x1280xi32, #tpu.memory_space<vmem>> -> memref<1x1280xi32, #tpu.memory_space<vmem>>
    %dma_wait3A_28 = tpu.memref_squeeze %dma_wait3A_27 : memref<1x1280xi32, #tpu.memory_space<vmem>> -> memref<1280xi32, #tpu.memory_space<vmem>>
    %dma_wait3A_29 = tpu.memref_slice %arg2[%mul3A_2] : memref<819200xi32, #tpu.memory_space<hbm>> -> memref<1280xi32, #tpu.memory_space<hbm>>
    tpu.wait_dma2 semaphore(%arg7 : memref<!tpu.dma_semaphore, #tpu.memory_space<semaphore_mem>>) src(%dma_wait3A_29 : memref<1280xi32, #tpu.memory_space<hbm>>) dst(%dma_wait3A_28 : memref<1280xi32, #tpu.memory_space<vmem>>)
    %dma_start3A_30 = arith.constant 0 : i32
    %dma_start3A_31 = arith.constant 0 : i32
    %dma_start3A_32 = arith.constant 0 : i32
    %dma_start3A_33 = arith.constant 0 : i32
    %dma_start3A_34 = tpu.memref_slice %arg6[%dma_start3A_31, %dma_start3A_32, %dma_start3A_33] : memref<3x1280x32xf32, #tpu.memory_space<vmem>> -> memref<1x1280x32xf32, #tpu.memory_space<vmem>>
    %dma_start3A_35 = tpu.memref_squeeze %dma_start3A_34 : memref<1x1280x32xf32, #tpu.memory_space<vmem>> -> memref<1280x32xf32, #tpu.memory_space<vmem>>
    %dma_start3A_36 = arith.constant 0 : i32
    %dma_start3A_37 = tpu.memref_slice %arg5[%dma_start3A_30, %dma_start3A_36] : memref<3x1280xi32, #tpu.memory_space<vmem>> -> memref<1x1280xi32, #tpu.memory_space<vmem>>
    %dma_start3A_38 = tpu.memref_squeeze %dma_start3A_37 : memref<1x1280xi32, #tpu.memory_space<vmem>> -> memref<1280xi32, #tpu.memory_space<vmem>>
    %dma_start3A_39 = arith.constant 0 : i32
    %dma_start3A_40 = arith.constant 0 : i32
    %dma_start3A_41 = tpu.memref_slice %arg3[%dma_start3A_39, %dma_start3A_40] : memref<1000000x32xf32, #tpu.memory_space<hbm>> -> memref<1000000x32xf32, #tpu.memory_space<hbm>>
    tpu.enqueue_indirect_dma source(%dma_start3A_41 : memref<1000000x32xf32, #tpu.memory_space<hbm>>) target(%dma_start3A_35 : memref<1280x32xf32, #tpu.memory_space<vmem>>) offsets(%dma_start3A_38 : memref<1280xi32, #tpu.memory_space<vmem>>) semaphore(%arg10 : memref<!tpu.dma_semaphore, #tpu.memory_space<semaphore_mem>>)
    %add3A_42 = arith.constant 2560 : i32
    %add3A_43 = arith.addi %mul3A_2, %add3A_42 : i32
    %dma_start3A_44 = arith.constant 2 : i32
    %dma_start3A_45 = arith.constant 0 : i32
    %dma_start3A_46 = tpu.memref_slice %arg5[%dma_start3A_44, %dma_start3A_45] : memref<3x1280xi32, #tpu.memory_space<vmem>> -> memref<1x1280xi32, #tpu.memory_space<vmem>>
    %dma_start3A_47 = tpu.memref_squeeze %dma_start3A_46 : memref<1x1280xi32, #tpu.memory_space<vmem>> -> memref<1280xi32, #tpu.memory_space<vmem>>
    %dma_start3A_48 = tpu.memref_slice %arg2[%add3A_43] : memref<819200xi32, #tpu.memory_space<hbm>> -> memref<1280xi32, #tpu.memory_space<hbm>>
    %dma_start3A_49 = arith.constant 0 : i32
    %dma_start3A_50 = tpu.memref_slice %arg5[%dma_start3A_44, %dma_start3A_49] : memref<3x1280xi32, #tpu.memory_space<vmem>> -> memref<1x1280xi32, #tpu.memory_space<vmem>>
    %dma_start3A_51 = tpu.memref_squeeze %dma_start3A_50 : memref<1x1280xi32, #tpu.memory_space<vmem>> -> memref<1280xi32, #tpu.memory_space<vmem>>
    %dma_start3A_52 = tpu.memref_slice %arg2[%add3A_43] : memref<819200xi32, #tpu.memory_space<hbm>> -> memref<1280xi32, #tpu.memory_space<hbm>>
    tpu.enqueue_dma source(%dma_start3A_52 : memref<1280xi32, #tpu.memory_space<hbm>>) target(%dma_start3A_51 : memref<1280xi32, #tpu.memory_space<vmem>>) target_semaphore(%arg9 : memref<!tpu.dma_semaphore, #tpu.memory_space<semaphore_mem>>)
    %dma_wait3A_53 = arith.constant 1 : i32
    %dma_wait3A_54 = arith.constant 0 : i32
    %dma_wait3A_55 = tpu.memref_slice %arg5[%dma_wait3A_53, %dma_wait3A_54] : memref<3x1280xi32, #tpu.memory_space<vmem>> -> memref<1x1280xi32, #tpu.memory_space<vmem>>
    %dma_wait3A_56 = tpu.memref_squeeze %dma_wait3A_55 : memref<1x1280xi32, #tpu.memory_space<vmem>> -> memref<1280xi32, #tpu.memory_space<vmem>>
    %dma_wait3A_57 = tpu.memref_slice %arg2[%add3A_12] : memref<819200xi32, #tpu.memory_space<hbm>> -> memref<1280xi32, #tpu.memory_space<hbm>>
    %dma_wait3A_58 = arith.constant 0 : i32
    %dma_wait3A_59 = tpu.memref_slice %arg5[%dma_wait3A_53, %dma_wait3A_58] : memref<3x1280xi32, #tpu.memory_space<vmem>> -> memref<1x1280xi32, #tpu.memory_space<vmem>>
    %dma_wait3A_60 = tpu.memref_squeeze %dma_wait3A_59 : memref<1x1280xi32, #tpu.memory_space<vmem>> -> memref<1280xi32, #tpu.memory_space<vmem>>
    %dma_wait3A_61 = tpu.memref_slice %arg2[%add3A_12] : memref<819200xi32, #tpu.memory_space<hbm>> -> memref<1280xi32, #tpu.memory_space<hbm>>
    tpu.wait_dma2 semaphore(%arg8 : memref<!tpu.dma_semaphore, #tpu.memory_space<semaphore_mem>>) src(%dma_wait3A_61 : memref<1280xi32, #tpu.memory_space<hbm>>) dst(%dma_wait3A_60 : memref<1280xi32, #tpu.memory_space<vmem>>)
    %dma_start3A_62 = arith.constant 1 : i32
    %dma_start3A_63 = arith.constant 1 : i32
    %dma_start3A_64 = arith.constant 0 : i32
    %dma_start3A_65 = arith.constant 0 : i32
    %dma_start3A_66 = tpu.memref_slice %arg6[%dma_start3A_63, %dma_start3A_64, %dma_start3A_65] : memref<3x1280x32xf32, #tpu.memory_space<vmem>> -> memref<1x1280x32xf32, #tpu.memory_space<vmem>>
    %dma_start3A_67 = tpu.memref_squeeze %dma_start3A_66 : memref<1x1280x32xf32, #tpu.memory_space<vmem>> -> memref<1280x32xf32, #tpu.memory_space<vmem>>
    %dma_start3A_68 = arith.constant 0 : i32
    %dma_start3A_69 = tpu.memref_slice %arg5[%dma_start3A_62, %dma_start3A_68] : memref<3x1280xi32, #tpu.memory_space<vmem>> -> memref<1x1280xi32, #tpu.memory_space<vmem>>
    %dma_start3A_70 = tpu.memref_squeeze %dma_start3A_69 : memref<1x1280xi32, #tpu.memory_space<vmem>> -> memref<1280xi32, #tpu.memory_space<vmem>>
    %dma_start3A_71 = arith.constant 0 : i32
    %dma_start3A_72 = arith.constant 0 : i32
    %dma_start3A_73 = tpu.memref_slice %arg3[%dma_start3A_71, %dma_start3A_72] : memref<1000000x32xf32, #tpu.memory_space<hbm>> -> memref<1000000x32xf32, #tpu.memory_space<hbm>>
    tpu.enqueue_indirect_dma source(%dma_start3A_73 : memref<1000000x32xf32, #tpu.memory_space<hbm>>) target(%dma_start3A_67 : memref<1280x32xf32, #tpu.memory_space<vmem>>) offsets(%dma_start3A_70 : memref<1280xi32, #tpu.memory_space<vmem>>) semaphore(%arg11 : memref<!tpu.dma_semaphore, #tpu.memory_space<semaphore_mem>>)
    %dma_wait3A_74 = arith.constant 0 : i32
    %dma_wait3A_75 = arith.constant 0 : i32
    %dma_wait3A_76 = arith.constant 0 : i32
    %dma_wait3A_77 = arith.constant 0 : i32
    %dma_wait3A_78 = tpu.memref_slice %arg6[%dma_wait3A_75, %dma_wait3A_76, %dma_wait3A_77] : memref<3x1280x32xf32, #tpu.memory_space<vmem>> -> memref<1x1280x32xf32, #tpu.memory_space<vmem>>
    %dma_wait3A_79 = tpu.memref_squeeze %dma_wait3A_78 : memref<1x1280x32xf32, #tpu.memory_space<vmem>> -> memref<1280x32xf32, #tpu.memory_space<vmem>>
    %dma_wait3A_80 = arith.constant 0 : i32
    %dma_wait3A_81 = tpu.memref_slice %arg5[%dma_wait3A_74, %dma_wait3A_80] : memref<3x1280xi32, #tpu.memory_space<vmem>> -> memref<1x1280xi32, #tpu.memory_space<vmem>>
    %dma_wait3A_82 = tpu.memref_squeeze %dma_wait3A_81 : memref<1x1280xi32, #tpu.memory_space<vmem>> -> memref<1280xi32, #tpu.memory_space<vmem>>
    %dma_wait3A_83 = arith.constant 0 : i32
    %dma_wait3A_84 = arith.constant 0 : i32
    %dma_wait3A_85 = tpu.memref_slice %arg3[%dma_wait3A_83, %dma_wait3A_84] : memref<1000000x32xf32, #tpu.memory_space<hbm>> -> memref<1000000x32xf32, #tpu.memory_space<hbm>>
    tpu.wait_indirect_dma semaphore(%arg10 : memref<!tpu.dma_semaphore, #tpu.memory_space<semaphore_mem>>) src(%dma_wait3A_85 : memref<1000000x32xf32, #tpu.memory_space<hbm>>) dst(%dma_wait3A_79 : memref<1280x32xf32, #tpu.memory_space<vmem>>)
    %add3A_86 = arith.constant 0 : i32
    %add3A_87 = arith.addi %mul3A_2, %add3A_86 : i32
    %dma_start3A_88 = arith.constant 0 : i32
    %dma_start3A_89 = arith.constant 0 : i32
    %dma_start3A_90 = arith.constant 0 : i32
    %dma_start3A_91 = tpu.memref_slice %arg6[%dma_start3A_88, %dma_start3A_89, %dma_start3A_90] : memref<3x1280x32xf32, #tpu.memory_space<vmem>> -> memref<1x1280x32xf32, #tpu.memory_space<vmem>>
    %dma_start3A_92 = tpu.memref_squeeze %dma_start3A_91 : memref<1x1280x32xf32, #tpu.memory_space<vmem>> -> memref<1280x32xf32, #tpu.memory_space<vmem>>
    %dma_start3A_93 = arith.constant 0 : i32
    %dma_start3A_94 = tpu.memref_slice %arg4[%add3A_87, %dma_start3A_93] : memref<819200x32xf32, #tpu.memory_space<hbm>> -> memref<1280x32xf32, #tpu.memory_space<hbm>>
    %dma_start3A_95 = arith.constant 0 : i32
    %dma_start3A_96 = tpu.memref_slice %arg4[%add3A_87, %dma_start3A_95] : memref<819200x32xf32, #tpu.memory_space<hbm>> -> memref<1280x32xf32, #tpu.memory_space<hbm>>
    %dma_start3A_97 = arith.constant 0 : i32
    %dma_start3A_98 = arith.constant 0 : i32
    %dma_start3A_99 = tpu.memref_slice %arg6[%dma_start3A_88, %dma_start3A_97, %dma_start3A_98] : memref<3x1280x32xf32, #tpu.memory_space<vmem>> -> memref<1x1280x32xf32, #tpu.memory_space<vmem>>
    %dma_start3A_100 = tpu.memref_squeeze %dma_start3A_99 : memref<1x1280x32xf32, #tpu.memory_space<vmem>> -> memref<1280x32xf32, #tpu.memory_space<vmem>>
    tpu.enqueue_dma source(%dma_start3A_100 : memref<1280x32xf32, #tpu.memory_space<vmem>>) target(%dma_start3A_96 : memref<1280x32xf32, #tpu.memory_space<hbm>>) target_semaphore(%arg13 : memref<!tpu.dma_semaphore, #tpu.memory_space<semaphore_mem>>)
    %dma_wait3A_101 = arith.constant 0 : i32
    %dma_wait3A_102 = arith.constant 0 : i32
    %dma_wait3A_103 = arith.constant 0 : i32
    %dma_wait3A_104 = tpu.memref_slice %arg6[%dma_wait3A_101, %dma_wait3A_102, %dma_wait3A_103] : memref<3x1280x32xf32, #tpu.memory_space<vmem>> -> memref<1x1280x32xf32, #tpu.memory_space<vmem>>
    %dma_wait3A_105 = tpu.memref_squeeze %dma_wait3A_104 : memref<1x1280x32xf32, #tpu.memory_space<vmem>> -> memref<1280x32xf32, #tpu.memory_space<vmem>>
    %dma_wait3A_106 = arith.constant 0 : i32
    %dma_wait3A_107 = tpu.memref_slice %arg4[%add3A_87, %dma_wait3A_106] : memref<819200x32xf32, #tpu.memory_space<hbm>> -> memref<1280x32xf32, #tpu.memory_space<hbm>>
    %dma_wait3A_108 = arith.constant 0 : i32
    %dma_wait3A_109 = tpu.memref_slice %arg4[%add3A_87, %dma_wait3A_108] : memref<819200x32xf32, #tpu.memory_space<hbm>> -> memref<1280x32xf32, #tpu.memory_space<hbm>>
    %dma_wait3A_110 = arith.constant 0 : i32
    %dma_wait3A_111 = arith.constant 0 : i32
    %dma_wait3A_112 = tpu.memref_slice %arg6[%dma_wait3A_101, %dma_wait3A_110, %dma_wait3A_111] : memref<3x1280x32xf32, #tpu.memory_space<vmem>> -> memref<1x1280x32xf32, #tpu.memory_space<vmem>>
    %dma_wait3A_113 = tpu.memref_squeeze %dma_wait3A_112 : memref<1x1280x32xf32, #tpu.memory_space<vmem>> -> memref<1280x32xf32, #tpu.memory_space<vmem>>
    tpu.wait_dma2 semaphore(%arg13 : memref<!tpu.dma_semaphore, #tpu.memory_space<semaphore_mem>>) src(%dma_wait3A_113 : memref<1280x32xf32, #tpu.memory_space<vmem>>) dst(%dma_wait3A_109 : memref<1280x32xf32, #tpu.memory_space<hbm>>)
    %add3A_114 = arith.constant 3840 : i32
    %add3A_115 = arith.addi %mul3A_2, %add3A_114 : i32
    %dma_start3A_116 = arith.constant 0 : i32
    %dma_start3A_117 = arith.constant 0 : i32
    %dma_start3A_118 = tpu.memref_slice %arg5[%dma_start3A_116, %dma_start3A_117] : memref<3x1280xi32, #tpu.memory_space<vmem>> -> memref<1x1280xi32, #tpu.memory_space<vmem>>
    %dma_start3A_119 = tpu.memref_squeeze %dma_start3A_118 : memref<1x1280xi32, #tpu.memory_space<vmem>> -> memref<1280xi32, #tpu.memory_space<vmem>>
    %dma_start3A_120 = tpu.memref_slice %arg2[%add3A_115] : memref<819200xi32, #tpu.memory_space<hbm>> -> memref<1280xi32, #tpu.memory_space<hbm>>
    %dma_start3A_121 = arith.constant 0 : i32
    %dma_start3A_122 = tpu.memref_slice %arg5[%dma_start3A_116, %dma_start3A_121] : memref<3x1280xi32, #tpu.memory_space<vmem>> -> memref<1x1280xi32, #tpu.memory_space<vmem>>
    %dma_start3A_123 = tpu.memref_squeeze %dma_start3A_122 : memref<1x1280xi32, #tpu.memory_space<vmem>> -> memref<1280xi32, #tpu.memory_space<vmem>>
    %dma_start3A_124 = tpu.memref_slice %arg2[%add3A_115] : memref<819200xi32, #tpu.memory_space<hbm>> -> memref<1280xi32, #tpu.memory_space<hbm>>
    tpu.enqueue_dma source(%dma_start3A_124 : memref<1280xi32, #tpu.memory_space<hbm>>) target(%dma_start3A_123 : memref<1280xi32, #tpu.memory_space<vmem>>) target_semaphore(%arg7 : memref<!tpu.dma_semaphore, #tpu.memory_space<semaphore_mem>>)
    %dma_wait3A_125 = arith.constant 2 : i32
    %dma_wait3A_126 = arith.constant 0 : i32
    %dma_wait3A_127 = tpu.memref_slice %arg5[%dma_wait3A_125, %dma_wait3A_126] : memref<3x1280xi32, #tpu.memory_space<vmem>> -> memref<1x1280xi32, #tpu.memory_space<vmem>>
    %dma_wait3A_128 = tpu.memref_squeeze %dma_wait3A_127 : memref<1x1280xi32, #tpu.memory_space<vmem>> -> memref<1280xi32, #tpu.memory_space<vmem>>
    %dma_wait3A_129 = tpu.memref_slice %arg2[%add3A_43] : memref<819200xi32, #tpu.memory_space<hbm>> -> memref<1280xi32, #tpu.memory_space<hbm>>
    %dma_wait3A_130 = arith.constant 0 : i32
    %dma_wait3A_131 = tpu.memref_slice %arg5[%dma_wait3A_125, %dma_wait3A_130] : memref<3x1280xi32, #tpu.memory_space<vmem>> -> memref<1x1280xi32, #tpu.memory_space<vmem>>
    %dma_wait3A_132 = tpu.memref_squeeze %dma_wait3A_131 : memref<1x1280xi32, #tpu.memory_space<vmem>> -> memref<1280xi32, #tpu.memory_space<vmem>>
    %dma_wait3A_133 = tpu.memref_slice %arg2[%add3A_43] : memref<819200xi32, #tpu.memory_space<hbm>> -> memref<1280xi32, #tpu.memory_space<hbm>>
    tpu.wait_dma2 semaphore(%arg9 : memref<!tpu.dma_semaphore, #tpu.memory_space<semaphore_mem>>) src(%dma_wait3A_133 : memref<1280xi32, #tpu.memory_space<hbm>>) dst(%dma_wait3A_132 : memref<1280xi32, #tpu.memory_space<vmem>>)
    %dma_start3A_134 = arith.constant 2 : i32
    %dma_start3A_135 = arith.constant 2 : i32
    %dma_start3A_136 = arith.constant 0 : i32
    %dma_start3A_137 = arith.constant 0 : i32
    %dma_start3A_138 = tpu.memref_slice %arg6[%dma_start3A_135, %dma_start3A_136, %dma_start3A_137] : memref<3x1280x32xf32, #tpu.memory_space<vmem>> -> memref<1x1280x32xf32, #tpu.memory_space<vmem>>
    %dma_start3A_139 = tpu.memref_squeeze %dma_start3A_138 : memref<1x1280x32xf32, #tpu.memory_space<vmem>> -> memref<1280x32xf32, #tpu.memory_space<vmem>>
    %dma_start3A_140 = arith.constant 0 : i32
    %dma_start3A_141 = tpu.memref_slice %arg5[%dma_start3A_134, %dma_start3A_140] : memref<3x1280xi32, #tpu.memory_space<vmem>> -> memref<1x1280xi32, #tpu.memory_space<vmem>>
    %dma_start3A_142 = tpu.memref_squeeze %dma_start3A_141 : memref<1x1280xi32, #tpu.memory_space<vmem>> -> memref<1280xi32, #tpu.memory_space<vmem>>
    %dma_start3A_143 = arith.constant 0 : i32
    %dma_start3A_144 = arith.constant 0 : i32
    %dma_start3A_145 = tpu.memref_slice %arg3[%dma_start3A_143, %dma_start3A_144] : memref<1000000x32xf32, #tpu.memory_space<hbm>> -> memref<1000000x32xf32, #tpu.memory_space<hbm>>
    tpu.enqueue_indirect_dma source(%dma_start3A_145 : memref<1000000x32xf32, #tpu.memory_space<hbm>>) target(%dma_start3A_139 : memref<1280x32xf32, #tpu.memory_space<vmem>>) offsets(%dma_start3A_142 : memref<1280xi32, #tpu.memory_space<vmem>>) semaphore(%arg12 : memref<!tpu.dma_semaphore, #tpu.memory_space<semaphore_mem>>)
    %dma_wait3A_146 = arith.constant 1 : i32
    %dma_wait3A_147 = arith.constant 1 : i32
    %dma_wait3A_148 = arith.constant 0 : i32
    %dma_wait3A_149 = arith.constant 0 : i32
    %dma_wait3A_150 = tpu.memref_slice %arg6[%dma_wait3A_147, %dma_wait3A_148, %dma_wait3A_149] : memref<3x1280x32xf32, #tpu.memory_space<vmem>> -> memref<1x1280x32xf32, #tpu.memory_space<vmem>>
    %dma_wait3A_151 = tpu.memref_squeeze %dma_wait3A_150 : memref<1x1280x32xf32, #tpu.memory_space<vmem>> -> memref<1280x32xf32, #tpu.memory_space<vmem>>
    %dma_wait3A_152 = arith.constant 0 : i32
    %dma_wait3A_153 = tpu.memref_slice %arg5[%dma_wait3A_146, %dma_wait3A_152] : memref<3x1280xi32, #tpu.memory_space<vmem>> -> memref<1x1280xi32, #tpu.memory_space<vmem>>
    %dma_wait3A_154 = tpu.memref_squeeze %dma_wait3A_153 : memref<1x1280xi32, #tpu.memory_space<vmem>> -> memref<1280xi32, #tpu.memory_space<vmem>>
    %dma_wait3A_155 = arith.constant 0 : i32
    %dma_wait3A_156 = arith.constant 0 : i32
    %dma_wait3A_157 = tpu.memref_slice %arg3[%dma_wait3A_155, %dma_wait3A_156] : memref<1000000x32xf32, #tpu.memory_space<hbm>> -> memref<1000000x32xf32, #tpu.memory_space<hbm>>
    tpu.wait_indirect_dma semaphore(%arg11 : memref<!tpu.dma_semaphore, #tpu.memory_space<semaphore_mem>>) src(%dma_wait3A_157 : memref<1000000x32xf32, #tpu.memory_space<hbm>>) dst(%dma_wait3A_151 : memref<1280x32xf32, #tpu.memory_space<vmem>>)
    %add3A_158 = arith.constant 1280 : i32
    %add3A_159 = arith.addi %mul3A_2, %add3A_158 : i32
    %dma_start3A_160 = arith.constant 1 : i32
    %dma_start3A_161 = arith.constant 0 : i32
    %dma_start3A_162 = arith.constant 0 : i32
    %dma_start3A_163 = tpu.memref_slice %arg6[%dma_start3A_160, %dma_start3A_161, %dma_start3A_162] : memref<3x1280x32xf32, #tpu.memory_space<vmem>> -> memref<1x1280x32xf32, #tpu.memory_space<vmem>>
    %dma_start3A_164 = tpu.memref_squeeze %dma_start3A_163 : memref<1x1280x32xf32, #tpu.memory_space<vmem>> -> memref<1280x32xf32, #tpu.memory_space<vmem>>
    %dma_start3A_165 = arith.constant 0 : i32
    %dma_start3A_166 = tpu.memref_slice %arg4[%add3A_159, %dma_start3A_165] : memref<819200x32xf32, #tpu.memory_space<hbm>> -> memref<1280x32xf32, #tpu.memory_space<hbm>>
    %dma_start3A_167 = arith.constant 0 : i32
    %dma_start3A_168 = tpu.memref_slice %arg4[%add3A_159, %dma_start3A_167] : memref<819200x32xf32, #tpu.memory_space<hbm>> -> memref<1280x32xf32, #tpu.memory_space<hbm>>
    %dma_start3A_169 = arith.constant 0 : i32
    %dma_start3A_170 = arith.constant 0 : i32
    %dma_start3A_171 = tpu.memref_slice %arg6[%dma_start3A_160, %dma_start3A_169, %dma_start3A_170] : memref<3x1280x32xf32, #tpu.memory_space<vmem>> -> memref<1x1280x32xf32, #tpu.memory_space<vmem>>
    %dma_start3A_172 = tpu.memref_squeeze %dma_start3A_171 : memref<1x1280x32xf32, #tpu.memory_space<vmem>> -> memref<1280x32xf32, #tpu.memory_space<vmem>>
    tpu.enqueue_dma source(%dma_start3A_172 : memref<1280x32xf32, #tpu.memory_space<vmem>>) target(%dma_start3A_168 : memref<1280x32xf32, #tpu.memory_space<hbm>>) target_semaphore(%arg14 : memref<!tpu.dma_semaphore, #tpu.memory_space<semaphore_mem>>)
    %dma_wait3A_173 = arith.constant 1 : i32
    %dma_wait3A_174 = arith.constant 0 : i32
    %dma_wait3A_175 = arith.constant 0 : i32
    %dma_wait3A_176 = tpu.memref_slice %arg6[%dma_wait3A_173, %dma_wait3A_174, %dma_wait3A_175] : memref<3x1280x32xf32, #tpu.memory_space<vmem>> -> memref<1x1280x32xf32, #tpu.memory_space<vmem>>
    %dma_wait3A_177 = tpu.memref_squeeze %dma_wait3A_176 : memref<1x1280x32xf32, #tpu.memory_space<vmem>> -> memref<1280x32xf32, #tpu.memory_space<vmem>>
    %dma_wait3A_178 = arith.constant 0 : i32
    %dma_wait3A_179 = tpu.memref_slice %arg4[%add3A_159, %dma_wait3A_178] : memref<819200x32xf32, #tpu.memory_space<hbm>> -> memref<1280x32xf32, #tpu.memory_space<hbm>>
    %dma_wait3A_180 = arith.constant 0 : i32
    %dma_wait3A_181 = tpu.memref_slice %arg4[%add3A_159, %dma_wait3A_180] : memref<819200x32xf32, #tpu.memory_space<hbm>> -> memref<1280x32xf32, #tpu.memory_space<hbm>>
    %dma_wait3A_182 = arith.constant 0 : i32
    %dma_wait3A_183 = arith.constant 0 : i32
    %dma_wait3A_184 = tpu.memref_slice %arg6[%dma_wait3A_173, %dma_wait3A_182, %dma_wait3A_183] : memref<3x1280x32xf32, #tpu.memory_space<vmem>> -> memref<1x1280x32xf32, #tpu.memory_space<vmem>>
    %dma_wait3A_185 = tpu.memref_squeeze %dma_wait3A_184 : memref<1x1280x32xf32, #tpu.memory_space<vmem>> -> memref<1280x32xf32, #tpu.memory_space<vmem>>
    tpu.wait_dma2 semaphore(%arg14 : memref<!tpu.dma_semaphore, #tpu.memory_space<semaphore_mem>>) src(%dma_wait3A_185 : memref<1280x32xf32, #tpu.memory_space<vmem>>) dst(%dma_wait3A_181 : memref<1280x32xf32, #tpu.memory_space<hbm>>)
    %add3A_186 = arith.constant 5120 : i32
    %add3A_187 = arith.addi %mul3A_2, %add3A_186 : i32
    %dma_start3A_188 = arith.constant 1 : i32
    %dma_start3A_189 = arith.constant 0 : i32
    %dma_start3A_190 = tpu.memref_slice %arg5[%dma_start3A_188, %dma_start3A_189] : memref<3x1280xi32, #tpu.memory_space<vmem>> -> memref<1x1280xi32, #tpu.memory_space<vmem>>
    %dma_start3A_191 = tpu.memref_squeeze %dma_start3A_190 : memref<1x1280xi32, #tpu.memory_space<vmem>> -> memref<1280xi32, #tpu.memory_space<vmem>>
    %dma_start3A_192 = tpu.memref_slice %arg2[%add3A_187] : memref<819200xi32, #tpu.memory_space<hbm>> -> memref<1280xi32, #tpu.memory_space<hbm>>
    %dma_start3A_193 = arith.constant 0 : i32
    %dma_start3A_194 = tpu.memref_slice %arg5[%dma_start3A_188, %dma_start3A_193] : memref<3x1280xi32, #tpu.memory_space<vmem>> -> memref<1x1280xi32, #tpu.memory_space<vmem>>
    %dma_start3A_195 = tpu.memref_squeeze %dma_start3A_194 : memref<1x1280xi32, #tpu.memory_space<vmem>> -> memref<1280xi32, #tpu.memory_space<vmem>>
    %dma_start3A_196 = tpu.memref_slice %arg2[%add3A_187] : memref<819200xi32, #tpu.memory_space<hbm>> -> memref<1280xi32, #tpu.memory_space<hbm>>
    tpu.enqueue_dma source(%dma_start3A_196 : memref<1280xi32, #tpu.memory_space<hbm>>) target(%dma_start3A_195 : memref<1280xi32, #tpu.memory_space<vmem>>) target_semaphore(%arg8 : memref<!tpu.dma_semaphore, #tpu.memory_space<semaphore_mem>>)
    %dma_wait3A_197 = arith.constant 0 : i32
    %dma_wait3A_198 = arith.constant 0 : i32
    %dma_wait3A_199 = tpu.memref_slice %arg5[%dma_wait3A_197, %dma_wait3A_198] : memref<3x1280xi32, #tpu.memory_space<vmem>> -> memref<1x1280xi32, #tpu.memory_space<vmem>>
    %dma_wait3A_200 = tpu.memref_squeeze %dma_wait3A_199 : memref<1x1280xi32, #tpu.memory_space<vmem>> -> memref<1280xi32, #tpu.memory_space<vmem>>
    %dma_wait3A_201 = tpu.memref_slice %arg2[%add3A_115] : memref<819200xi32, #tpu.memory_space<hbm>> -> memref<1280xi32, #tpu.memory_space<hbm>>
    %dma_wait3A_202 = arith.constant 0 : i32
    %dma_wait3A_203 = tpu.memref_slice %arg5[%dma_wait3A_197, %dma_wait3A_202] : memref<3x1280xi32, #tpu.memory_space<vmem>> -> memref<1x1280xi32, #tpu.memory_space<vmem>>
    %dma_wait3A_204 = tpu.memref_squeeze %dma_wait3A_203 : memref<1x1280xi32, #tpu.memory_space<vmem>> -> memref<1280xi32, #tpu.memory_space<vmem>>
    %dma_wait3A_205 = tpu.memref_slice %arg2[%add3A_115] : memref<819200xi32, #tpu.memory_space<hbm>> -> memref<1280xi32, #tpu.memory_space<hbm>>
    tpu.wait_dma2 semaphore(%arg7 : memref<!tpu.dma_semaphore, #tpu.memory_space<semaphore_mem>>) src(%dma_wait3A_205 : memref<1280xi32, #tpu.memory_space<hbm>>) dst(%dma_wait3A_204 : memref<1280xi32, #tpu.memory_space<vmem>>)
    %dma_start3A_206 = arith.constant 0 : i32
    %dma_start3A_207 = arith.constant 0 : i32
    %dma_start3A_208 = arith.constant 0 : i32
    %dma_start3A_209 = arith.constant 0 : i32
    %dma_start3A_210 = tpu.memref_slice %arg6[%dma_start3A_207, %dma_start3A_208, %dma_start3A_209] : memref<3x1280x32xf32, #tpu.memory_space<vmem>> -> memref<1x1280x32xf32, #tpu.memory_space<vmem>>
    %dma_start3A_211 = tpu.memref_squeeze %dma_start3A_210 : memref<1x1280x32xf32, #tpu.memory_space<vmem>> -> memref<1280x32xf32, #tpu.memory_space<vmem>>
    %dma_start3A_212 = arith.constant 0 : i32
    %dma_start3A_213 = tpu.memref_slice %arg5[%dma_start3A_206, %dma_start3A_212] : memref<3x1280xi32, #tpu.memory_space<vmem>> -> memref<1x1280xi32, #tpu.memory_space<vmem>>
    %dma_start3A_214 = tpu.memref_squeeze %dma_start3A_213 : memref<1x1280xi32, #tpu.memory_space<vmem>> -> memref<1280xi32, #tpu.memory_space<vmem>>
    %dma_start3A_215 = arith.constant 0 : i32
    %dma_start3A_216 = arith.constant 0 : i32
    %dma_start3A_217 = tpu.memref_slice %arg3[%dma_start3A_215, %dma_start3A_216] : memref<1000000x32xf32, #tpu.memory_space<hbm>> -> memref<1000000x32xf32, #tpu.memory_space<hbm>>
    tpu.enqueue_indirect_dma source(%dma_start3A_217 : memref<1000000x32xf32, #tpu.memory_space<hbm>>) target(%dma_start3A_211 : memref<1280x32xf32, #tpu.memory_space<vmem>>) offsets(%dma_start3A_214 : memref<1280xi32, #tpu.memory_space<vmem>>) semaphore(%arg10 : memref<!tpu.dma_semaphore, #tpu.memory_space<semaphore_mem>>)
    %dma_wait3A_218 = arith.constant 2 : i32
    %dma_wait3A_219 = arith.constant 2 : i32
    %dma_wait3A_220 = arith.constant 0 : i32
    %dma_wait3A_221 = arith.constant 0 : i32
    %dma_wait3A_222 = tpu.memref_slice %arg6[%dma_wait3A_219, %dma_wait3A_220, %dma_wait3A_221] : memref<3x1280x32xf32, #tpu.memory_space<vmem>> -> memref<1x1280x32xf32, #tpu.memory_space<vmem>>
    %dma_wait3A_223 = tpu.memref_squeeze %dma_wait3A_222 : memref<1x1280x32xf32, #tpu.memory_space<vmem>> -> memref<1280x32xf32, #tpu.memory_space<vmem>>
    %dma_wait3A_224 = arith.constant 0 : i32
    %dma_wait3A_225 = tpu.memref_slice %arg5[%dma_wait3A_218, %dma_wait3A_224] : memref<3x1280xi32, #tpu.memory_space<vmem>> -> memref<1x1280xi32, #tpu.memory_space<vmem>>
    %dma_wait3A_226 = tpu.memref_squeeze %dma_wait3A_225 : memref<1x1280xi32, #tpu.memory_space<vmem>> -> memref<1280xi32, #tpu.memory_space<vmem>>
    %dma_wait3A_227 = arith.constant 0 : i32
    %dma_wait3A_228 = arith.constant 0 : i32
    %dma_wait3A_229 = tpu.memref_slice %arg3[%dma_wait3A_227, %dma_wait3A_228] : memref<1000000x32xf32, #tpu.memory_space<hbm>> -> memref<1000000x32xf32, #tpu.memory_space<hbm>>
    tpu.wait_indirect_dma semaphore(%arg12 : memref<!tpu.dma_semaphore, #tpu.memory_space<semaphore_mem>>) src(%dma_wait3A_229 : memref<1000000x32xf32, #tpu.memory_space<hbm>>) dst(%dma_wait3A_223 : memref<1280x32xf32, #tpu.memory_space<vmem>>)
    %add3A_230 = arith.constant 2560 : i32
    %add3A_231 = arith.addi %mul3A_2, %add3A_230 : i32
    %dma_start3A_232 = arith.constant 2 : i32
    %dma_start3A_233 = arith.constant 0 : i32
    %dma_start3A_234 = arith.constant 0 : i32
    %dma_start3A_235 = tpu.memref_slice %arg6[%dma_start3A_232, %dma_start3A_233, %dma_start3A_234] : memref<3x1280x32xf32, #tpu.memory_space<vmem>> -> memref<1x1280x32xf32, #tpu.memory_space<vmem>>
    %dma_start3A_236 = tpu.memref_squeeze %dma_start3A_235 : memref<1x1280x32xf32, #tpu.memory_space<vmem>> -> memref<1280x32xf32, #tpu.memory_space<vmem>>
    %dma_start3A_237 = arith.constant 0 : i32
    %dma_start3A_238 = tpu.memref_slice %arg4[%add3A_231, %dma_start3A_237] : memref<819200x32xf32, #tpu.memory_space<hbm>> -> memref<1280x32xf32, #tpu.memory_space<hbm>>
    %dma_start3A_239 = arith.constant 0 : i32
    %dma_start3A_240 = tpu.memref_slice %arg4[%add3A_231, %dma_start3A_239] : memref<819200x32xf32, #tpu.memory_space<hbm>> -> memref<1280x32xf32, #tpu.memory_space<hbm>>
    %dma_start3A_241 = arith.constant 0 : i32
    %dma_start3A_242 = arith.constant 0 : i32
    %dma_start3A_243 = tpu.memref_slice %arg6[%dma_start3A_232, %dma_start3A_241, %dma_start3A_242] : memref<3x1280x32xf32, #tpu.memory_space<vmem>> -> memref<1x1280x32xf32, #tpu.memory_space<vmem>>
    %dma_start3A_244 = tpu.memref_squeeze %dma_start3A_243 : memref<1x1280x32xf32, #tpu.memory_space<vmem>> -> memref<1280x32xf32, #tpu.memory_space<vmem>>
    tpu.enqueue_dma source(%dma_start3A_244 : memref<1280x32xf32, #tpu.memory_space<vmem>>) target(%dma_start3A_240 : memref<1280x32xf32, #tpu.memory_space<hbm>>) target_semaphore(%arg15 : memref<!tpu.dma_semaphore, #tpu.memory_space<semaphore_mem>>)
    %dma_wait3A_245 = arith.constant 2 : i32
    %dma_wait3A_246 = arith.constant 0 : i32
    %dma_wait3A_247 = arith.constant 0 : i32
    %dma_wait3A_248 = tpu.memref_slice %arg6[%dma_wait3A_245, %dma_wait3A_246, %dma_wait3A_247] : memref<3x1280x32xf32, #tpu.memory_space<vmem>> -> memref<1x1280x32xf32, #tpu.memory_space<vmem>>
    %dma_wait3A_249 = tpu.memref_squeeze %dma_wait3A_248 : memref<1x1280x32xf32, #tpu.memory_space<vmem>> -> memref<1280x32xf32, #tpu.memory_space<vmem>>
    %dma_wait3A_250 = arith.constant 0 : i32
    %dma_wait3A_251 = tpu.memref_slice %arg4[%add3A_231, %dma_wait3A_250] : memref<819200x32xf32, #tpu.memory_space<hbm>> -> memref<1280x32xf32, #tpu.memory_space<hbm>>
    %dma_wait3A_252 = arith.constant 0 : i32
    %dma_wait3A_253 = tpu.memref_slice %arg4[%add3A_231, %dma_wait3A_252] : memref<819200x32xf32, #tpu.memory_space<hbm>> -> memref<1280x32xf32, #tpu.memory_space<hbm>>
    %dma_wait3A_254 = arith.constant 0 : i32
    %dma_wait3A_255 = arith.constant 0 : i32
    %dma_wait3A_256 = tpu.memref_slice %arg6[%dma_wait3A_245, %dma_wait3A_254, %dma_wait3A_255] : memref<3x1280x32xf32, #tpu.memory_space<vmem>> -> memref<1x1280x32xf32, #tpu.memory_space<vmem>>
    %dma_wait3A_257 = tpu.memref_squeeze %dma_wait3A_256 : memref<1x1280x32xf32, #tpu.memory_space<vmem>> -> memref<1280x32xf32, #tpu.memory_space<vmem>>
    tpu.wait_dma2 semaphore(%arg15 : memref<!tpu.dma_semaphore, #tpu.memory_space<semaphore_mem>>) src(%dma_wait3A_257 : memref<1280x32xf32, #tpu.memory_space<vmem>>) dst(%dma_wait3A_253 : memref<1280x32xf32, #tpu.memory_space<hbm>>)
    %add3A_258 = arith.constant 6400 : i32
    %add3A_259 = arith.addi %mul3A_2, %add3A_258 : i32
    %dma_start3A_260 = arith.constant 2 : i32
    %dma_start3A_261 = arith.constant 0 : i32
    %dma_start3A_262 = tpu.memref_slice %arg5[%dma_start3A_260, %dma_start3A_261] : memref<3x1280xi32, #tpu.memory_space<vmem>> -> memref<1x1280xi32, #tpu.memory_space<vmem>>
    %dma_start3A_263 = tpu.memref_squeeze %dma_start3A_262 : memref<1x1280xi32, #tpu.memory_space<vmem>> -> memref<1280xi32, #tpu.memory_space<vmem>>
    %dma_start3A_264 = tpu.memref_slice %arg2[%add3A_259] : memref<819200xi32, #tpu.memory_space<hbm>> -> memref<1280xi32, #tpu.memory_space<hbm>>
    %dma_start3A_265 = arith.constant 0 : i32
    %dma_start3A_266 = tpu.memref_slice %arg5[%dma_start3A_260, %dma_start3A_265] : memref<3x1280xi32, #tpu.memory_space<vmem>> -> memref<1x1280xi32, #tpu.memory_space<vmem>>
    %dma_start3A_267 = tpu.memref_squeeze %dma_start3A_266 : memref<1x1280xi32, #tpu.memory_space<vmem>> -> memref<1280xi32, #tpu.memory_space<vmem>>
    %dma_start3A_268 = tpu.memref_slice %arg2[%add3A_259] : memref<819200xi32, #tpu.memory_space<hbm>> -> memref<1280xi32, #tpu.memory_space<hbm>>
    tpu.enqueue_dma source(%dma_start3A_268 : memref<1280xi32, #tpu.memory_space<hbm>>) target(%dma_start3A_267 : memref<1280xi32, #tpu.memory_space<vmem>>) target_semaphore(%arg9 : memref<!tpu.dma_semaphore, #tpu.memory_space<semaphore_mem>>)
    %dma_wait3A_269 = arith.constant 1 : i32
    %dma_wait3A_270 = arith.constant 0 : i32
    %dma_wait3A_271 = tpu.memref_slice %arg5[%dma_wait3A_269, %dma_wait3A_270] : memref<3x1280xi32, #tpu.memory_space<vmem>> -> memref<1x1280xi32, #tpu.memory_space<vmem>>
    %dma_wait3A_272 = tpu.memref_squeeze %dma_wait3A_271 : memref<1x1280xi32, #tpu.memory_space<vmem>> -> memref<1280xi32, #tpu.memory_space<vmem>>
    %dma_wait3A_273 = tpu.memref_slice %arg2[%add3A_187] : memref<819200xi32, #tpu.memory_space<hbm>> -> memref<1280xi32, #tpu.memory_space<hbm>>
    %dma_wait3A_274 = arith.constant 0 : i32
    %dma_wait3A_275 = tpu.memref_slice %arg5[%dma_wait3A_269, %dma_wait3A_274] : memref<3x1280xi32, #tpu.memory_space<vmem>> -> memref<1x1280xi32, #tpu.memory_space<vmem>>
    %dma_wait3A_276 = tpu.memref_squeeze %dma_wait3A_275 : memref<1x1280xi32, #tpu.memory_space<vmem>> -> memref<1280xi32, #tpu.memory_space<vmem>>
    %dma_wait3A_277 = tpu.memref_slice %arg2[%add3A_187] : memref<819200xi32, #tpu.memory_space<hbm>> -> memref<1280xi32, #tpu.memory_space<hbm>>
    tpu.wait_dma2 semaphore(%arg8 : memref<!tpu.dma_semaphore, #tpu.memory_space<semaphore_mem>>) src(%dma_wait3A_277 : memref<1280xi32, #tpu.memory_space<hbm>>) dst(%dma_wait3A_276 : memref<1280xi32, #tpu.memory_space<vmem>>)
    %dma_start3A_278 = arith.constant 1 : i32
    %dma_start3A_279 = arith.constant 1 : i32
    %dma_start3A_280 = arith.constant 0 : i32
    %dma_start3A_281 = arith.constant 0 : i32
    %dma_start3A_282 = tpu.memref_slice %arg6[%dma_start3A_279, %dma_start3A_280, %dma_start3A_281] : memref<3x1280x32xf32, #tpu.memory_space<vmem>> -> memref<1x1280x32xf32, #tpu.memory_space<vmem>>
    %dma_start3A_283 = tpu.memref_squeeze %dma_start3A_282 : memref<1x1280x32xf32, #tpu.memory_space<vmem>> -> memref<1280x32xf32, #tpu.memory_space<vmem>>
    %dma_start3A_284 = arith.constant 0 : i32
    %dma_start3A_285 = tpu.memref_slice %arg5[%dma_start3A_278, %dma_start3A_284] : memref<3x1280xi32, #tpu.memory_space<vmem>> -> memref<1x1280xi32, #tpu.memory_space<vmem>>
    %dma_start3A_286 = tpu.memref_squeeze %dma_start3A_285 : memref<1x1280xi32, #tpu.memory_space<vmem>> -> memref<1280xi32, #tpu.memory_space<vmem>>
    %dma_start3A_287 = arith.constant 0 : i32
    %dma_start3A_288 = arith.constant 0 : i32
    %dma_start3A_289 = tpu.memref_slice %arg3[%dma_start3A_287, %dma_start3A_288] : memref<1000000x32xf32, #tpu.memory_space<hbm>> -> memref<1000000x32xf32, #tpu.memory_space<hbm>>
    tpu.enqueue_indirect_dma source(%dma_start3A_289 : memref<1000000x32xf32, #tpu.memory_space<hbm>>) target(%dma_start3A_283 : memref<1280x32xf32, #tpu.memory_space<vmem>>) offsets(%dma_start3A_286 : memref<1280xi32, #tpu.memory_space<vmem>>) semaphore(%arg11 : memref<!tpu.dma_semaphore, #tpu.memory_space<semaphore_mem>>)
    %dma_wait3A_290 = arith.constant 0 : i32
    %dma_wait3A_291 = arith.constant 0 : i32
    %dma_wait3A_292 = arith.constant 0 : i32
    %dma_wait3A_293 = arith.constant 0 : i32
    %dma_wait3A_294 = tpu.memref_slice %arg6[%dma_wait3A_291, %dma_wait3A_292, %dma_wait3A_293] : memref<3x1280x32xf32, #tpu.memory_space<vmem>> -> memref<1x1280x32xf32, #tpu.memory_space<vmem>>
    %dma_wait3A_295 = tpu.memref_squeeze %dma_wait3A_294 : memref<1x1280x32xf32, #tpu.memory_space<vmem>> -> memref<1280x32xf32, #tpu.memory_space<vmem>>
    %dma_wait3A_296 = arith.constant 0 : i32
    %dma_wait3A_297 = tpu.memref_slice %arg5[%dma_wait3A_290, %dma_wait3A_296] : memref<3x1280xi32, #tpu.memory_space<vmem>> -> memref<1x1280xi32, #tpu.memory_space<vmem>>
    %dma_wait3A_298 = tpu.memref_squeeze %dma_wait3A_297 : memref<1x1280xi32, #tpu.memory_space<vmem>> -> memref<1280xi32, #tpu.memory_space<vmem>>
    %dma_wait3A_299 = arith.constant 0 : i32
    %dma_wait3A_300 = arith.constant 0 : i32
    %dma_wait3A_301 = tpu.memref_slice %arg3[%dma_wait3A_299, %dma_wait3A_300] : memref<1000000x32xf32, #tpu.memory_space<hbm>> -> memref<1000000x32xf32, #tpu.memory_space<hbm>>
    tpu.wait_indirect_dma semaphore(%arg10 : memref<!tpu.dma_semaphore, #tpu.memory_space<semaphore_mem>>) src(%dma_wait3A_301 : memref<1000000x32xf32, #tpu.memory_space<hbm>>) dst(%dma_wait3A_295 : memref<1280x32xf32, #tpu.memory_space<vmem>>)
    %add3A_302 = arith.constant 3840 : i32
    %add3A_303 = arith.addi %mul3A_2, %add3A_302 : i32
    %dma_start3A_304 = arith.constant 0 : i32
    %dma_start3A_305 = arith.constant 0 : i32
    %dma_start3A_306 = arith.constant 0 : i32
    %dma_start3A_307 = tpu.memref_slice %arg6[%dma_start3A_304, %dma_start3A_305, %dma_start3A_306] : memref<3x1280x32xf32, #tpu.memory_space<vmem>> -> memref<1x1280x32xf32, #tpu.memory_space<vmem>>
    %dma_start3A_308 = tpu.memref_squeeze %dma_start3A_307 : memref<1x1280x32xf32, #tpu.memory_space<vmem>> -> memref<1280x32xf32, #tpu.memory_space<vmem>>
    %dma_start3A_309 = arith.constant 0 : i32
    %dma_start3A_310 = tpu.memref_slice %arg4[%add3A_303, %dma_start3A_309] : memref<819200x32xf32, #tpu.memory_space<hbm>> -> memref<1280x32xf32, #tpu.memory_space<hbm>>
    %dma_start3A_311 = arith.constant 0 : i32
    %dma_start3A_312 = tpu.memref_slice %arg4[%add3A_303, %dma_start3A_311] : memref<819200x32xf32, #tpu.memory_space<hbm>> -> memref<1280x32xf32, #tpu.memory_space<hbm>>
    %dma_start3A_313 = arith.constant 0 : i32
    %dma_start3A_314 = arith.constant 0 : i32
    %dma_start3A_315 = tpu.memref_slice %arg6[%dma_start3A_304, %dma_start3A_313, %dma_start3A_314] : memref<3x1280x32xf32, #tpu.memory_space<vmem>> -> memref<1x1280x32xf32, #tpu.memory_space<vmem>>
    %dma_start3A_316 = tpu.memref_squeeze %dma_start3A_315 : memref<1x1280x32xf32, #tpu.memory_space<vmem>> -> memref<1280x32xf32, #tpu.memory_space<vmem>>
    tpu.enqueue_dma source(%dma_start3A_316 : memref<1280x32xf32, #tpu.memory_space<vmem>>) target(%dma_start3A_312 : memref<1280x32xf32, #tpu.memory_space<hbm>>) target_semaphore(%arg13 : memref<!tpu.dma_semaphore, #tpu.memory_space<semaphore_mem>>)
    %dma_wait3A_317 = arith.constant 0 : i32
    %dma_wait3A_318 = arith.constant 0 : i32
    %dma_wait3A_319 = arith.constant 0 : i32
    %dma_wait3A_320 = tpu.memref_slice %arg6[%dma_wait3A_317, %dma_wait3A_318, %dma_wait3A_319] : memref<3x1280x32xf32, #tpu.memory_space<vmem>> -> memref<1x1280x32xf32, #tpu.memory_space<vmem>>
    %dma_wait3A_321 = tpu.memref_squeeze %dma_wait3A_320 : memref<1x1280x32xf32, #tpu.memory_space<vmem>> -> memref<1280x32xf32, #tpu.memory_space<vmem>>
    %dma_wait3A_322 = arith.constant 0 : i32
    %dma_wait3A_323 = tpu.memref_slice %arg4[%add3A_303, %dma_wait3A_322] : memref<819200x32xf32, #tpu.memory_space<hbm>> -> memref<1280x32xf32, #tpu.memory_space<hbm>>
    %dma_wait3A_324 = arith.constant 0 : i32
    %dma_wait3A_325 = tpu.memref_slice %arg4[%add3A_303, %dma_wait3A_324] : memref<819200x32xf32, #tpu.memory_space<hbm>> -> memref<1280x32xf32, #tpu.memory_space<hbm>>
    %dma_wait3A_326 = arith.constant 0 : i32
    %dma_wait3A_327 = arith.constant 0 : i32
    %dma_wait3A_328 = tpu.memref_slice %arg6[%dma_wait3A_317, %dma_wait3A_326, %dma_wait3A_327] : memref<3x1280x32xf32, #tpu.memory_space<vmem>> -> memref<1x1280x32xf32, #tpu.memory_space<vmem>>
    %dma_wait3A_329 = tpu.memref_squeeze %dma_wait3A_328 : memref<1x1280x32xf32, #tpu.memory_space<vmem>> -> memref<1280x32xf32, #tpu.memory_space<vmem>>
    tpu.wait_dma2 semaphore(%arg13 : memref<!tpu.dma_semaphore, #tpu.memory_space<semaphore_mem>>) src(%dma_wait3A_329 : memref<1280x32xf32, #tpu.memory_space<vmem>>) dst(%dma_wait3A_325 : memref<1280x32xf32, #tpu.memory_space<hbm>>)
    %add3A_330 = arith.constant 7680 : i32
    %add3A_331 = arith.addi %mul3A_2, %add3A_330 : i32
    %dma_start3A_332 = arith.constant 0 : i32
    %dma_start3A_333 = arith.constant 0 : i32
    %dma_start3A_334 = tpu.memref_slice %arg5[%dma_start3A_332, %dma_start3A_333] : memref<3x1280xi32, #tpu.memory_space<vmem>> -> memref<1x1280xi32, #tpu.memory_space<vmem>>
    %dma_start3A_335 = tpu.memref_squeeze %dma_start3A_334 : memref<1x1280xi32, #tpu.memory_space<vmem>> -> memref<1280xi32, #tpu.memory_space<vmem>>
    %dma_start3A_336 = tpu.memref_slice %arg2[%add3A_331] : memref<819200xi32, #tpu.memory_space<hbm>> -> memref<1280xi32, #tpu.memory_space<hbm>>
    %dma_start3A_337 = arith.constant 0 : i32
    %dma_start3A_338 = tpu.memref_slice %arg5[%dma_start3A_332, %dma_start3A_337] : memref<3x1280xi32, #tpu.memory_space<vmem>> -> memref<1x1280xi32, #tpu.memory_space<vmem>>
    %dma_start3A_339 = tpu.memref_squeeze %dma_start3A_338 : memref<1x1280xi32, #tpu.memory_space<vmem>> -> memref<1280xi32, #tpu.memory_space<vmem>>
    %dma_start3A_340 = tpu.memref_slice %arg2[%add3A_331] : memref<819200xi32, #tpu.memory_space<hbm>> -> memref<1280xi32, #tpu.memory_space<hbm>>
    tpu.enqueue_dma source(%dma_start3A_340 : memref<1280xi32, #tpu.memory_space<hbm>>) target(%dma_start3A_339 : memref<1280xi32, #tpu.memory_space<vmem>>) target_semaphore(%arg7 : memref<!tpu.dma_semaphore, #tpu.memory_space<semaphore_mem>>)
    %dma_wait3A_341 = arith.constant 2 : i32
    %dma_wait3A_342 = arith.constant 0 : i32
    %dma_wait3A_343 = tpu.memref_slice %arg5[%dma_wait3A_341, %dma_wait3A_342] : memref<3x1280xi32, #tpu.memory_space<vmem>> -> memref<1x1280xi32, #tpu.memory_space<vmem>>
    %dma_wait3A_344 = tpu.memref_squeeze %dma_wait3A_343 : memref<1x1280xi32, #tpu.memory_space<vmem>> -> memref<1280xi32, #tpu.memory_space<vmem>>
    %dma_wait3A_345 = tpu.memref_slice %arg2[%add3A_259] : memref<819200xi32, #tpu.memory_space<hbm>> -> memref<1280xi32, #tpu.memory_space<hbm>>
    %dma_wait3A_346 = arith.constant 0 : i32
    %dma_wait3A_347 = tpu.memref_slice %arg5[%dma_wait3A_341, %dma_wait3A_346] : memref<3x1280xi32, #tpu.memory_space<vmem>> -> memref<1x1280xi32, #tpu.memory_space<vmem>>
    %dma_wait3A_348 = tpu.memref_squeeze %dma_wait3A_347 : memref<1x1280xi32, #tpu.memory_space<vmem>> -> memref<1280xi32, #tpu.memory_space<vmem>>
    %dma_wait3A_349 = tpu.memref_slice %arg2[%add3A_259] : memref<819200xi32, #tpu.memory_space<hbm>> -> memref<1280xi32, #tpu.memory_space<hbm>>
    tpu.wait_dma2 semaphore(%arg9 : memref<!tpu.dma_semaphore, #tpu.memory_space<semaphore_mem>>) src(%dma_wait3A_349 : memref<1280xi32, #tpu.memory_space<hbm>>) dst(%dma_wait3A_348 : memref<1280xi32, #tpu.memory_space<vmem>>)
    %dma_start3A_350 = arith.constant 2 : i32
    %dma_start3A_351 = arith.constant 2 : i32
    %dma_start3A_352 = arith.constant 0 : i32
    %dma_start3A_353 = arith.constant 0 : i32
    %dma_start3A_354 = tpu.memref_slice %arg6[%dma_start3A_351, %dma_start3A_352, %dma_start3A_353] : memref<3x1280x32xf32, #tpu.memory_space<vmem>> -> memref<1x1280x32xf32, #tpu.memory_space<vmem>>
    %dma_start3A_355 = tpu.memref_squeeze %dma_start3A_354 : memref<1x1280x32xf32, #tpu.memory_space<vmem>> -> memref<1280x32xf32, #tpu.memory_space<vmem>>
    %dma_start3A_356 = arith.constant 0 : i32
    %dma_start3A_357 = tpu.memref_slice %arg5[%dma_start3A_350, %dma_start3A_356] : memref<3x1280xi32, #tpu.memory_space<vmem>> -> memref<1x1280xi32, #tpu.memory_space<vmem>>
    %dma_start3A_358 = tpu.memref_squeeze %dma_start3A_357 : memref<1x1280xi32, #tpu.memory_space<vmem>> -> memref<1280xi32, #tpu.memory_space<vmem>>
    %dma_start3A_359 = arith.constant 0 : i32
    %dma_start3A_360 = arith.constant 0 : i32
    %dma_start3A_361 = tpu.memref_slice %arg3[%dma_start3A_359, %dma_start3A_360] : memref<1000000x32xf32, #tpu.memory_space<hbm>> -> memref<1000000x32xf32, #tpu.memory_space<hbm>>
    tpu.enqueue_indirect_dma source(%dma_start3A_361 : memref<1000000x32xf32, #tpu.memory_space<hbm>>) target(%dma_start3A_355 : memref<1280x32xf32, #tpu.memory_space<vmem>>) offsets(%dma_start3A_358 : memref<1280xi32, #tpu.memory_space<vmem>>) semaphore(%arg12 : memref<!tpu.dma_semaphore, #tpu.memory_space<semaphore_mem>>)
    %dma_wait3A_362 = arith.constant 1 : i32
    %dma_wait3A_363 = arith.constant 1 : i32
    %dma_wait3A_364 = arith.constant 0 : i32
    %dma_wait3A_365 = arith.constant 0 : i32
    %dma_wait3A_366 = tpu.memref_slice %arg6[%dma_wait3A_363, %dma_wait3A_364, %dma_wait3A_365] : memref<3x1280x32xf32, #tpu.memory_space<vmem>> -> memref<1x1280x32xf32, #tpu.memory_space<vmem>>
    %dma_wait3A_367 = tpu.memref_squeeze %dma_wait3A_366 : memref<1x1280x32xf32, #tpu.memory_space<vmem>> -> memref<1280x32xf32, #tpu.memory_space<vmem>>
    %dma_wait3A_368 = arith.constant 0 : i32
    %dma_wait3A_369 = tpu.memref_slice %arg5[%dma_wait3A_362, %dma_wait3A_368] : memref<3x1280xi32, #tpu.memory_space<vmem>> -> memref<1x1280xi32, #tpu.memory_space<vmem>>
    %dma_wait3A_370 = tpu.memref_squeeze %dma_wait3A_369 : memref<1x1280xi32, #tpu.memory_space<vmem>> -> memref<1280xi32, #tpu.memory_space<vmem>>
    %dma_wait3A_371 = arith.constant 0 : i32
    %dma_wait3A_372 = arith.constant 0 : i32
    %dma_wait3A_373 = tpu.memref_slice %arg3[%dma_wait3A_371, %dma_wait3A_372] : memref<1000000x32xf32, #tpu.memory_space<hbm>> -> memref<1000000x32xf32, #tpu.memory_space<hbm>>
    tpu.wait_indirect_dma semaphore(%arg11 : memref<!tpu.dma_semaphore, #tpu.memory_space<semaphore_mem>>) src(%dma_wait3A_373 : memref<1000000x32xf32, #tpu.memory_space<hbm>>) dst(%dma_wait3A_367 : memref<1280x32xf32, #tpu.memory_space<vmem>>)
    %add3A_374 = arith.constant 5120 : i32
    %add3A_375 = arith.addi %mul3A_2, %add3A_374 : i32
    %dma_start3A_376 = arith.constant 1 : i32
    %dma_start3A_377 = arith.constant 0 : i32
    %dma_start3A_378 = arith.constant 0 : i32
    %dma_start3A_379 = tpu.memref_slice %arg6[%dma_start3A_376, %dma_start3A_377, %dma_start3A_378] : memref<3x1280x32xf32, #tpu.memory_space<vmem>> -> memref<1x1280x32xf32, #tpu.memory_space<vmem>>
    %dma_start3A_380 = tpu.memref_squeeze %dma_start3A_379 : memref<1x1280x32xf32, #tpu.memory_space<vmem>> -> memref<1280x32xf32, #tpu.memory_space<vmem>>
    %dma_start3A_381 = arith.constant 0 : i32
    %dma_start3A_382 = tpu.memref_slice %arg4[%add3A_375, %dma_start3A_381] : memref<819200x32xf32, #tpu.memory_space<hbm>> -> memref<1280x32xf32, #tpu.memory_space<hbm>>
    %dma_start3A_383 = arith.constant 0 : i32
    %dma_start3A_384 = tpu.memref_slice %arg4[%add3A_375, %dma_start3A_383] : memref<819200x32xf32, #tpu.memory_space<hbm>> -> memref<1280x32xf32, #tpu.memory_space<hbm>>
    %dma_start3A_385 = arith.constant 0 : i32
    %dma_start3A_386 = arith.constant 0 : i32
    %dma_start3A_387 = tpu.memref_slice %arg6[%dma_start3A_376, %dma_start3A_385, %dma_start3A_386] : memref<3x1280x32xf32, #tpu.memory_space<vmem>> -> memref<1x1280x32xf32, #tpu.memory_space<vmem>>
    %dma_start3A_388 = tpu.memref_squeeze %dma_start3A_387 : memref<1x1280x32xf32, #tpu.memory_space<vmem>> -> memref<1280x32xf32, #tpu.memory_space<vmem>>
    tpu.enqueue_dma source(%dma_start3A_388 : memref<1280x32xf32, #tpu.memory_space<vmem>>) target(%dma_start3A_384 : memref<1280x32xf32, #tpu.memory_space<hbm>>) target_semaphore(%arg14 : memref<!tpu.dma_semaphore, #tpu.memory_space<semaphore_mem>>)
    %dma_wait3A_389 = arith.constant 1 : i32
    %dma_wait3A_390 = arith.constant 0 : i32
    %dma_wait3A_391 = arith.constant 0 : i32
    %dma_wait3A_392 = tpu.memref_slice %arg6[%dma_wait3A_389, %dma_wait3A_390, %dma_wait3A_391] : memref<3x1280x32xf32, #tpu.memory_space<vmem>> -> memref<1x1280x32xf32, #tpu.memory_space<vmem>>
    %dma_wait3A_393 = tpu.memref_squeeze %dma_wait3A_392 : memref<1x1280x32xf32, #tpu.memory_space<vmem>> -> memref<1280x32xf32, #tpu.memory_space<vmem>>
    %dma_wait3A_394 = arith.constant 0 : i32
    %dma_wait3A_395 = tpu.memref_slice %arg4[%add3A_375, %dma_wait3A_394] : memref<819200x32xf32, #tpu.memory_space<hbm>> -> memref<1280x32xf32, #tpu.memory_space<hbm>>
    %dma_wait3A_396 = arith.constant 0 : i32
    %dma_wait3A_397 = tpu.memref_slice %arg4[%add3A_375, %dma_wait3A_396] : memref<819200x32xf32, #tpu.memory_space<hbm>> -> memref<1280x32xf32, #tpu.memory_space<hbm>>
    %dma_wait3A_398 = arith.constant 0 : i32
    %dma_wait3A_399 = arith.constant 0 : i32
    %dma_wait3A_400 = tpu.memref_slice %arg6[%dma_wait3A_389, %dma_wait3A_398, %dma_wait3A_399] : memref<3x1280x32xf32, #tpu.memory_space<vmem>> -> memref<1x1280x32xf32, #tpu.memory_space<vmem>>
    %dma_wait3A_401 = tpu.memref_squeeze %dma_wait3A_400 : memref<1x1280x32xf32, #tpu.memory_space<vmem>> -> memref<1280x32xf32, #tpu.memory_space<vmem>>
    tpu.wait_dma2 semaphore(%arg14 : memref<!tpu.dma_semaphore, #tpu.memory_space<semaphore_mem>>) src(%dma_wait3A_401 : memref<1280x32xf32, #tpu.memory_space<vmem>>) dst(%dma_wait3A_397 : memref<1280x32xf32, #tpu.memory_space<hbm>>)
    %add3A_402 = arith.constant 8960 : i32
    %add3A_403 = arith.addi %mul3A_2, %add3A_402 : i32
    %dma_start3A_404 = arith.constant 1 : i32
    %dma_start3A_405 = arith.constant 0 : i32
    %dma_start3A_406 = tpu.memref_slice %arg5[%dma_start3A_404, %dma_start3A_405] : memref<3x1280xi32, #tpu.memory_space<vmem>> -> memref<1x1280xi32, #tpu.memory_space<vmem>>
    %dma_start3A_407 = tpu.memref_squeeze %dma_start3A_406 : memref<1x1280xi32, #tpu.memory_space<vmem>> -> memref<1280xi32, #tpu.memory_space<vmem>>
    %dma_start3A_408 = tpu.memref_slice %arg2[%add3A_403] : memref<819200xi32, #tpu.memory_space<hbm>> -> memref<1280xi32, #tpu.memory_space<hbm>>
    %dma_start3A_409 = arith.constant 0 : i32
    %dma_start3A_410 = tpu.memref_slice %arg5[%dma_start3A_404, %dma_start3A_409] : memref<3x1280xi32, #tpu.memory_space<vmem>> -> memref<1x1280xi32, #tpu.memory_space<vmem>>
    %dma_start3A_411 = tpu.memref_squeeze %dma_start3A_410 : memref<1x1280xi32, #tpu.memory_space<vmem>> -> memref<1280xi32, #tpu.memory_space<vmem>>
    %dma_start3A_412 = tpu.memref_slice %arg2[%add3A_403] : memref<819200xi32, #tpu.memory_space<hbm>> -> memref<1280xi32, #tpu.memory_space<hbm>>
    tpu.enqueue_dma source(%dma_start3A_412 : memref<1280xi32, #tpu.memory_space<hbm>>) target(%dma_start3A_411 : memref<1280xi32, #tpu.memory_space<vmem>>) target_semaphore(%arg8 : memref<!tpu.dma_semaphore, #tpu.memory_space<semaphore_mem>>)
    %dma_wait3A_413 = arith.constant 0 : i32
    %dma_wait3A_414 = arith.constant 0 : i32
    %dma_wait3A_415 = tpu.memref_slice %arg5[%dma_wait3A_413, %dma_wait3A_414] : memref<3x1280xi32, #tpu.memory_space<vmem>> -> memref<1x1280xi32, #tpu.memory_space<vmem>>
    %dma_wait3A_416 = tpu.memref_squeeze %dma_wait3A_415 : memref<1x1280xi32, #tpu.memory_space<vmem>> -> memref<1280xi32, #tpu.memory_space<vmem>>
    %dma_wait3A_417 = tpu.memref_slice %arg2[%add3A_331] : memref<819200xi32, #tpu.memory_space<hbm>> -> memref<1280xi32, #tpu.memory_space<hbm>>
    %dma_wait3A_418 = arith.constant 0 : i32
    %dma_wait3A_419 = tpu.memref_slice %arg5[%dma_wait3A_413, %dma_wait3A_418] : memref<3x1280xi32, #tpu.memory_space<vmem>> -> memref<1x1280xi32, #tpu.memory_space<vmem>>
    %dma_wait3A_420 = tpu.memref_squeeze %dma_wait3A_419 : memref<1x1280xi32, #tpu.memory_space<vmem>> -> memref<1280xi32, #tpu.memory_space<vmem>>
    %dma_wait3A_421 = tpu.memref_slice %arg2[%add3A_331] : memref<819200xi32, #tpu.memory_space<hbm>> -> memref<1280xi32, #tpu.memory_space<hbm>>
    tpu.wait_dma2 semaphore(%arg7 : memref<!tpu.dma_semaphore, #tpu.memory_space<semaphore_mem>>) src(%dma_wait3A_421 : memref<1280xi32, #tpu.memory_space<hbm>>) dst(%dma_wait3A_420 : memref<1280xi32, #tpu.memory_space<vmem>>)
    %dma_start3A_422 = arith.constant 0 : i32
    %dma_start3A_423 = arith.constant 0 : i32
    %dma_start3A_424 = arith.constant 0 : i32
    %dma_start3A_425 = arith.constant 0 : i32
    %dma_start3A_426 = tpu.memref_slice %arg6[%dma_start3A_423, %dma_start3A_424, %dma_start3A_425] : memref<3x1280x32xf32, #tpu.memory_space<vmem>> -> memref<1x1280x32xf32, #tpu.memory_space<vmem>>
    %dma_start3A_427 = tpu.memref_squeeze %dma_start3A_426 : memref<1x1280x32xf32, #tpu.memory_space<vmem>> -> memref<1280x32xf32, #tpu.memory_space<vmem>>
    %dma_start3A_428 = arith.constant 0 : i32
    %dma_start3A_429 = tpu.memref_slice %arg5[%dma_start3A_422, %dma_start3A_428] : memref<3x1280xi32, #tpu.memory_space<vmem>> -> memref<1x1280xi32, #tpu.memory_space<vmem>>
    %dma_start3A_430 = tpu.memref_squeeze %dma_start3A_429 : memref<1x1280xi32, #tpu.memory_space<vmem>> -> memref<1280xi32, #tpu.memory_space<vmem>>
    %dma_start3A_431 = arith.constant 0 : i32
    %dma_start3A_432 = arith.constant 0 : i32
    %dma_start3A_433 = tpu.memref_slice %arg3[%dma_start3A_431, %dma_start3A_432] : memref<1000000x32xf32, #tpu.memory_space<hbm>> -> memref<1000000x32xf32, #tpu.memory_space<hbm>>
    tpu.enqueue_indirect_dma source(%dma_start3A_433 : memref<1000000x32xf32, #tpu.memory_space<hbm>>) target(%dma_start3A_427 : memref<1280x32xf32, #tpu.memory_space<vmem>>) offsets(%dma_start3A_430 : memref<1280xi32, #tpu.memory_space<vmem>>) semaphore(%arg10 : memref<!tpu.dma_semaphore, #tpu.memory_space<semaphore_mem>>)
    %dma_wait3A_434 = arith.constant 2 : i32
    %dma_wait3A_435 = arith.constant 2 : i32
    %dma_wait3A_436 = arith.constant 0 : i32
    %dma_wait3A_437 = arith.constant 0 : i32
    %dma_wait3A_438 = tpu.memref_slice %arg6[%dma_wait3A_435, %dma_wait3A_436, %dma_wait3A_437] : memref<3x1280x32xf32, #tpu.memory_space<vmem>> -> memref<1x1280x32xf32, #tpu.memory_space<vmem>>
    %dma_wait3A_439 = tpu.memref_squeeze %dma_wait3A_438 : memref<1x1280x32xf32, #tpu.memory_space<vmem>> -> memref<1280x32xf32, #tpu.memory_space<vmem>>
    %dma_wait3A_440 = arith.constant 0 : i32
    %dma_wait3A_441 = tpu.memref_slice %arg5[%dma_wait3A_434, %dma_wait3A_440] : memref<3x1280xi32, #tpu.memory_space<vmem>> -> memref<1x1280xi32, #tpu.memory_space<vmem>>
    %dma_wait3A_442 = tpu.memref_squeeze %dma_wait3A_441 : memref<1x1280xi32, #tpu.memory_space<vmem>> -> memref<1280xi32, #tpu.memory_space<vmem>>
    %dma_wait3A_443 = arith.constant 0 : i32
    %dma_wait3A_444 = arith.constant 0 : i32
    %dma_wait3A_445 = tpu.memref_slice %arg3[%dma_wait3A_443, %dma_wait3A_444] : memref<1000000x32xf32, #tpu.memory_space<hbm>> -> memref<1000000x32xf32, #tpu.memory_space<hbm>>
    tpu.wait_indirect_dma semaphore(%arg12 : memref<!tpu.dma_semaphore, #tpu.memory_space<semaphore_mem>>) src(%dma_wait3A_445 : memref<1000000x32xf32, #tpu.memory_space<hbm>>) dst(%dma_wait3A_439 : memref<1280x32xf32, #tpu.memory_space<vmem>>)
    %add3A_446 = arith.constant 6400 : i32
    %add3A_447 = arith.addi %mul3A_2, %add3A_446 : i32
    %dma_start3A_448 = arith.constant 2 : i32
    %dma_start3A_449 = arith.constant 0 : i32
    %dma_start3A_450 = arith.constant 0 : i32
    %dma_start3A_451 = tpu.memref_slice %arg6[%dma_start3A_448, %dma_start3A_449, %dma_start3A_450] : memref<3x1280x32xf32, #tpu.memory_space<vmem>> -> memref<1x1280x32xf32, #tpu.memory_space<vmem>>
    %dma_start3A_452 = tpu.memref_squeeze %dma_start3A_451 : memref<1x1280x32xf32, #tpu.memory_space<vmem>> -> memref<1280x32xf32, #tpu.memory_space<vmem>>
    %dma_start3A_453 = arith.constant 0 : i32
    %dma_start3A_454 = tpu.memref_slice %arg4[%add3A_447, %dma_start3A_453] : memref<819200x32xf32, #tpu.memory_space<hbm>> -> memref<1280x32xf32, #tpu.memory_space<hbm>>
    %dma_start3A_455 = arith.constant 0 : i32
    %dma_start3A_456 = tpu.memref_slice %arg4[%add3A_447, %dma_start3A_455] : memref<819200x32xf32, #tpu.memory_space<hbm>> -> memref<1280x32xf32, #tpu.memory_space<hbm>>
    %dma_start3A_457 = arith.constant 0 : i32
    %dma_start3A_458 = arith.constant 0 : i32
    %dma_start3A_459 = tpu.memref_slice %arg6[%dma_start3A_448, %dma_start3A_457, %dma_start3A_458] : memref<3x1280x32xf32, #tpu.memory_space<vmem>> -> memref<1x1280x32xf32, #tpu.memory_space<vmem>>
    %dma_start3A_460 = tpu.memref_squeeze %dma_start3A_459 : memref<1x1280x32xf32, #tpu.memory_space<vmem>> -> memref<1280x32xf32, #tpu.memory_space<vmem>>
    tpu.enqueue_dma source(%dma_start3A_460 : memref<1280x32xf32, #tpu.memory_space<vmem>>) target(%dma_start3A_456 : memref<1280x32xf32, #tpu.memory_space<hbm>>) target_semaphore(%arg15 : memref<!tpu.dma_semaphore, #tpu.memory_space<semaphore_mem>>)
    %dma_wait3A_461 = arith.constant 2 : i32
    %dma_wait3A_462 = arith.constant 0 : i32
    %dma_wait3A_463 = arith.constant 0 : i32
    %dma_wait3A_464 = tpu.memref_slice %arg6[%dma_wait3A_461, %dma_wait3A_462, %dma_wait3A_463] : memref<3x1280x32xf32, #tpu.memory_space<vmem>> -> memref<1x1280x32xf32, #tpu.memory_space<vmem>>
    %dma_wait3A_465 = tpu.memref_squeeze %dma_wait3A_464 : memref<1x1280x32xf32, #tpu.memory_space<vmem>> -> memref<1280x32xf32, #tpu.memory_space<vmem>>
    %dma_wait3A_466 = arith.constant 0 : i32
    %dma_wait3A_467 = tpu.memref_slice %arg4[%add3A_447, %dma_wait3A_466] : memref<819200x32xf32, #tpu.memory_space<hbm>> -> memref<1280x32xf32, #tpu.memory_space<hbm>>
    %dma_wait3A_468 = arith.constant 0 : i32
    %dma_wait3A_469 = tpu.memref_slice %arg4[%add3A_447, %dma_wait3A_468] : memref<819200x32xf32, #tpu.memory_space<hbm>> -> memref<1280x32xf32, #tpu.memory_space<hbm>>
    %dma_wait3A_470 = arith.constant 0 : i32
    %dma_wait3A_471 = arith.constant 0 : i32
    %dma_wait3A_472 = tpu.memref_slice %arg6[%dma_wait3A_461, %dma_wait3A_470, %dma_wait3A_471] : memref<3x1280x32xf32, #tpu.memory_space<vmem>> -> memref<1x1280x32xf32, #tpu.memory_space<vmem>>
    %dma_wait3A_473 = tpu.memref_squeeze %dma_wait3A_472 : memref<1x1280x32xf32, #tpu.memory_space<vmem>> -> memref<1280x32xf32, #tpu.memory_space<vmem>>
    tpu.wait_dma2 semaphore(%arg15 : memref<!tpu.dma_semaphore, #tpu.memory_space<semaphore_mem>>) src(%dma_wait3A_473 : memref<1280x32xf32, #tpu.memory_space<vmem>>) dst(%dma_wait3A_469 : memref<1280x32xf32, #tpu.memory_space<hbm>>)
    %add3A_474 = arith.constant 10240 : i32
    %add3A_475 = arith.addi %mul3A_2, %add3A_474 : i32
    %dma_start3A_476 = arith.constant 2 : i32
    %dma_start3A_477 = arith.constant 0 : i32
    %dma_start3A_478 = tpu.memref_slice %arg5[%dma_start3A_476, %dma_start3A_477] : memref<3x1280xi32, #tpu.memory_space<vmem>> -> memref<1x1280xi32, #tpu.memory_space<vmem>>
    %dma_start3A_479 = tpu.memref_squeeze %dma_start3A_478 : memref<1x1280xi32, #tpu.memory_space<vmem>> -> memref<1280xi32, #tpu.memory_space<vmem>>
    %dma_start3A_480 = tpu.memref_slice %arg2[%add3A_475] : memref<819200xi32, #tpu.memory_space<hbm>> -> memref<1280xi32, #tpu.memory_space<hbm>>
    %dma_start3A_481 = arith.constant 0 : i32
    %dma_start3A_482 = tpu.memref_slice %arg5[%dma_start3A_476, %dma_start3A_481] : memref<3x1280xi32, #tpu.memory_space<vmem>> -> memref<1x1280xi32, #tpu.memory_space<vmem>>
    %dma_start3A_483 = tpu.memref_squeeze %dma_start3A_482 : memref<1x1280xi32, #tpu.memory_space<vmem>> -> memref<1280xi32, #tpu.memory_space<vmem>>
    %dma_start3A_484 = tpu.memref_slice %arg2[%add3A_475] : memref<819200xi32, #tpu.memory_space<hbm>> -> memref<1280xi32, #tpu.memory_space<hbm>>
    tpu.enqueue_dma source(%dma_start3A_484 : memref<1280xi32, #tpu.memory_space<hbm>>) target(%dma_start3A_483 : memref<1280xi32, #tpu.memory_space<vmem>>) target_semaphore(%arg9 : memref<!tpu.dma_semaphore, #tpu.memory_space<semaphore_mem>>)
    %dma_wait3A_485 = arith.constant 1 : i32
    %dma_wait3A_486 = arith.constant 0 : i32
    %dma_wait3A_487 = tpu.memref_slice %arg5[%dma_wait3A_485, %dma_wait3A_486] : memref<3x1280xi32, #tpu.memory_space<vmem>> -> memref<1x1280xi32, #tpu.memory_space<vmem>>
    %dma_wait3A_488 = tpu.memref_squeeze %dma_wait3A_487 : memref<1x1280xi32, #tpu.memory_space<vmem>> -> memref<1280xi32, #tpu.memory_space<vmem>>
    %dma_wait3A_489 = tpu.memref_slice %arg2[%add3A_403] : memref<819200xi32, #tpu.memory_space<hbm>> -> memref<1280xi32, #tpu.memory_space<hbm>>
    %dma_wait3A_490 = arith.constant 0 : i32
    %dma_wait3A_491 = tpu.memref_slice %arg5[%dma_wait3A_485, %dma_wait3A_490] : memref<3x1280xi32, #tpu.memory_space<vmem>> -> memref<1x1280xi32, #tpu.memory_space<vmem>>
    %dma_wait3A_492 = tpu.memref_squeeze %dma_wait3A_491 : memref<1x1280xi32, #tpu.memory_space<vmem>> -> memref<1280xi32, #tpu.memory_space<vmem>>
    %dma_wait3A_493 = tpu.memref_slice %arg2[%add3A_403] : memref<819200xi32, #tpu.memory_space<hbm>> -> memref<1280xi32, #tpu.memory_space<hbm>>
    tpu.wait_dma2 semaphore(%arg8 : memref<!tpu.dma_semaphore, #tpu.memory_space<semaphore_mem>>) src(%dma_wait3A_493 : memref<1280xi32, #tpu.memory_space<hbm>>) dst(%dma_wait3A_492 : memref<1280xi32, #tpu.memory_space<vmem>>)
    %dma_start3A_494 = arith.constant 1 : i32
    %dma_start3A_495 = arith.constant 1 : i32
    %dma_start3A_496 = arith.constant 0 : i32
    %dma_start3A_497 = arith.constant 0 : i32
    %dma_start3A_498 = tpu.memref_slice %arg6[%dma_start3A_495, %dma_start3A_496, %dma_start3A_497] : memref<3x1280x32xf32, #tpu.memory_space<vmem>> -> memref<1x1280x32xf32, #tpu.memory_space<vmem>>
    %dma_start3A_499 = tpu.memref_squeeze %dma_start3A_498 : memref<1x1280x32xf32, #tpu.memory_space<vmem>> -> memref<1280x32xf32, #tpu.memory_space<vmem>>
    %dma_start3A_500 = arith.constant 0 : i32
    %dma_start3A_501 = tpu.memref_slice %arg5[%dma_start3A_494, %dma_start3A_500] : memref<3x1280xi32, #tpu.memory_space<vmem>> -> memref<1x1280xi32, #tpu.memory_space<vmem>>
    %dma_start3A_502 = tpu.memref_squeeze %dma_start3A_501 : memref<1x1280xi32, #tpu.memory_space<vmem>> -> memref<1280xi32, #tpu.memory_space<vmem>>
    %dma_start3A_503 = arith.constant 0 : i32
    %dma_start3A_504 = arith.constant 0 : i32
    %dma_start3A_505 = tpu.memref_slice %arg3[%dma_start3A_503, %dma_start3A_504] : memref<1000000x32xf32, #tpu.memory_space<hbm>> -> memref<1000000x32xf32, #tpu.memory_space<hbm>>
    tpu.enqueue_indirect_dma source(%dma_start3A_505 : memref<1000000x32xf32, #tpu.memory_space<hbm>>) target(%dma_start3A_499 : memref<1280x32xf32, #tpu.memory_space<vmem>>) offsets(%dma_start3A_502 : memref<1280xi32, #tpu.memory_space<vmem>>) semaphore(%arg11 : memref<!tpu.dma_semaphore, #tpu.memory_space<semaphore_mem>>)
    %dma_wait3A_506 = arith.constant 0 : i32
    %dma_wait3A_507 = arith.constant 0 : i32
    %dma_wait3A_508 = arith.constant 0 : i32
    %dma_wait3A_509 = arith.constant 0 : i32
    %dma_wait3A_510 = tpu.memref_slice %arg6[%dma_wait3A_507, %dma_wait3A_508, %dma_wait3A_509] : memref<3x1280x32xf32, #tpu.memory_space<vmem>> -> memref<1x1280x32xf32, #tpu.memory_space<vmem>>
    %dma_wait3A_511 = tpu.memref_squeeze %dma_wait3A_510 : memref<1x1280x32xf32, #tpu.memory_space<vmem>> -> memref<1280x32xf32, #tpu.memory_space<vmem>>
    %dma_wait3A_512 = arith.constant 0 : i32
    %dma_wait3A_513 = tpu.memref_slice %arg5[%dma_wait3A_506, %dma_wait3A_512] : memref<3x1280xi32, #tpu.memory_space<vmem>> -> memref<1x1280xi32, #tpu.memory_space<vmem>>
    %dma_wait3A_514 = tpu.memref_squeeze %dma_wait3A_513 : memref<1x1280xi32, #tpu.memory_space<vmem>> -> memref<1280xi32, #tpu.memory_space<vmem>>
    %dma_wait3A_515 = arith.constant 0 : i32
    %dma_wait3A_516 = arith.constant 0 : i32
    %dma_wait3A_517 = tpu.memref_slice %arg3[%dma_wait3A_515, %dma_wait3A_516] : memref<1000000x32xf32, #tpu.memory_space<hbm>> -> memref<1000000x32xf32, #tpu.memory_space<hbm>>
    tpu.wait_indirect_dma semaphore(%arg10 : memref<!tpu.dma_semaphore, #tpu.memory_space<semaphore_mem>>) src(%dma_wait3A_517 : memref<1000000x32xf32, #tpu.memory_space<hbm>>) dst(%dma_wait3A_511 : memref<1280x32xf32, #tpu.memory_space<vmem>>)
    %add3A_518 = arith.constant 7680 : i32
    %add3A_519 = arith.addi %mul3A_2, %add3A_518 : i32
    %dma_start3A_520 = arith.constant 0 : i32
    %dma_start3A_521 = arith.constant 0 : i32
    %dma_start3A_522 = arith.constant 0 : i32
    %dma_start3A_523 = tpu.memref_slice %arg6[%dma_start3A_520, %dma_start3A_521, %dma_start3A_522] : memref<3x1280x32xf32, #tpu.memory_space<vmem>> -> memref<1x1280x32xf32, #tpu.memory_space<vmem>>
    %dma_start3A_524 = tpu.memref_squeeze %dma_start3A_523 : memref<1x1280x32xf32, #tpu.memory_space<vmem>> -> memref<1280x32xf32, #tpu.memory_space<vmem>>
    %dma_start3A_525 = arith.constant 0 : i32
    %dma_start3A_526 = tpu.memref_slice %arg4[%add3A_519, %dma_start3A_525] : memref<819200x32xf32, #tpu.memory_space<hbm>> -> memref<1280x32xf32, #tpu.memory_space<hbm>>
    %dma_start3A_527 = arith.constant 0 : i32
    %dma_start3A_528 = tpu.memref_slice %arg4[%add3A_519, %dma_start3A_527] : memref<819200x32xf32, #tpu.memory_space<hbm>> -> memref<1280x32xf32, #tpu.memory_space<hbm>>
    %dma_start3A_529 = arith.constant 0 : i32
    %dma_start3A_530 = arith.constant 0 : i32
    %dma_start3A_531 = tpu.memref_slice %arg6[%dma_start3A_520, %dma_start3A_529, %dma_start3A_530] : memref<3x1280x32xf32, #tpu.memory_space<vmem>> -> memref<1x1280x32xf32, #tpu.memory_space<vmem>>
    %dma_start3A_532 = tpu.memref_squeeze %dma_start3A_531 : memref<1x1280x32xf32, #tpu.memory_space<vmem>> -> memref<1280x32xf32, #tpu.memory_space<vmem>>
    tpu.enqueue_dma source(%dma_start3A_532 : memref<1280x32xf32, #tpu.memory_space<vmem>>) target(%dma_start3A_528 : memref<1280x32xf32, #tpu.memory_space<hbm>>) target_semaphore(%arg13 : memref<!tpu.dma_semaphore, #tpu.memory_space<semaphore_mem>>)
    %dma_wait3A_533 = arith.constant 0 : i32
    %dma_wait3A_534 = arith.constant 0 : i32
    %dma_wait3A_535 = arith.constant 0 : i32
    %dma_wait3A_536 = tpu.memref_slice %arg6[%dma_wait3A_533, %dma_wait3A_534, %dma_wait3A_535] : memref<3x1280x32xf32, #tpu.memory_space<vmem>> -> memref<1x1280x32xf32, #tpu.memory_space<vmem>>
    %dma_wait3A_537 = tpu.memref_squeeze %dma_wait3A_536 : memref<1x1280x32xf32, #tpu.memory_space<vmem>> -> memref<1280x32xf32, #tpu.memory_space<vmem>>
    %dma_wait3A_538 = arith.constant 0 : i32
    %dma_wait3A_539 = tpu.memref_slice %arg4[%add3A_519, %dma_wait3A_538] : memref<819200x32xf32, #tpu.memory_space<hbm>> -> memref<1280x32xf32, #tpu.memory_space<hbm>>
    %dma_wait3A_540 = arith.constant 0 : i32
    %dma_wait3A_541 = tpu.memref_slice %arg4[%add3A_519, %dma_wait3A_540] : memref<819200x32xf32, #tpu.memory_space<hbm>> -> memref<1280x32xf32, #tpu.memory_space<hbm>>
    %dma_wait3A_542 = arith.constant 0 : i32
    %dma_wait3A_543 = arith.constant 0 : i32
    %dma_wait3A_544 = tpu.memref_slice %arg6[%dma_wait3A_533, %dma_wait3A_542, %dma_wait3A_543] : memref<3x1280x32xf32, #tpu.memory_space<vmem>> -> memref<1x1280x32xf32, #tpu.memory_space<vmem>>
    %dma_wait3A_545 = tpu.memref_squeeze %dma_wait3A_544 : memref<1x1280x32xf32, #tpu.memory_space<vmem>> -> memref<1280x32xf32, #tpu.memory_space<vmem>>
    tpu.wait_dma2 semaphore(%arg13 : memref<!tpu.dma_semaphore, #tpu.memory_space<semaphore_mem>>) src(%dma_wait3A_545 : memref<1280x32xf32, #tpu.memory_space<vmem>>) dst(%dma_wait3A_541 : memref<1280x32xf32, #tpu.memory_space<hbm>>)
    %add3A_546 = arith.constant 11520 : i32
    %add3A_547 = arith.addi %mul3A_2, %add3A_546 : i32
    %dma_start3A_548 = arith.constant 0 : i32
    %dma_start3A_549 = arith.constant 0 : i32
    %dma_start3A_550 = tpu.memref_slice %arg5[%dma_start3A_548, %dma_start3A_549] : memref<3x1280xi32, #tpu.memory_space<vmem>> -> memref<1x1280xi32, #tpu.memory_space<vmem>>
    %dma_start3A_551 = tpu.memref_squeeze %dma_start3A_550 : memref<1x1280xi32, #tpu.memory_space<vmem>> -> memref<1280xi32, #tpu.memory_space<vmem>>
    %dma_start3A_552 = tpu.memref_slice %arg2[%add3A_547] : memref<819200xi32, #tpu.memory_space<hbm>> -> memref<1280xi32, #tpu.memory_space<hbm>>
    %dma_start3A_553 = arith.constant 0 : i32
    %dma_start3A_554 = tpu.memref_slice %arg5[%dma_start3A_548, %dma_start3A_553] : memref<3x1280xi32, #tpu.memory_space<vmem>> -> memref<1x1280xi32, #tpu.memory_space<vmem>>
    %dma_start3A_555 = tpu.memref_squeeze %dma_start3A_554 : memref<1x1280xi32, #tpu.memory_space<vmem>> -> memref<1280xi32, #tpu.memory_space<vmem>>
    %dma_start3A_556 = tpu.memref_slice %arg2[%add3A_547] : memref<819200xi32, #tpu.memory_space<hbm>> -> memref<1280xi32, #tpu.memory_space<hbm>>
    tpu.enqueue_dma source(%dma_start3A_556 : memref<1280xi32, #tpu.memory_space<hbm>>) target(%dma_start3A_555 : memref<1280xi32, #tpu.memory_space<vmem>>) target_semaphore(%arg7 : memref<!tpu.dma_semaphore, #tpu.memory_space<semaphore_mem>>)
    %dma_wait3A_557 = arith.constant 2 : i32
    %dma_wait3A_558 = arith.constant 0 : i32
    %dma_wait3A_559 = tpu.memref_slice %arg5[%dma_wait3A_557, %dma_wait3A_558] : memref<3x1280xi32, #tpu.memory_space<vmem>> -> memref<1x1280xi32, #tpu.memory_space<vmem>>
    %dma_wait3A_560 = tpu.memref_squeeze %dma_wait3A_559 : memref<1x1280xi32, #tpu.memory_space<vmem>> -> memref<1280xi32, #tpu.memory_space<vmem>>
    %dma_wait3A_561 = tpu.memref_slice %arg2[%add3A_475] : memref<819200xi32, #tpu.memory_space<hbm>> -> memref<1280xi32, #tpu.memory_space<hbm>>
    %dma_wait3A_562 = arith.constant 0 : i32
    %dma_wait3A_563 = tpu.memref_slice %arg5[%dma_wait3A_557, %dma_wait3A_562] : memref<3x1280xi32, #tpu.memory_space<vmem>> -> memref<1x1280xi32, #tpu.memory_space<vmem>>
    %dma_wait3A_564 = tpu.memref_squeeze %dma_wait3A_563 : memref<1x1280xi32, #tpu.memory_space<vmem>> -> memref<1280xi32, #tpu.memory_space<vmem>>
    %dma_wait3A_565 = tpu.memref_slice %arg2[%add3A_475] : memref<819200xi32, #tpu.memory_space<hbm>> -> memref<1280xi32, #tpu.memory_space<hbm>>
    tpu.wait_dma2 semaphore(%arg9 : memref<!tpu.dma_semaphore, #tpu.memory_space<semaphore_mem>>) src(%dma_wait3A_565 : memref<1280xi32, #tpu.memory_space<hbm>>) dst(%dma_wait3A_564 : memref<1280xi32, #tpu.memory_space<vmem>>)
    %dma_start3A_566 = arith.constant 2 : i32
    %dma_start3A_567 = arith.constant 2 : i32
    %dma_start3A_568 = arith.constant 0 : i32
    %dma_start3A_569 = arith.constant 0 : i32
    %dma_start3A_570 = tpu.memref_slice %arg6[%dma_start3A_567, %dma_start3A_568, %dma_start3A_569] : memref<3x1280x32xf32, #tpu.memory_space<vmem>> -> memref<1x1280x32xf32, #tpu.memory_space<vmem>>
    %dma_start3A_571 = tpu.memref_squeeze %dma_start3A_570 : memref<1x1280x32xf32, #tpu.memory_space<vmem>> -> memref<1280x32xf32, #tpu.memory_space<vmem>>
    %dma_start3A_572 = arith.constant 0 : i32
    %dma_start3A_573 = tpu.memref_slice %arg5[%dma_start3A_566, %dma_start3A_572] : memref<3x1280xi32, #tpu.memory_space<vmem>> -> memref<1x1280xi32, #tpu.memory_space<vmem>>
    %dma_start3A_574 = tpu.memref_squeeze %dma_start3A_573 : memref<1x1280xi32, #tpu.memory_space<vmem>> -> memref<1280xi32, #tpu.memory_space<vmem>>
    %dma_start3A_575 = arith.constant 0 : i32
    %dma_start3A_576 = arith.constant 0 : i32
    %dma_start3A_577 = tpu.memref_slice %arg3[%dma_start3A_575, %dma_start3A_576] : memref<1000000x32xf32, #tpu.memory_space<hbm>> -> memref<1000000x32xf32, #tpu.memory_space<hbm>>
    tpu.enqueue_indirect_dma source(%dma_start3A_577 : memref<1000000x32xf32, #tpu.memory_space<hbm>>) target(%dma_start3A_571 : memref<1280x32xf32, #tpu.memory_space<vmem>>) offsets(%dma_start3A_574 : memref<1280xi32, #tpu.memory_space<vmem>>) semaphore(%arg12 : memref<!tpu.dma_semaphore, #tpu.memory_space<semaphore_mem>>)
    %dma_wait3A_578 = arith.constant 1 : i32
    %dma_wait3A_579 = arith.constant 1 : i32
    %dma_wait3A_580 = arith.constant 0 : i32
    %dma_wait3A_581 = arith.constant 0 : i32
    %dma_wait3A_582 = tpu.memref_slice %arg6[%dma_wait3A_579, %dma_wait3A_580, %dma_wait3A_581] : memref<3x1280x32xf32, #tpu.memory_space<vmem>> -> memref<1x1280x32xf32, #tpu.memory_space<vmem>>
    %dma_wait3A_583 = tpu.memref_squeeze %dma_wait3A_582 : memref<1x1280x32xf32, #tpu.memory_space<vmem>> -> memref<1280x32xf32, #tpu.memory_space<vmem>>
    %dma_wait3A_584 = arith.constant 0 : i32
    %dma_wait3A_585 = tpu.memref_slice %arg5[%dma_wait3A_578, %dma_wait3A_584] : memref<3x1280xi32, #tpu.memory_space<vmem>> -> memref<1x1280xi32, #tpu.memory_space<vmem>>
    %dma_wait3A_586 = tpu.memref_squeeze %dma_wait3A_585 : memref<1x1280xi32, #tpu.memory_space<vmem>> -> memref<1280xi32, #tpu.memory_space<vmem>>
    %dma_wait3A_587 = arith.constant 0 : i32
    %dma_wait3A_588 = arith.constant 0 : i32
    %dma_wait3A_589 = tpu.memref_slice %arg3[%dma_wait3A_587, %dma_wait3A_588] : memref<1000000x32xf32, #tpu.memory_space<hbm>> -> memref<1000000x32xf32, #tpu.memory_space<hbm>>
    tpu.wait_indirect_dma semaphore(%arg11 : memref<!tpu.dma_semaphore, #tpu.memory_space<semaphore_mem>>) src(%dma_wait3A_589 : memref<1000000x32xf32, #tpu.memory_space<hbm>>) dst(%dma_wait3A_583 : memref<1280x32xf32, #tpu.memory_space<vmem>>)
    %add3A_590 = arith.constant 8960 : i32
    %add3A_591 = arith.addi %mul3A_2, %add3A_590 : i32
    %dma_start3A_592 = arith.constant 1 : i32
    %dma_start3A_593 = arith.constant 0 : i32
    %dma_start3A_594 = arith.constant 0 : i32
    %dma_start3A_595 = tpu.memref_slice %arg6[%dma_start3A_592, %dma_start3A_593, %dma_start3A_594] : memref<3x1280x32xf32, #tpu.memory_space<vmem>> -> memref<1x1280x32xf32, #tpu.memory_space<vmem>>
    %dma_start3A_596 = tpu.memref_squeeze %dma_start3A_595 : memref<1x1280x32xf32, #tpu.memory_space<vmem>> -> memref<1280x32xf32, #tpu.memory_space<vmem>>
    %dma_start3A_597 = arith.constant 0 : i32
    %dma_start3A_598 = tpu.memref_slice %arg4[%add3A_591, %dma_start3A_597] : memref<819200x32xf32, #tpu.memory_space<hbm>> -> memref<1280x32xf32, #tpu.memory_space<hbm>>
    %dma_start3A_599 = arith.constant 0 : i32
    %dma_start3A_600 = tpu.memref_slice %arg4[%add3A_591, %dma_start3A_599] : memref<819200x32xf32, #tpu.memory_space<hbm>> -> memref<1280x32xf32, #tpu.memory_space<hbm>>
    %dma_start3A_601 = arith.constant 0 : i32
    %dma_start3A_602 = arith.constant 0 : i32
    %dma_start3A_603 = tpu.memref_slice %arg6[%dma_start3A_592, %dma_start3A_601, %dma_start3A_602] : memref<3x1280x32xf32, #tpu.memory_space<vmem>> -> memref<1x1280x32xf32, #tpu.memory_space<vmem>>
    %dma_start3A_604 = tpu.memref_squeeze %dma_start3A_603 : memref<1x1280x32xf32, #tpu.memory_space<vmem>> -> memref<1280x32xf32, #tpu.memory_space<vmem>>
    tpu.enqueue_dma source(%dma_start3A_604 : memref<1280x32xf32, #tpu.memory_space<vmem>>) target(%dma_start3A_600 : memref<1280x32xf32, #tpu.memory_space<hbm>>) target_semaphore(%arg14 : memref<!tpu.dma_semaphore, #tpu.memory_space<semaphore_mem>>)
    %dma_wait3A_605 = arith.constant 1 : i32
    %dma_wait3A_606 = arith.constant 0 : i32
    %dma_wait3A_607 = arith.constant 0 : i32
    %dma_wait3A_608 = tpu.memref_slice %arg6[%dma_wait3A_605, %dma_wait3A_606, %dma_wait3A_607] : memref<3x1280x32xf32, #tpu.memory_space<vmem>> -> memref<1x1280x32xf32, #tpu.memory_space<vmem>>
    %dma_wait3A_609 = tpu.memref_squeeze %dma_wait3A_608 : memref<1x1280x32xf32, #tpu.memory_space<vmem>> -> memref<1280x32xf32, #tpu.memory_space<vmem>>
    %dma_wait3A_610 = arith.constant 0 : i32
    %dma_wait3A_611 = tpu.memref_slice %arg4[%add3A_591, %dma_wait3A_610] : memref<819200x32xf32, #tpu.memory_space<hbm>> -> memref<1280x32xf32, #tpu.memory_space<hbm>>
    %dma_wait3A_612 = arith.constant 0 : i32
    %dma_wait3A_613 = tpu.memref_slice %arg4[%add3A_591, %dma_wait3A_612] : memref<819200x32xf32, #tpu.memory_space<hbm>> -> memref<1280x32xf32, #tpu.memory_space<hbm>>
    %dma_wait3A_614 = arith.constant 0 : i32
    %dma_wait3A_615 = arith.constant 0 : i32
    %dma_wait3A_616 = tpu.memref_slice %arg6[%dma_wait3A_605, %dma_wait3A_614, %dma_wait3A_615] : memref<3x1280x32xf32, #tpu.memory_space<vmem>> -> memref<1x1280x32xf32, #tpu.memory_space<vmem>>
    %dma_wait3A_617 = tpu.memref_squeeze %dma_wait3A_616 : memref<1x1280x32xf32, #tpu.memory_space<vmem>> -> memref<1280x32xf32, #tpu.memory_space<vmem>>
    tpu.wait_dma2 semaphore(%arg14 : memref<!tpu.dma_semaphore, #tpu.memory_space<semaphore_mem>>) src(%dma_wait3A_617 : memref<1280x32xf32, #tpu.memory_space<vmem>>) dst(%dma_wait3A_613 : memref<1280x32xf32, #tpu.memory_space<hbm>>)
    %add3A_618 = arith.constant 12800 : i32
    %add3A_619 = arith.addi %mul3A_2, %add3A_618 : i32
    %dma_start3A_620 = arith.constant 1 : i32
    %dma_start3A_621 = arith.constant 0 : i32
    %dma_start3A_622 = tpu.memref_slice %arg5[%dma_start3A_620, %dma_start3A_621] : memref<3x1280xi32, #tpu.memory_space<vmem>> -> memref<1x1280xi32, #tpu.memory_space<vmem>>
    %dma_start3A_623 = tpu.memref_squeeze %dma_start3A_622 : memref<1x1280xi32, #tpu.memory_space<vmem>> -> memref<1280xi32, #tpu.memory_space<vmem>>
    %dma_start3A_624 = tpu.memref_slice %arg2[%add3A_619] : memref<819200xi32, #tpu.memory_space<hbm>> -> memref<1280xi32, #tpu.memory_space<hbm>>
    %dma_start3A_625 = arith.constant 0 : i32
    %dma_start3A_626 = tpu.memref_slice %arg5[%dma_start3A_620, %dma_start3A_625] : memref<3x1280xi32, #tpu.memory_space<vmem>> -> memref<1x1280xi32, #tpu.memory_space<vmem>>
    %dma_start3A_627 = tpu.memref_squeeze %dma_start3A_626 : memref<1x1280xi32, #tpu.memory_space<vmem>> -> memref<1280xi32, #tpu.memory_space<vmem>>
    %dma_start3A_628 = tpu.memref_slice %arg2[%add3A_619] : memref<819200xi32, #tpu.memory_space<hbm>> -> memref<1280xi32, #tpu.memory_space<hbm>>
    tpu.enqueue_dma source(%dma_start3A_628 : memref<1280xi32, #tpu.memory_space<hbm>>) target(%dma_start3A_627 : memref<1280xi32, #tpu.memory_space<vmem>>) target_semaphore(%arg8 : memref<!tpu.dma_semaphore, #tpu.memory_space<semaphore_mem>>)
    %dma_wait3A_629 = arith.constant 0 : i32
    %dma_wait3A_630 = arith.constant 0 : i32
    %dma_wait3A_631 = tpu.memref_slice %arg5[%dma_wait3A_629, %dma_wait3A_630] : memref<3x1280xi32, #tpu.memory_space<vmem>> -> memref<1x1280xi32, #tpu.memory_space<vmem>>
    %dma_wait3A_632 = tpu.memref_squeeze %dma_wait3A_631 : memref<1x1280xi32, #tpu.memory_space<vmem>> -> memref<1280xi32, #tpu.memory_space<vmem>>
    %dma_wait3A_633 = tpu.memref_slice %arg2[%add3A_547] : memref<819200xi32, #tpu.memory_space<hbm>> -> memref<1280xi32, #tpu.memory_space<hbm>>
    %dma_wait3A_634 = arith.constant 0 : i32
    %dma_wait3A_635 = tpu.memref_slice %arg5[%dma_wait3A_629, %dma_wait3A_634] : memref<3x1280xi32, #tpu.memory_space<vmem>> -> memref<1x1280xi32, #tpu.memory_space<vmem>>
    %dma_wait3A_636 = tpu.memref_squeeze %dma_wait3A_635 : memref<1x1280xi32, #tpu.memory_space<vmem>> -> memref<1280xi32, #tpu.memory_space<vmem>>
    %dma_wait3A_637 = tpu.memref_slice %arg2[%add3A_547] : memref<819200xi32, #tpu.memory_space<hbm>> -> memref<1280xi32, #tpu.memory_space<hbm>>
    tpu.wait_dma2 semaphore(%arg7 : memref<!tpu.dma_semaphore, #tpu.memory_space<semaphore_mem>>) src(%dma_wait3A_637 : memref<1280xi32, #tpu.memory_space<hbm>>) dst(%dma_wait3A_636 : memref<1280xi32, #tpu.memory_space<vmem>>)
    %dma_start3A_638 = arith.constant 0 : i32
    %dma_start3A_639 = arith.constant 0 : i32
    %dma_start3A_640 = arith.constant 0 : i32
    %dma_start3A_641 = arith.constant 0 : i32
    %dma_start3A_642 = tpu.memref_slice %arg6[%dma_start3A_639, %dma_start3A_640, %dma_start3A_641] : memref<3x1280x32xf32, #tpu.memory_space<vmem>> -> memref<1x1280x32xf32, #tpu.memory_space<vmem>>
    %dma_start3A_643 = tpu.memref_squeeze %dma_start3A_642 : memref<1x1280x32xf32, #tpu.memory_space<vmem>> -> memref<1280x32xf32, #tpu.memory_space<vmem>>
    %dma_start3A_644 = arith.constant 0 : i32
    %dma_start3A_645 = tpu.memref_slice %arg5[%dma_start3A_638, %dma_start3A_644] : memref<3x1280xi32, #tpu.memory_space<vmem>> -> memref<1x1280xi32, #tpu.memory_space<vmem>>
    %dma_start3A_646 = tpu.memref_squeeze %dma_start3A_645 : memref<1x1280xi32, #tpu.memory_space<vmem>> -> memref<1280xi32, #tpu.memory_space<vmem>>
    %dma_start3A_647 = arith.constant 0 : i32
    %dma_start3A_648 = arith.constant 0 : i32
    %dma_start3A_649 = tpu.memref_slice %arg3[%dma_start3A_647, %dma_start3A_648] : memref<1000000x32xf32, #tpu.memory_space<hbm>> -> memref<1000000x32xf32, #tpu.memory_space<hbm>>
    tpu.enqueue_indirect_dma source(%dma_start3A_649 : memref<1000000x32xf32, #tpu.memory_space<hbm>>) target(%dma_start3A_643 : memref<1280x32xf32, #tpu.memory_space<vmem>>) offsets(%dma_start3A_646 : memref<1280xi32, #tpu.memory_space<vmem>>) semaphore(%arg10 : memref<!tpu.dma_semaphore, #tpu.memory_space<semaphore_mem>>)
    %dma_wait3A_650 = arith.constant 2 : i32
    %dma_wait3A_651 = arith.constant 2 : i32
    %dma_wait3A_652 = arith.constant 0 : i32
    %dma_wait3A_653 = arith.constant 0 : i32
    %dma_wait3A_654 = tpu.memref_slice %arg6[%dma_wait3A_651, %dma_wait3A_652, %dma_wait3A_653] : memref<3x1280x32xf32, #tpu.memory_space<vmem>> -> memref<1x1280x32xf32, #tpu.memory_space<vmem>>
    %dma_wait3A_655 = tpu.memref_squeeze %dma_wait3A_654 : memref<1x1280x32xf32, #tpu.memory_space<vmem>> -> memref<1280x32xf32, #tpu.memory_space<vmem>>
    %dma_wait3A_656 = arith.constant 0 : i32
    %dma_wait3A_657 = tpu.memref_slice %arg5[%dma_wait3A_650, %dma_wait3A_656] : memref<3x1280xi32, #tpu.memory_space<vmem>> -> memref<1x1280xi32, #tpu.memory_space<vmem>>
    %dma_wait3A_658 = tpu.memref_squeeze %dma_wait3A_657 : memref<1x1280xi32, #tpu.memory_space<vmem>> -> memref<1280xi32, #tpu.memory_space<vmem>>
    %dma_wait3A_659 = arith.constant 0 : i32
    %dma_wait3A_660 = arith.constant 0 : i32
    %dma_wait3A_661 = tpu.memref_slice %arg3[%dma_wait3A_659, %dma_wait3A_660] : memref<1000000x32xf32, #tpu.memory_space<hbm>> -> memref<1000000x32xf32, #tpu.memory_space<hbm>>
    tpu.wait_indirect_dma semaphore(%arg12 : memref<!tpu.dma_semaphore, #tpu.memory_space<semaphore_mem>>) src(%dma_wait3A_661 : memref<1000000x32xf32, #tpu.memory_space<hbm>>) dst(%dma_wait3A_655 : memref<1280x32xf32, #tpu.memory_space<vmem>>)
    %add3A_662 = arith.constant 10240 : i32
    %add3A_663 = arith.addi %mul3A_2, %add3A_662 : i32
    %dma_start3A_664 = arith.constant 2 : i32
    %dma_start3A_665 = arith.constant 0 : i32
    %dma_start3A_666 = arith.constant 0 : i32
    %dma_start3A_667 = tpu.memref_slice %arg6[%dma_start3A_664, %dma_start3A_665, %dma_start3A_666] : memref<3x1280x32xf32, #tpu.memory_space<vmem>> -> memref<1x1280x32xf32, #tpu.memory_space<vmem>>
    %dma_start3A_668 = tpu.memref_squeeze %dma_start3A_667 : memref<1x1280x32xf32, #tpu.memory_space<vmem>> -> memref<1280x32xf32, #tpu.memory_space<vmem>>
    %dma_start3A_669 = arith.constant 0 : i32
    %dma_start3A_670 = tpu.memref_slice %arg4[%add3A_663, %dma_start3A_669] : memref<819200x32xf32, #tpu.memory_space<hbm>> -> memref<1280x32xf32, #tpu.memory_space<hbm>>
    %dma_start3A_671 = arith.constant 0 : i32
    %dma_start3A_672 = tpu.memref_slice %arg4[%add3A_663, %dma_start3A_671] : memref<819200x32xf32, #tpu.memory_space<hbm>> -> memref<1280x32xf32, #tpu.memory_space<hbm>>
    %dma_start3A_673 = arith.constant 0 : i32
    %dma_start3A_674 = arith.constant 0 : i32
    %dma_start3A_675 = tpu.memref_slice %arg6[%dma_start3A_664, %dma_start3A_673, %dma_start3A_674] : memref<3x1280x32xf32, #tpu.memory_space<vmem>> -> memref<1x1280x32xf32, #tpu.memory_space<vmem>>
    %dma_start3A_676 = tpu.memref_squeeze %dma_start3A_675 : memref<1x1280x32xf32, #tpu.memory_space<vmem>> -> memref<1280x32xf32, #tpu.memory_space<vmem>>
    tpu.enqueue_dma source(%dma_start3A_676 : memref<1280x32xf32, #tpu.memory_space<vmem>>) target(%dma_start3A_672 : memref<1280x32xf32, #tpu.memory_space<hbm>>) target_semaphore(%arg15 : memref<!tpu.dma_semaphore, #tpu.memory_space<semaphore_mem>>)
    %dma_wait3A_677 = arith.constant 2 : i32
    %dma_wait3A_678 = arith.constant 0 : i32
    %dma_wait3A_679 = arith.constant 0 : i32
    %dma_wait3A_680 = tpu.memref_slice %arg6[%dma_wait3A_677, %dma_wait3A_678, %dma_wait3A_679] : memref<3x1280x32xf32, #tpu.memory_space<vmem>> -> memref<1x1280x32xf32, #tpu.memory_space<vmem>>
    %dma_wait3A_681 = tpu.memref_squeeze %dma_wait3A_680 : memref<1x1280x32xf32, #tpu.memory_space<vmem>> -> memref<1280x32xf32, #tpu.memory_space<vmem>>
    %dma_wait3A_682 = arith.constant 0 : i32
    %dma_wait3A_683 = tpu.memref_slice %arg4[%add3A_663, %dma_wait3A_682] : memref<819200x32xf32, #tpu.memory_space<hbm>> -> memref<1280x32xf32, #tpu.memory_space<hbm>>
    %dma_wait3A_684 = arith.constant 0 : i32
    %dma_wait3A_685 = tpu.memref_slice %arg4[%add3A_663, %dma_wait3A_684] : memref<819200x32xf32, #tpu.memory_space<hbm>> -> memref<1280x32xf32, #tpu.memory_space<hbm>>
    %dma_wait3A_686 = arith.constant 0 : i32
    %dma_wait3A_687 = arith.constant 0 : i32
    %dma_wait3A_688 = tpu.memref_slice %arg6[%dma_wait3A_677, %dma_wait3A_686, %dma_wait3A_687] : memref<3x1280x32xf32, #tpu.memory_space<vmem>> -> memref<1x1280x32xf32, #tpu.memory_space<vmem>>
    %dma_wait3A_689 = tpu.memref_squeeze %dma_wait3A_688 : memref<1x1280x32xf32, #tpu.memory_space<vmem>> -> memref<1280x32xf32, #tpu.memory_space<vmem>>
    tpu.wait_dma2 semaphore(%arg15 : memref<!tpu.dma_semaphore, #tpu.memory_space<semaphore_mem>>) src(%dma_wait3A_689 : memref<1280x32xf32, #tpu.memory_space<vmem>>) dst(%dma_wait3A_685 : memref<1280x32xf32, #tpu.memory_space<hbm>>)
    %add3A_690 = arith.constant 14080 : i32
    %add3A_691 = arith.addi %mul3A_2, %add3A_690 : i32
    %dma_start3A_692 = arith.constant 2 : i32
    %dma_start3A_693 = arith.constant 0 : i32
    %dma_start3A_694 = tpu.memref_slice %arg5[%dma_start3A_692, %dma_start3A_693] : memref<3x1280xi32, #tpu.memory_space<vmem>> -> memref<1x1280xi32, #tpu.memory_space<vmem>>
    %dma_start3A_695 = tpu.memref_squeeze %dma_start3A_694 : memref<1x1280xi32, #tpu.memory_space<vmem>> -> memref<1280xi32, #tpu.memory_space<vmem>>
    %dma_start3A_696 = tpu.memref_slice %arg2[%add3A_691] : memref<819200xi32, #tpu.memory_space<hbm>> -> memref<1280xi32, #tpu.memory_space<hbm>>
    %dma_start3A_697 = arith.constant 0 : i32
    %dma_start3A_698 = tpu.memref_slice %arg5[%dma_start3A_692, %dma_start3A_697] : memref<3x1280xi32, #tpu.memory_space<vmem>> -> memref<1x1280xi32, #tpu.memory_space<vmem>>
    %dma_start3A_699 = tpu.memref_squeeze %dma_start3A_698 : memref<1x1280xi32, #tpu.memory_space<vmem>> -> memref<1280xi32, #tpu.memory_space<vmem>>
    %dma_start3A_700 = tpu.memref_slice %arg2[%add3A_691] : memref<819200xi32, #tpu.memory_space<hbm>> -> memref<1280xi32, #tpu.memory_space<hbm>>
    tpu.enqueue_dma source(%dma_start3A_700 : memref<1280xi32, #tpu.memory_space<hbm>>) target(%dma_start3A_699 : memref<1280xi32, #tpu.memory_space<vmem>>) target_semaphore(%arg9 : memref<!tpu.dma_semaphore, #tpu.memory_space<semaphore_mem>>)
    %dma_wait3A_701 = arith.constant 1 : i32
    %dma_wait3A_702 = arith.constant 0 : i32
    %dma_wait3A_703 = tpu.memref_slice %arg5[%dma_wait3A_701, %dma_wait3A_702] : memref<3x1280xi32, #tpu.memory_space<vmem>> -> memref<1x1280xi32, #tpu.memory_space<vmem>>
    %dma_wait3A_704 = tpu.memref_squeeze %dma_wait3A_703 : memref<1x1280xi32, #tpu.memory_space<vmem>> -> memref<1280xi32, #tpu.memory_space<vmem>>
    %dma_wait3A_705 = tpu.memref_slice %arg2[%add3A_619] : memref<819200xi32, #tpu.memory_space<hbm>> -> memref<1280xi32, #tpu.memory_space<hbm>>
    %dma_wait3A_706 = arith.constant 0 : i32
    %dma_wait3A_707 = tpu.memref_slice %arg5[%dma_wait3A_701, %dma_wait3A_706] : memref<3x1280xi32, #tpu.memory_space<vmem>> -> memref<1x1280xi32, #tpu.memory_space<vmem>>
    %dma_wait3A_708 = tpu.memref_squeeze %dma_wait3A_707 : memref<1x1280xi32, #tpu.memory_space<vmem>> -> memref<1280xi32, #tpu.memory_space<vmem>>
    %dma_wait3A_709 = tpu.memref_slice %arg2[%add3A_619] : memref<819200xi32, #tpu.memory_space<hbm>> -> memref<1280xi32, #tpu.memory_space<hbm>>
    tpu.wait_dma2 semaphore(%arg8 : memref<!tpu.dma_semaphore, #tpu.memory_space<semaphore_mem>>) src(%dma_wait3A_709 : memref<1280xi32, #tpu.memory_space<hbm>>) dst(%dma_wait3A_708 : memref<1280xi32, #tpu.memory_space<vmem>>)
    %dma_start3A_710 = arith.constant 1 : i32
    %dma_start3A_711 = arith.constant 1 : i32
    %dma_start3A_712 = arith.constant 0 : i32
    %dma_start3A_713 = arith.constant 0 : i32
    %dma_start3A_714 = tpu.memref_slice %arg6[%dma_start3A_711, %dma_start3A_712, %dma_start3A_713] : memref<3x1280x32xf32, #tpu.memory_space<vmem>> -> memref<1x1280x32xf32, #tpu.memory_space<vmem>>
    %dma_start3A_715 = tpu.memref_squeeze %dma_start3A_714 : memref<1x1280x32xf32, #tpu.memory_space<vmem>> -> memref<1280x32xf32, #tpu.memory_space<vmem>>
    %dma_start3A_716 = arith.constant 0 : i32
    %dma_start3A_717 = tpu.memref_slice %arg5[%dma_start3A_710, %dma_start3A_716] : memref<3x1280xi32, #tpu.memory_space<vmem>> -> memref<1x1280xi32, #tpu.memory_space<vmem>>
    %dma_start3A_718 = tpu.memref_squeeze %dma_start3A_717 : memref<1x1280xi32, #tpu.memory_space<vmem>> -> memref<1280xi32, #tpu.memory_space<vmem>>
    %dma_start3A_719 = arith.constant 0 : i32
    %dma_start3A_720 = arith.constant 0 : i32
    %dma_start3A_721 = tpu.memref_slice %arg3[%dma_start3A_719, %dma_start3A_720] : memref<1000000x32xf32, #tpu.memory_space<hbm>> -> memref<1000000x32xf32, #tpu.memory_space<hbm>>
    tpu.enqueue_indirect_dma source(%dma_start3A_721 : memref<1000000x32xf32, #tpu.memory_space<hbm>>) target(%dma_start3A_715 : memref<1280x32xf32, #tpu.memory_space<vmem>>) offsets(%dma_start3A_718 : memref<1280xi32, #tpu.memory_space<vmem>>) semaphore(%arg11 : memref<!tpu.dma_semaphore, #tpu.memory_space<semaphore_mem>>)
    %dma_wait3A_722 = arith.constant 0 : i32
    %dma_wait3A_723 = arith.constant 0 : i32
    %dma_wait3A_724 = arith.constant 0 : i32
    %dma_wait3A_725 = arith.constant 0 : i32
    %dma_wait3A_726 = tpu.memref_slice %arg6[%dma_wait3A_723, %dma_wait3A_724, %dma_wait3A_725] : memref<3x1280x32xf32, #tpu.memory_space<vmem>> -> memref<1x1280x32xf32, #tpu.memory_space<vmem>>
    %dma_wait3A_727 = tpu.memref_squeeze %dma_wait3A_726 : memref<1x1280x32xf32, #tpu.memory_space<vmem>> -> memref<1280x32xf32, #tpu.memory_space<vmem>>
    %dma_wait3A_728 = arith.constant 0 : i32
    %dma_wait3A_729 = tpu.memref_slice %arg5[%dma_wait3A_722, %dma_wait3A_728] : memref<3x1280xi32, #tpu.memory_space<vmem>> -> memref<1x1280xi32, #tpu.memory_space<vmem>>
    %dma_wait3A_730 = tpu.memref_squeeze %dma_wait3A_729 : memref<1x1280xi32, #tpu.memory_space<vmem>> -> memref<1280xi32, #tpu.memory_space<vmem>>
    %dma_wait3A_731 = arith.constant 0 : i32
    %dma_wait3A_732 = arith.constant 0 : i32
    %dma_wait3A_733 = tpu.memref_slice %arg3[%dma_wait3A_731, %dma_wait3A_732] : memref<1000000x32xf32, #tpu.memory_space<hbm>> -> memref<1000000x32xf32, #tpu.memory_space<hbm>>
    tpu.wait_indirect_dma semaphore(%arg10 : memref<!tpu.dma_semaphore, #tpu.memory_space<semaphore_mem>>) src(%dma_wait3A_733 : memref<1000000x32xf32, #tpu.memory_space<hbm>>) dst(%dma_wait3A_727 : memref<1280x32xf32, #tpu.memory_space<vmem>>)
    %add3A_734 = arith.constant 11520 : i32
    %add3A_735 = arith.addi %mul3A_2, %add3A_734 : i32
    %dma_start3A_736 = arith.constant 0 : i32
    %dma_start3A_737 = arith.constant 0 : i32
    %dma_start3A_738 = arith.constant 0 : i32
    %dma_start3A_739 = tpu.memref_slice %arg6[%dma_start3A_736, %dma_start3A_737, %dma_start3A_738] : memref<3x1280x32xf32, #tpu.memory_space<vmem>> -> memref<1x1280x32xf32, #tpu.memory_space<vmem>>
    %dma_start3A_740 = tpu.memref_squeeze %dma_start3A_739 : memref<1x1280x32xf32, #tpu.memory_space<vmem>> -> memref<1280x32xf32, #tpu.memory_space<vmem>>
    %dma_start3A_741 = arith.constant 0 : i32
    %dma_start3A_742 = tpu.memref_slice %arg4[%add3A_735, %dma_start3A_741] : memref<819200x32xf32, #tpu.memory_space<hbm>> -> memref<1280x32xf32, #tpu.memory_space<hbm>>
    %dma_start3A_743 = arith.constant 0 : i32
    %dma_start3A_744 = tpu.memref_slice %arg4[%add3A_735, %dma_start3A_743] : memref<819200x32xf32, #tpu.memory_space<hbm>> -> memref<1280x32xf32, #tpu.memory_space<hbm>>
    %dma_start3A_745 = arith.constant 0 : i32
    %dma_start3A_746 = arith.constant 0 : i32
    %dma_start3A_747 = tpu.memref_slice %arg6[%dma_start3A_736, %dma_start3A_745, %dma_start3A_746] : memref<3x1280x32xf32, #tpu.memory_space<vmem>> -> memref<1x1280x32xf32, #tpu.memory_space<vmem>>
    %dma_start3A_748 = tpu.memref_squeeze %dma_start3A_747 : memref<1x1280x32xf32, #tpu.memory_space<vmem>> -> memref<1280x32xf32, #tpu.memory_space<vmem>>
    tpu.enqueue_dma source(%dma_start3A_748 : memref<1280x32xf32, #tpu.memory_space<vmem>>) target(%dma_start3A_744 : memref<1280x32xf32, #tpu.memory_space<hbm>>) target_semaphore(%arg13 : memref<!tpu.dma_semaphore, #tpu.memory_space<semaphore_mem>>)
    %dma_wait3A_749 = arith.constant 0 : i32
    %dma_wait3A_750 = arith.constant 0 : i32
    %dma_wait3A_751 = arith.constant 0 : i32
    %dma_wait3A_752 = tpu.memref_slice %arg6[%dma_wait3A_749, %dma_wait3A_750, %dma_wait3A_751] : memref<3x1280x32xf32, #tpu.memory_space<vmem>> -> memref<1x1280x32xf32, #tpu.memory_space<vmem>>
    %dma_wait3A_753 = tpu.memref_squeeze %dma_wait3A_752 : memref<1x1280x32xf32, #tpu.memory_space<vmem>> -> memref<1280x32xf32, #tpu.memory_space<vmem>>
    %dma_wait3A_754 = arith.constant 0 : i32
    %dma_wait3A_755 = tpu.memref_slice %arg4[%add3A_735, %dma_wait3A_754] : memref<819200x32xf32, #tpu.memory_space<hbm>> -> memref<1280x32xf32, #tpu.memory_space<hbm>>
    %dma_wait3A_756 = arith.constant 0 : i32
    %dma_wait3A_757 = tpu.memref_slice %arg4[%add3A_735, %dma_wait3A_756] : memref<819200x32xf32, #tpu.memory_space<hbm>> -> memref<1280x32xf32, #tpu.memory_space<hbm>>
    %dma_wait3A_758 = arith.constant 0 : i32
    %dma_wait3A_759 = arith.constant 0 : i32
    %dma_wait3A_760 = tpu.memref_slice %arg6[%dma_wait3A_749, %dma_wait3A_758, %dma_wait3A_759] : memref<3x1280x32xf32, #tpu.memory_space<vmem>> -> memref<1x1280x32xf32, #tpu.memory_space<vmem>>
    %dma_wait3A_761 = tpu.memref_squeeze %dma_wait3A_760 : memref<1x1280x32xf32, #tpu.memory_space<vmem>> -> memref<1280x32xf32, #tpu.memory_space<vmem>>
    tpu.wait_dma2 semaphore(%arg13 : memref<!tpu.dma_semaphore, #tpu.memory_space<semaphore_mem>>) src(%dma_wait3A_761 : memref<1280x32xf32, #tpu.memory_space<vmem>>) dst(%dma_wait3A_757 : memref<1280x32xf32, #tpu.memory_space<hbm>>)
    %add3A_762 = arith.constant 15360 : i32
    %add3A_763 = arith.addi %mul3A_2, %add3A_762 : i32
    %dma_start3A_764 = arith.constant 0 : i32
    %dma_start3A_765 = arith.constant 0 : i32
    %dma_start3A_766 = tpu.memref_slice %arg5[%dma_start3A_764, %dma_start3A_765] : memref<3x1280xi32, #tpu.memory_space<vmem>> -> memref<1x1280xi32, #tpu.memory_space<vmem>>
    %dma_start3A_767 = tpu.memref_squeeze %dma_start3A_766 : memref<1x1280xi32, #tpu.memory_space<vmem>> -> memref<1280xi32, #tpu.memory_space<vmem>>
    %dma_start3A_768 = tpu.memref_slice %arg2[%add3A_763] : memref<819200xi32, #tpu.memory_space<hbm>> -> memref<1280xi32, #tpu.memory_space<hbm>>
    %dma_start3A_769 = arith.constant 0 : i32
    %dma_start3A_770 = tpu.memref_slice %arg5[%dma_start3A_764, %dma_start3A_769] : memref<3x1280xi32, #tpu.memory_space<vmem>> -> memref<1x1280xi32, #tpu.memory_space<vmem>>
    %dma_start3A_771 = tpu.memref_squeeze %dma_start3A_770 : memref<1x1280xi32, #tpu.memory_space<vmem>> -> memref<1280xi32, #tpu.memory_space<vmem>>
    %dma_start3A_772 = tpu.memref_slice %arg2[%add3A_763] : memref<819200xi32, #tpu.memory_space<hbm>> -> memref<1280xi32, #tpu.memory_space<hbm>>
    tpu.enqueue_dma source(%dma_start3A_772 : memref<1280xi32, #tpu.memory_space<hbm>>) target(%dma_start3A_771 : memref<1280xi32, #tpu.memory_space<vmem>>) target_semaphore(%arg7 : memref<!tpu.dma_semaphore, #tpu.memory_space<semaphore_mem>>)
    %dma_wait3A_773 = arith.constant 2 : i32
    %dma_wait3A_774 = arith.constant 0 : i32
    %dma_wait3A_775 = tpu.memref_slice %arg5[%dma_wait3A_773, %dma_wait3A_774] : memref<3x1280xi32, #tpu.memory_space<vmem>> -> memref<1x1280xi32, #tpu.memory_space<vmem>>
    %dma_wait3A_776 = tpu.memref_squeeze %dma_wait3A_775 : memref<1x1280xi32, #tpu.memory_space<vmem>> -> memref<1280xi32, #tpu.memory_space<vmem>>
    %dma_wait3A_777 = tpu.memref_slice %arg2[%add3A_691] : memref<819200xi32, #tpu.memory_space<hbm>> -> memref<1280xi32, #tpu.memory_space<hbm>>
    %dma_wait3A_778 = arith.constant 0 : i32
    %dma_wait3A_779 = tpu.memref_slice %arg5[%dma_wait3A_773, %dma_wait3A_778] : memref<3x1280xi32, #tpu.memory_space<vmem>> -> memref<1x1280xi32, #tpu.memory_space<vmem>>
    %dma_wait3A_780 = tpu.memref_squeeze %dma_wait3A_779 : memref<1x1280xi32, #tpu.memory_space<vmem>> -> memref<1280xi32, #tpu.memory_space<vmem>>
    %dma_wait3A_781 = tpu.memref_slice %arg2[%add3A_691] : memref<819200xi32, #tpu.memory_space<hbm>> -> memref<1280xi32, #tpu.memory_space<hbm>>
    tpu.wait_dma2 semaphore(%arg9 : memref<!tpu.dma_semaphore, #tpu.memory_space<semaphore_mem>>) src(%dma_wait3A_781 : memref<1280xi32, #tpu.memory_space<hbm>>) dst(%dma_wait3A_780 : memref<1280xi32, #tpu.memory_space<vmem>>)
    %dma_start3A_782 = arith.constant 2 : i32
    %dma_start3A_783 = arith.constant 2 : i32
    %dma_start3A_784 = arith.constant 0 : i32
    %dma_start3A_785 = arith.constant 0 : i32
    %dma_start3A_786 = tpu.memref_slice %arg6[%dma_start3A_783, %dma_start3A_784, %dma_start3A_785] : memref<3x1280x32xf32, #tpu.memory_space<vmem>> -> memref<1x1280x32xf32, #tpu.memory_space<vmem>>
    %dma_start3A_787 = tpu.memref_squeeze %dma_start3A_786 : memref<1x1280x32xf32, #tpu.memory_space<vmem>> -> memref<1280x32xf32, #tpu.memory_space<vmem>>
    %dma_start3A_788 = arith.constant 0 : i32
    %dma_start3A_789 = tpu.memref_slice %arg5[%dma_start3A_782, %dma_start3A_788] : memref<3x1280xi32, #tpu.memory_space<vmem>> -> memref<1x1280xi32, #tpu.memory_space<vmem>>
    %dma_start3A_790 = tpu.memref_squeeze %dma_start3A_789 : memref<1x1280xi32, #tpu.memory_space<vmem>> -> memref<1280xi32, #tpu.memory_space<vmem>>
    %dma_start3A_791 = arith.constant 0 : i32
    %dma_start3A_792 = arith.constant 0 : i32
    %dma_start3A_793 = tpu.memref_slice %arg3[%dma_start3A_791, %dma_start3A_792] : memref<1000000x32xf32, #tpu.memory_space<hbm>> -> memref<1000000x32xf32, #tpu.memory_space<hbm>>
    tpu.enqueue_indirect_dma source(%dma_start3A_793 : memref<1000000x32xf32, #tpu.memory_space<hbm>>) target(%dma_start3A_787 : memref<1280x32xf32, #tpu.memory_space<vmem>>) offsets(%dma_start3A_790 : memref<1280xi32, #tpu.memory_space<vmem>>) semaphore(%arg12 : memref<!tpu.dma_semaphore, #tpu.memory_space<semaphore_mem>>)
    %dma_wait3A_794 = arith.constant 1 : i32
    %dma_wait3A_795 = arith.constant 1 : i32
    %dma_wait3A_796 = arith.constant 0 : i32
    %dma_wait3A_797 = arith.constant 0 : i32
    %dma_wait3A_798 = tpu.memref_slice %arg6[%dma_wait3A_795, %dma_wait3A_796, %dma_wait3A_797] : memref<3x1280x32xf32, #tpu.memory_space<vmem>> -> memref<1x1280x32xf32, #tpu.memory_space<vmem>>
    %dma_wait3A_799 = tpu.memref_squeeze %dma_wait3A_798 : memref<1x1280x32xf32, #tpu.memory_space<vmem>> -> memref<1280x32xf32, #tpu.memory_space<vmem>>
    %dma_wait3A_800 = arith.constant 0 : i32
    %dma_wait3A_801 = tpu.memref_slice %arg5[%dma_wait3A_794, %dma_wait3A_800] : memref<3x1280xi32, #tpu.memory_space<vmem>> -> memref<1x1280xi32, #tpu.memory_space<vmem>>
    %dma_wait3A_802 = tpu.memref_squeeze %dma_wait3A_801 : memref<1x1280xi32, #tpu.memory_space<vmem>> -> memref<1280xi32, #tpu.memory_space<vmem>>
    %dma_wait3A_803 = arith.constant 0 : i32
    %dma_wait3A_804 = arith.constant 0 : i32
    %dma_wait3A_805 = tpu.memref_slice %arg3[%dma_wait3A_803, %dma_wait3A_804] : memref<1000000x32xf32, #tpu.memory_space<hbm>> -> memref<1000000x32xf32, #tpu.memory_space<hbm>>
    tpu.wait_indirect_dma semaphore(%arg11 : memref<!tpu.dma_semaphore, #tpu.memory_space<semaphore_mem>>) src(%dma_wait3A_805 : memref<1000000x32xf32, #tpu.memory_space<hbm>>) dst(%dma_wait3A_799 : memref<1280x32xf32, #tpu.memory_space<vmem>>)
    %add3A_806 = arith.constant 12800 : i32
    %add3A_807 = arith.addi %mul3A_2, %add3A_806 : i32
    %dma_start3A_808 = arith.constant 1 : i32
    %dma_start3A_809 = arith.constant 0 : i32
    %dma_start3A_810 = arith.constant 0 : i32
    %dma_start3A_811 = tpu.memref_slice %arg6[%dma_start3A_808, %dma_start3A_809, %dma_start3A_810] : memref<3x1280x32xf32, #tpu.memory_space<vmem>> -> memref<1x1280x32xf32, #tpu.memory_space<vmem>>
    %dma_start3A_812 = tpu.memref_squeeze %dma_start3A_811 : memref<1x1280x32xf32, #tpu.memory_space<vmem>> -> memref<1280x32xf32, #tpu.memory_space<vmem>>
    %dma_start3A_813 = arith.constant 0 : i32
    %dma_start3A_814 = tpu.memref_slice %arg4[%add3A_807, %dma_start3A_813] : memref<819200x32xf32, #tpu.memory_space<hbm>> -> memref<1280x32xf32, #tpu.memory_space<hbm>>
    %dma_start3A_815 = arith.constant 0 : i32
    %dma_start3A_816 = tpu.memref_slice %arg4[%add3A_807, %dma_start3A_815] : memref<819200x32xf32, #tpu.memory_space<hbm>> -> memref<1280x32xf32, #tpu.memory_space<hbm>>
    %dma_start3A_817 = arith.constant 0 : i32
    %dma_start3A_818 = arith.constant 0 : i32
    %dma_start3A_819 = tpu.memref_slice %arg6[%dma_start3A_808, %dma_start3A_817, %dma_start3A_818] : memref<3x1280x32xf32, #tpu.memory_space<vmem>> -> memref<1x1280x32xf32, #tpu.memory_space<vmem>>
    %dma_start3A_820 = tpu.memref_squeeze %dma_start3A_819 : memref<1x1280x32xf32, #tpu.memory_space<vmem>> -> memref<1280x32xf32, #tpu.memory_space<vmem>>
    tpu.enqueue_dma source(%dma_start3A_820 : memref<1280x32xf32, #tpu.memory_space<vmem>>) target(%dma_start3A_816 : memref<1280x32xf32, #tpu.memory_space<hbm>>) target_semaphore(%arg14 : memref<!tpu.dma_semaphore, #tpu.memory_space<semaphore_mem>>)
    %dma_wait3A_821 = arith.constant 1 : i32
    %dma_wait3A_822 = arith.constant 0 : i32
    %dma_wait3A_823 = arith.constant 0 : i32
    %dma_wait3A_824 = tpu.memref_slice %arg6[%dma_wait3A_821, %dma_wait3A_822, %dma_wait3A_823] : memref<3x1280x32xf32, #tpu.memory_space<vmem>> -> memref<1x1280x32xf32, #tpu.memory_space<vmem>>
    %dma_wait3A_825 = tpu.memref_squeeze %dma_wait3A_824 : memref<1x1280x32xf32, #tpu.memory_space<vmem>> -> memref<1280x32xf32, #tpu.memory_space<vmem>>
    %dma_wait3A_826 = arith.constant 0 : i32
    %dma_wait3A_827 = tpu.memref_slice %arg4[%add3A_807, %dma_wait3A_826] : memref<819200x32xf32, #tpu.memory_space<hbm>> -> memref<1280x32xf32, #tpu.memory_space<hbm>>
    %dma_wait3A_828 = arith.constant 0 : i32
    %dma_wait3A_829 = tpu.memref_slice %arg4[%add3A_807, %dma_wait3A_828] : memref<819200x32xf32, #tpu.memory_space<hbm>> -> memref<1280x32xf32, #tpu.memory_space<hbm>>
    %dma_wait3A_830 = arith.constant 0 : i32
    %dma_wait3A_831 = arith.constant 0 : i32
    %dma_wait3A_832 = tpu.memref_slice %arg6[%dma_wait3A_821, %dma_wait3A_830, %dma_wait3A_831] : memref<3x1280x32xf32, #tpu.memory_space<vmem>> -> memref<1x1280x32xf32, #tpu.memory_space<vmem>>
    %dma_wait3A_833 = tpu.memref_squeeze %dma_wait3A_832 : memref<1x1280x32xf32, #tpu.memory_space<vmem>> -> memref<1280x32xf32, #tpu.memory_space<vmem>>
    tpu.wait_dma2 semaphore(%arg14 : memref<!tpu.dma_semaphore, #tpu.memory_space<semaphore_mem>>) src(%dma_wait3A_833 : memref<1280x32xf32, #tpu.memory_space<vmem>>) dst(%dma_wait3A_829 : memref<1280x32xf32, #tpu.memory_space<hbm>>)
    %add3A_834 = arith.constant 16640 : i32
    %add3A_835 = arith.addi %mul3A_2, %add3A_834 : i32
    %dma_start3A_836 = arith.constant 1 : i32
    %dma_start3A_837 = arith.constant 0 : i32
    %dma_start3A_838 = tpu.memref_slice %arg5[%dma_start3A_836, %dma_start3A_837] : memref<3x1280xi32, #tpu.memory_space<vmem>> -> memref<1x1280xi32, #tpu.memory_space<vmem>>
    %dma_start3A_839 = tpu.memref_squeeze %dma_start3A_838 : memref<1x1280xi32, #tpu.memory_space<vmem>> -> memref<1280xi32, #tpu.memory_space<vmem>>
    %dma_start3A_840 = tpu.memref_slice %arg2[%add3A_835] : memref<819200xi32, #tpu.memory_space<hbm>> -> memref<1280xi32, #tpu.memory_space<hbm>>
    %dma_start3A_841 = arith.constant 0 : i32
    %dma_start3A_842 = tpu.memref_slice %arg5[%dma_start3A_836, %dma_start3A_841] : memref<3x1280xi32, #tpu.memory_space<vmem>> -> memref<1x1280xi32, #tpu.memory_space<vmem>>
    %dma_start3A_843 = tpu.memref_squeeze %dma_start3A_842 : memref<1x1280xi32, #tpu.memory_space<vmem>> -> memref<1280xi32, #tpu.memory_space<vmem>>
    %dma_start3A_844 = tpu.memref_slice %arg2[%add3A_835] : memref<819200xi32, #tpu.memory_space<hbm>> -> memref<1280xi32, #tpu.memory_space<hbm>>
    tpu.enqueue_dma source(%dma_start3A_844 : memref<1280xi32, #tpu.memory_space<hbm>>) target(%dma_start3A_843 : memref<1280xi32, #tpu.memory_space<vmem>>) target_semaphore(%arg8 : memref<!tpu.dma_semaphore, #tpu.memory_space<semaphore_mem>>)
    %dma_wait3A_845 = arith.constant 0 : i32
    %dma_wait3A_846 = arith.constant 0 : i32
    %dma_wait3A_847 = tpu.memref_slice %arg5[%dma_wait3A_845, %dma_wait3A_846] : memref<3x1280xi32, #tpu.memory_space<vmem>> -> memref<1x1280xi32, #tpu.memory_space<vmem>>
    %dma_wait3A_848 = tpu.memref_squeeze %dma_wait3A_847 : memref<1x1280xi32, #tpu.memory_space<vmem>> -> memref<1280xi32, #tpu.memory_space<vmem>>
    %dma_wait3A_849 = tpu.memref_slice %arg2[%add3A_763] : memref<819200xi32, #tpu.memory_space<hbm>> -> memref<1280xi32, #tpu.memory_space<hbm>>
    %dma_wait3A_850 = arith.constant 0 : i32
    %dma_wait3A_851 = tpu.memref_slice %arg5[%dma_wait3A_845, %dma_wait3A_850] : memref<3x1280xi32, #tpu.memory_space<vmem>> -> memref<1x1280xi32, #tpu.memory_space<vmem>>
    %dma_wait3A_852 = tpu.memref_squeeze %dma_wait3A_851 : memref<1x1280xi32, #tpu.memory_space<vmem>> -> memref<1280xi32, #tpu.memory_space<vmem>>
    %dma_wait3A_853 = tpu.memref_slice %arg2[%add3A_763] : memref<819200xi32, #tpu.memory_space<hbm>> -> memref<1280xi32, #tpu.memory_space<hbm>>
    tpu.wait_dma2 semaphore(%arg7 : memref<!tpu.dma_semaphore, #tpu.memory_space<semaphore_mem>>) src(%dma_wait3A_853 : memref<1280xi32, #tpu.memory_space<hbm>>) dst(%dma_wait3A_852 : memref<1280xi32, #tpu.memory_space<vmem>>)
    %dma_start3A_854 = arith.constant 0 : i32
    %dma_start3A_855 = arith.constant 0 : i32
    %dma_start3A_856 = arith.constant 0 : i32
    %dma_start3A_857 = arith.constant 0 : i32
    %dma_start3A_858 = tpu.memref_slice %arg6[%dma_start3A_855, %dma_start3A_856, %dma_start3A_857] : memref<3x1280x32xf32, #tpu.memory_space<vmem>> -> memref<1x1280x32xf32, #tpu.memory_space<vmem>>
    %dma_start3A_859 = tpu.memref_squeeze %dma_start3A_858 : memref<1x1280x32xf32, #tpu.memory_space<vmem>> -> memref<1280x32xf32, #tpu.memory_space<vmem>>
    %dma_start3A_860 = arith.constant 0 : i32
    %dma_start3A_861 = tpu.memref_slice %arg5[%dma_start3A_854, %dma_start3A_860] : memref<3x1280xi32, #tpu.memory_space<vmem>> -> memref<1x1280xi32, #tpu.memory_space<vmem>>
    %dma_start3A_862 = tpu.memref_squeeze %dma_start3A_861 : memref<1x1280xi32, #tpu.memory_space<vmem>> -> memref<1280xi32, #tpu.memory_space<vmem>>
    %dma_start3A_863 = arith.constant 0 : i32
    %dma_start3A_864 = arith.constant 0 : i32
    %dma_start3A_865 = tpu.memref_slice %arg3[%dma_start3A_863, %dma_start3A_864] : memref<1000000x32xf32, #tpu.memory_space<hbm>> -> memref<1000000x32xf32, #tpu.memory_space<hbm>>
    tpu.enqueue_indirect_dma source(%dma_start3A_865 : memref<1000000x32xf32, #tpu.memory_space<hbm>>) target(%dma_start3A_859 : memref<1280x32xf32, #tpu.memory_space<vmem>>) offsets(%dma_start3A_862 : memref<1280xi32, #tpu.memory_space<vmem>>) semaphore(%arg10 : memref<!tpu.dma_semaphore, #tpu.memory_space<semaphore_mem>>)
    %dma_wait3A_866 = arith.constant 2 : i32
    %dma_wait3A_867 = arith.constant 2 : i32
    %dma_wait3A_868 = arith.constant 0 : i32
    %dma_wait3A_869 = arith.constant 0 : i32
    %dma_wait3A_870 = tpu.memref_slice %arg6[%dma_wait3A_867, %dma_wait3A_868, %dma_wait3A_869] : memref<3x1280x32xf32, #tpu.memory_space<vmem>> -> memref<1x1280x32xf32, #tpu.memory_space<vmem>>
    %dma_wait3A_871 = tpu.memref_squeeze %dma_wait3A_870 : memref<1x1280x32xf32, #tpu.memory_space<vmem>> -> memref<1280x32xf32, #tpu.memory_space<vmem>>
    %dma_wait3A_872 = arith.constant 0 : i32
    %dma_wait3A_873 = tpu.memref_slice %arg5[%dma_wait3A_866, %dma_wait3A_872] : memref<3x1280xi32, #tpu.memory_space<vmem>> -> memref<1x1280xi32, #tpu.memory_space<vmem>>
    %dma_wait3A_874 = tpu.memref_squeeze %dma_wait3A_873 : memref<1x1280xi32, #tpu.memory_space<vmem>> -> memref<1280xi32, #tpu.memory_space<vmem>>
    %dma_wait3A_875 = arith.constant 0 : i32
    %dma_wait3A_876 = arith.constant 0 : i32
    %dma_wait3A_877 = tpu.memref_slice %arg3[%dma_wait3A_875, %dma_wait3A_876] : memref<1000000x32xf32, #tpu.memory_space<hbm>> -> memref<1000000x32xf32, #tpu.memory_space<hbm>>
    tpu.wait_indirect_dma semaphore(%arg12 : memref<!tpu.dma_semaphore, #tpu.memory_space<semaphore_mem>>) src(%dma_wait3A_877 : memref<1000000x32xf32, #tpu.memory_space<hbm>>) dst(%dma_wait3A_871 : memref<1280x32xf32, #tpu.memory_space<vmem>>)
    %add3A_878 = arith.constant 14080 : i32
    %add3A_879 = arith.addi %mul3A_2, %add3A_878 : i32
    %dma_start3A_880 = arith.constant 2 : i32
    %dma_start3A_881 = arith.constant 0 : i32
    %dma_start3A_882 = arith.constant 0 : i32
    %dma_start3A_883 = tpu.memref_slice %arg6[%dma_start3A_880, %dma_start3A_881, %dma_start3A_882] : memref<3x1280x32xf32, #tpu.memory_space<vmem>> -> memref<1x1280x32xf32, #tpu.memory_space<vmem>>
    %dma_start3A_884 = tpu.memref_squeeze %dma_start3A_883 : memref<1x1280x32xf32, #tpu.memory_space<vmem>> -> memref<1280x32xf32, #tpu.memory_space<vmem>>
    %dma_start3A_885 = arith.constant 0 : i32
    %dma_start3A_886 = tpu.memref_slice %arg4[%add3A_879, %dma_start3A_885] : memref<819200x32xf32, #tpu.memory_space<hbm>> -> memref<1280x32xf32, #tpu.memory_space<hbm>>
    %dma_start3A_887 = arith.constant 0 : i32
    %dma_start3A_888 = tpu.memref_slice %arg4[%add3A_879, %dma_start3A_887] : memref<819200x32xf32, #tpu.memory_space<hbm>> -> memref<1280x32xf32, #tpu.memory_space<hbm>>
    %dma_start3A_889 = arith.constant 0 : i32
    %dma_start3A_890 = arith.constant 0 : i32
    %dma_start3A_891 = tpu.memref_slice %arg6[%dma_start3A_880, %dma_start3A_889, %dma_start3A_890] : memref<3x1280x32xf32, #tpu.memory_space<vmem>> -> memref<1x1280x32xf32, #tpu.memory_space<vmem>>
    %dma_start3A_892 = tpu.memref_squeeze %dma_start3A_891 : memref<1x1280x32xf32, #tpu.memory_space<vmem>> -> memref<1280x32xf32, #tpu.memory_space<vmem>>
    tpu.enqueue_dma source(%dma_start3A_892 : memref<1280x32xf32, #tpu.memory_space<vmem>>) target(%dma_start3A_888 : memref<1280x32xf32, #tpu.memory_space<hbm>>) target_semaphore(%arg15 : memref<!tpu.dma_semaphore, #tpu.memory_space<semaphore_mem>>)
    %dma_wait3A_893 = arith.constant 2 : i32
    %dma_wait3A_894 = arith.constant 0 : i32
    %dma_wait3A_895 = arith.constant 0 : i32
    %dma_wait3A_896 = tpu.memref_slice %arg6[%dma_wait3A_893, %dma_wait3A_894, %dma_wait3A_895] : memref<3x1280x32xf32, #tpu.memory_space<vmem>> -> memref<1x1280x32xf32, #tpu.memory_space<vmem>>
    %dma_wait3A_897 = tpu.memref_squeeze %dma_wait3A_896 : memref<1x1280x32xf32, #tpu.memory_space<vmem>> -> memref<1280x32xf32, #tpu.memory_space<vmem>>
    %dma_wait3A_898 = arith.constant 0 : i32
    %dma_wait3A_899 = tpu.memref_slice %arg4[%add3A_879, %dma_wait3A_898] : memref<819200x32xf32, #tpu.memory_space<hbm>> -> memref<1280x32xf32, #tpu.memory_space<hbm>>
    %dma_wait3A_900 = arith.constant 0 : i32
    %dma_wait3A_901 = tpu.memref_slice %arg4[%add3A_879, %dma_wait3A_900] : memref<819200x32xf32, #tpu.memory_space<hbm>> -> memref<1280x32xf32, #tpu.memory_space<hbm>>
    %dma_wait3A_902 = arith.constant 0 : i32
    %dma_wait3A_903 = arith.constant 0 : i32
    %dma_wait3A_904 = tpu.memref_slice %arg6[%dma_wait3A_893, %dma_wait3A_902, %dma_wait3A_903] : memref<3x1280x32xf32, #tpu.memory_space<vmem>> -> memref<1x1280x32xf32, #tpu.memory_space<vmem>>
    %dma_wait3A_905 = tpu.memref_squeeze %dma_wait3A_904 : memref<1x1280x32xf32, #tpu.memory_space<vmem>> -> memref<1280x32xf32, #tpu.memory_space<vmem>>
    tpu.wait_dma2 semaphore(%arg15 : memref<!tpu.dma_semaphore, #tpu.memory_space<semaphore_mem>>) src(%dma_wait3A_905 : memref<1280x32xf32, #tpu.memory_space<vmem>>) dst(%dma_wait3A_901 : memref<1280x32xf32, #tpu.memory_space<hbm>>)
    %add3A_906 = arith.constant 17920 : i32
    %add3A_907 = arith.addi %mul3A_2, %add3A_906 : i32
    %dma_start3A_908 = arith.constant 2 : i32
    %dma_start3A_909 = arith.constant 0 : i32
    %dma_start3A_910 = tpu.memref_slice %arg5[%dma_start3A_908, %dma_start3A_909] : memref<3x1280xi32, #tpu.memory_space<vmem>> -> memref<1x1280xi32, #tpu.memory_space<vmem>>
    %dma_start3A_911 = tpu.memref_squeeze %dma_start3A_910 : memref<1x1280xi32, #tpu.memory_space<vmem>> -> memref<1280xi32, #tpu.memory_space<vmem>>
    %dma_start3A_912 = tpu.memref_slice %arg2[%add3A_907] : memref<819200xi32, #tpu.memory_space<hbm>> -> memref<1280xi32, #tpu.memory_space<hbm>>
    %dma_start3A_913 = arith.constant 0 : i32
    %dma_start3A_914 = tpu.memref_slice %arg5[%dma_start3A_908, %dma_start3A_913] : memref<3x1280xi32, #tpu.memory_space<vmem>> -> memref<1x1280xi32, #tpu.memory_space<vmem>>
    %dma_start3A_915 = tpu.memref_squeeze %dma_start3A_914 : memref<1x1280xi32, #tpu.memory_space<vmem>> -> memref<1280xi32, #tpu.memory_space<vmem>>
    %dma_start3A_916 = tpu.memref_slice %arg2[%add3A_907] : memref<819200xi32, #tpu.memory_space<hbm>> -> memref<1280xi32, #tpu.memory_space<hbm>>
    tpu.enqueue_dma source(%dma_start3A_916 : memref<1280xi32, #tpu.memory_space<hbm>>) target(%dma_start3A_915 : memref<1280xi32, #tpu.memory_space<vmem>>) target_semaphore(%arg9 : memref<!tpu.dma_semaphore, #tpu.memory_space<semaphore_mem>>)
    %dma_wait3A_917 = arith.constant 1 : i32
    %dma_wait3A_918 = arith.constant 0 : i32
    %dma_wait3A_919 = tpu.memref_slice %arg5[%dma_wait3A_917, %dma_wait3A_918] : memref<3x1280xi32, #tpu.memory_space<vmem>> -> memref<1x1280xi32, #tpu.memory_space<vmem>>
    %dma_wait3A_920 = tpu.memref_squeeze %dma_wait3A_919 : memref<1x1280xi32, #tpu.memory_space<vmem>> -> memref<1280xi32, #tpu.memory_space<vmem>>
    %dma_wait3A_921 = tpu.memref_slice %arg2[%add3A_835] : memref<819200xi32, #tpu.memory_space<hbm>> -> memref<1280xi32, #tpu.memory_space<hbm>>
    %dma_wait3A_922 = arith.constant 0 : i32
    %dma_wait3A_923 = tpu.memref_slice %arg5[%dma_wait3A_917, %dma_wait3A_922] : memref<3x1280xi32, #tpu.memory_space<vmem>> -> memref<1x1280xi32, #tpu.memory_space<vmem>>
    %dma_wait3A_924 = tpu.memref_squeeze %dma_wait3A_923 : memref<1x1280xi32, #tpu.memory_space<vmem>> -> memref<1280xi32, #tpu.memory_space<vmem>>
    %dma_wait3A_925 = tpu.memref_slice %arg2[%add3A_835] : memref<819200xi32, #tpu.memory_space<hbm>> -> memref<1280xi32, #tpu.memory_space<hbm>>
    tpu.wait_dma2 semaphore(%arg8 : memref<!tpu.dma_semaphore, #tpu.memory_space<semaphore_mem>>) src(%dma_wait3A_925 : memref<1280xi32, #tpu.memory_space<hbm>>) dst(%dma_wait3A_924 : memref<1280xi32, #tpu.memory_space<vmem>>)
    %dma_start3A_926 = arith.constant 1 : i32
    %dma_start3A_927 = arith.constant 1 : i32
    %dma_start3A_928 = arith.constant 0 : i32
    %dma_start3A_929 = arith.constant 0 : i32
    %dma_start3A_930 = tpu.memref_slice %arg6[%dma_start3A_927, %dma_start3A_928, %dma_start3A_929] : memref<3x1280x32xf32, #tpu.memory_space<vmem>> -> memref<1x1280x32xf32, #tpu.memory_space<vmem>>
    %dma_start3A_931 = tpu.memref_squeeze %dma_start3A_930 : memref<1x1280x32xf32, #tpu.memory_space<vmem>> -> memref<1280x32xf32, #tpu.memory_space<vmem>>
    %dma_start3A_932 = arith.constant 0 : i32
    %dma_start3A_933 = tpu.memref_slice %arg5[%dma_start3A_926, %dma_start3A_932] : memref<3x1280xi32, #tpu.memory_space<vmem>> -> memref<1x1280xi32, #tpu.memory_space<vmem>>
    %dma_start3A_934 = tpu.memref_squeeze %dma_start3A_933 : memref<1x1280xi32, #tpu.memory_space<vmem>> -> memref<1280xi32, #tpu.memory_space<vmem>>
    %dma_start3A_935 = arith.constant 0 : i32
    %dma_start3A_936 = arith.constant 0 : i32
    %dma_start3A_937 = tpu.memref_slice %arg3[%dma_start3A_935, %dma_start3A_936] : memref<1000000x32xf32, #tpu.memory_space<hbm>> -> memref<1000000x32xf32, #tpu.memory_space<hbm>>
    tpu.enqueue_indirect_dma source(%dma_start3A_937 : memref<1000000x32xf32, #tpu.memory_space<hbm>>) target(%dma_start3A_931 : memref<1280x32xf32, #tpu.memory_space<vmem>>) offsets(%dma_start3A_934 : memref<1280xi32, #tpu.memory_space<vmem>>) semaphore(%arg11 : memref<!tpu.dma_semaphore, #tpu.memory_space<semaphore_mem>>)
    %dma_wait3A_938 = arith.constant 0 : i32
    %dma_wait3A_939 = arith.constant 0 : i32
    %dma_wait3A_940 = arith.constant 0 : i32
    %dma_wait3A_941 = arith.constant 0 : i32
    %dma_wait3A_942 = tpu.memref_slice %arg6[%dma_wait3A_939, %dma_wait3A_940, %dma_wait3A_941] : memref<3x1280x32xf32, #tpu.memory_space<vmem>> -> memref<1x1280x32xf32, #tpu.memory_space<vmem>>
    %dma_wait3A_943 = tpu.memref_squeeze %dma_wait3A_942 : memref<1x1280x32xf32, #tpu.memory_space<vmem>> -> memref<1280x32xf32, #tpu.memory_space<vmem>>
    %dma_wait3A_944 = arith.constant 0 : i32
    %dma_wait3A_945 = tpu.memref_slice %arg5[%dma_wait3A_938, %dma_wait3A_944] : memref<3x1280xi32, #tpu.memory_space<vmem>> -> memref<1x1280xi32, #tpu.memory_space<vmem>>
    %dma_wait3A_946 = tpu.memref_squeeze %dma_wait3A_945 : memref<1x1280xi32, #tpu.memory_space<vmem>> -> memref<1280xi32, #tpu.memory_space<vmem>>
    %dma_wait3A_947 = arith.constant 0 : i32
    %dma_wait3A_948 = arith.constant 0 : i32
    %dma_wait3A_949 = tpu.memref_slice %arg3[%dma_wait3A_947, %dma_wait3A_948] : memref<1000000x32xf32, #tpu.memory_space<hbm>> -> memref<1000000x32xf32, #tpu.memory_space<hbm>>
    tpu.wait_indirect_dma semaphore(%arg10 : memref<!tpu.dma_semaphore, #tpu.memory_space<semaphore_mem>>) src(%dma_wait3A_949 : memref<1000000x32xf32, #tpu.memory_space<hbm>>) dst(%dma_wait3A_943 : memref<1280x32xf32, #tpu.memory_space<vmem>>)
    %add3A_950 = arith.constant 15360 : i32
    %add3A_951 = arith.addi %mul3A_2, %add3A_950 : i32
    %dma_start3A_952 = arith.constant 0 : i32
    %dma_start3A_953 = arith.constant 0 : i32
    %dma_start3A_954 = arith.constant 0 : i32
    %dma_start3A_955 = tpu.memref_slice %arg6[%dma_start3A_952, %dma_start3A_953, %dma_start3A_954] : memref<3x1280x32xf32, #tpu.memory_space<vmem>> -> memref<1x1280x32xf32, #tpu.memory_space<vmem>>
    %dma_start3A_956 = tpu.memref_squeeze %dma_start3A_955 : memref<1x1280x32xf32, #tpu.memory_space<vmem>> -> memref<1280x32xf32, #tpu.memory_space<vmem>>
    %dma_start3A_957 = arith.constant 0 : i32
    %dma_start3A_958 = tpu.memref_slice %arg4[%add3A_951, %dma_start3A_957] : memref<819200x32xf32, #tpu.memory_space<hbm>> -> memref<1280x32xf32, #tpu.memory_space<hbm>>
    %dma_start3A_959 = arith.constant 0 : i32
    %dma_start3A_960 = tpu.memref_slice %arg4[%add3A_951, %dma_start3A_959] : memref<819200x32xf32, #tpu.memory_space<hbm>> -> memref<1280x32xf32, #tpu.memory_space<hbm>>
    %dma_start3A_961 = arith.constant 0 : i32
    %dma_start3A_962 = arith.constant 0 : i32
    %dma_start3A_963 = tpu.memref_slice %arg6[%dma_start3A_952, %dma_start3A_961, %dma_start3A_962] : memref<3x1280x32xf32, #tpu.memory_space<vmem>> -> memref<1x1280x32xf32, #tpu.memory_space<vmem>>
    %dma_start3A_964 = tpu.memref_squeeze %dma_start3A_963 : memref<1x1280x32xf32, #tpu.memory_space<vmem>> -> memref<1280x32xf32, #tpu.memory_space<vmem>>
    tpu.enqueue_dma source(%dma_start3A_964 : memref<1280x32xf32, #tpu.memory_space<vmem>>) target(%dma_start3A_960 : memref<1280x32xf32, #tpu.memory_space<hbm>>) target_semaphore(%arg13 : memref<!tpu.dma_semaphore, #tpu.memory_space<semaphore_mem>>)
    %dma_wait3A_965 = arith.constant 0 : i32
    %dma_wait3A_966 = arith.constant 0 : i32
    %dma_wait3A_967 = arith.constant 0 : i32
    %dma_wait3A_968 = tpu.memref_slice %arg6[%dma_wait3A_965, %dma_wait3A_966, %dma_wait3A_967] : memref<3x1280x32xf32, #tpu.memory_space<vmem>> -> memref<1x1280x32xf32, #tpu.memory_space<vmem>>
    %dma_wait3A_969 = tpu.memref_squeeze %dma_wait3A_968 : memref<1x1280x32xf32, #tpu.memory_space<vmem>> -> memref<1280x32xf32, #tpu.memory_space<vmem>>
    %dma_wait3A_970 = arith.constant 0 : i32
    %dma_wait3A_971 = tpu.memref_slice %arg4[%add3A_951, %dma_wait3A_970] : memref<819200x32xf32, #tpu.memory_space<hbm>> -> memref<1280x32xf32, #tpu.memory_space<hbm>>
    %dma_wait3A_972 = arith.constant 0 : i32
    %dma_wait3A_973 = tpu.memref_slice %arg4[%add3A_951, %dma_wait3A_972] : memref<819200x32xf32, #tpu.memory_space<hbm>> -> memref<1280x32xf32, #tpu.memory_space<hbm>>
    %dma_wait3A_974 = arith.constant 0 : i32
    %dma_wait3A_975 = arith.constant 0 : i32
    %dma_wait3A_976 = tpu.memref_slice %arg6[%dma_wait3A_965, %dma_wait3A_974, %dma_wait3A_975] : memref<3x1280x32xf32, #tpu.memory_space<vmem>> -> memref<1x1280x32xf32, #tpu.memory_space<vmem>>
    %dma_wait3A_977 = tpu.memref_squeeze %dma_wait3A_976 : memref<1x1280x32xf32, #tpu.memory_space<vmem>> -> memref<1280x32xf32, #tpu.memory_space<vmem>>
    tpu.wait_dma2 semaphore(%arg13 : memref<!tpu.dma_semaphore, #tpu.memory_space<semaphore_mem>>) src(%dma_wait3A_977 : memref<1280x32xf32, #tpu.memory_space<vmem>>) dst(%dma_wait3A_973 : memref<1280x32xf32, #tpu.memory_space<hbm>>)
    %add3A_978 = arith.constant 19200 : i32
    %add3A_979 = arith.addi %mul3A_2, %add3A_978 : i32
    %dma_start3A_980 = arith.constant 0 : i32
    %dma_start3A_981 = arith.constant 0 : i32
    %dma_start3A_982 = tpu.memref_slice %arg5[%dma_start3A_980, %dma_start3A_981] : memref<3x1280xi32, #tpu.memory_space<vmem>> -> memref<1x1280xi32, #tpu.memory_space<vmem>>
    %dma_start3A_983 = tpu.memref_squeeze %dma_start3A_982 : memref<1x1280xi32, #tpu.memory_space<vmem>> -> memref<1280xi32, #tpu.memory_space<vmem>>
    %dma_start3A_984 = tpu.memref_slice %arg2[%add3A_979] : memref<819200xi32, #tpu.memory_space<hbm>> -> memref<1280xi32, #tpu.memory_space<hbm>>
    %dma_start3A_985 = arith.constant 0 : i32
    %dma_start3A_986 = tpu.memref_slice %arg5[%dma_start3A_980, %dma_start3A_985] : memref<3x1280xi32, #tpu.memory_space<vmem>> -> memref<1x1280xi32, #tpu.memory_space<vmem>>
    %dma_start3A_987 = tpu.memref_squeeze %dma_start3A_986 : memref<1x1280xi32, #tpu.memory_space<vmem>> -> memref<1280xi32, #tpu.memory_space<vmem>>
    %dma_start3A_988 = tpu.memref_slice %arg2[%add3A_979] : memref<819200xi32, #tpu.memory_space<hbm>> -> memref<1280xi32, #tpu.memory_space<hbm>>
    tpu.enqueue_dma source(%dma_start3A_988 : memref<1280xi32, #tpu.memory_space<hbm>>) target(%dma_start3A_987 : memref<1280xi32, #tpu.memory_space<vmem>>) target_semaphore(%arg7 : memref<!tpu.dma_semaphore, #tpu.memory_space<semaphore_mem>>)
    %dma_wait3A_989 = arith.constant 2 : i32
    %dma_wait3A_990 = arith.constant 0 : i32
    %dma_wait3A_991 = tpu.memref_slice %arg5[%dma_wait3A_989, %dma_wait3A_990] : memref<3x1280xi32, #tpu.memory_space<vmem>> -> memref<1x1280xi32, #tpu.memory_space<vmem>>
    %dma_wait3A_992 = tpu.memref_squeeze %dma_wait3A_991 : memref<1x1280xi32, #tpu.memory_space<vmem>> -> memref<1280xi32, #tpu.memory_space<vmem>>
    %dma_wait3A_993 = tpu.memref_slice %arg2[%add3A_907] : memref<819200xi32, #tpu.memory_space<hbm>> -> memref<1280xi32, #tpu.memory_space<hbm>>
    %dma_wait3A_994 = arith.constant 0 : i32
    %dma_wait3A_995 = tpu.memref_slice %arg5[%dma_wait3A_989, %dma_wait3A_994] : memref<3x1280xi32, #tpu.memory_space<vmem>> -> memref<1x1280xi32, #tpu.memory_space<vmem>>
    %dma_wait3A_996 = tpu.memref_squeeze %dma_wait3A_995 : memref<1x1280xi32, #tpu.memory_space<vmem>> -> memref<1280xi32, #tpu.memory_space<vmem>>
    %dma_wait3A_997 = tpu.memref_slice %arg2[%add3A_907] : memref<819200xi32, #tpu.memory_space<hbm>> -> memref<1280xi32, #tpu.memory_space<hbm>>
    tpu.wait_dma2 semaphore(%arg9 : memref<!tpu.dma_semaphore, #tpu.memory_space<semaphore_mem>>) src(%dma_wait3A_997 : memref<1280xi32, #tpu.memory_space<hbm>>) dst(%dma_wait3A_996 : memref<1280xi32, #tpu.memory_space<vmem>>)
    %dma_start3A_998 = arith.constant 2 : i32
    %dma_start3A_999 = arith.constant 2 : i32
    %dma_start3A_1000 = arith.constant 0 : i32
    %dma_start3A_1001 = arith.constant 0 : i32
    %dma_start3A_1002 = tpu.memref_slice %arg6[%dma_start3A_999, %dma_start3A_1000, %dma_start3A_1001] : memref<3x1280x32xf32, #tpu.memory_space<vmem>> -> memref<1x1280x32xf32, #tpu.memory_space<vmem>>
    %dma_start3A_1003 = tpu.memref_squeeze %dma_start3A_1002 : memref<1x1280x32xf32, #tpu.memory_space<vmem>> -> memref<1280x32xf32, #tpu.memory_space<vmem>>
    %dma_start3A_1004 = arith.constant 0 : i32
    %dma_start3A_1005 = tpu.memref_slice %arg5[%dma_start3A_998, %dma_start3A_1004] : memref<3x1280xi32, #tpu.memory_space<vmem>> -> memref<1x1280xi32, #tpu.memory_space<vmem>>
    %dma_start3A_1006 = tpu.memref_squeeze %dma_start3A_1005 : memref<1x1280xi32, #tpu.memory_space<vmem>> -> memref<1280xi32, #tpu.memory_space<vmem>>
    %dma_start3A_1007 = arith.constant 0 : i32
    %dma_start3A_1008 = arith.constant 0 : i32
    %dma_start3A_1009 = tpu.memref_slice %arg3[%dma_start3A_1007, %dma_start3A_1008] : memref<1000000x32xf32, #tpu.memory_space<hbm>> -> memref<1000000x32xf32, #tpu.memory_space<hbm>>
    tpu.enqueue_indirect_dma source(%dma_start3A_1009 : memref<1000000x32xf32, #tpu.memory_space<hbm>>) target(%dma_start3A_1003 : memref<1280x32xf32, #tpu.memory_space<vmem>>) offsets(%dma_start3A_1006 : memref<1280xi32, #tpu.memory_space<vmem>>) semaphore(%arg12 : memref<!tpu.dma_semaphore, #tpu.memory_space<semaphore_mem>>)
    %dma_wait3A_1010 = arith.constant 1 : i32
    %dma_wait3A_1011 = arith.constant 1 : i32
    %dma_wait3A_1012 = arith.constant 0 : i32
    %dma_wait3A_1013 = arith.constant 0 : i32
    %dma_wait3A_1014 = tpu.memref_slice %arg6[%dma_wait3A_1011, %dma_wait3A_1012, %dma_wait3A_1013] : memref<3x1280x32xf32, #tpu.memory_space<vmem>> -> memref<1x1280x32xf32, #tpu.memory_space<vmem>>
    %dma_wait3A_1015 = tpu.memref_squeeze %dma_wait3A_1014 : memref<1x1280x32xf32, #tpu.memory_space<vmem>> -> memref<1280x32xf32, #tpu.memory_space<vmem>>
    %dma_wait3A_1016 = arith.constant 0 : i32
    %dma_wait3A_1017 = tpu.memref_slice %arg5[%dma_wait3A_1010, %dma_wait3A_1016] : memref<3x1280xi32, #tpu.memory_space<vmem>> -> memref<1x1280xi32, #tpu.memory_space<vmem>>
    %dma_wait3A_1018 = tpu.memref_squeeze %dma_wait3A_1017 : memref<1x1280xi32, #tpu.memory_space<vmem>> -> memref<1280xi32, #tpu.memory_space<vmem>>
    %dma_wait3A_1019 = arith.constant 0 : i32
    %dma_wait3A_1020 = arith.constant 0 : i32
    %dma_wait3A_1021 = tpu.memref_slice %arg3[%dma_wait3A_1019, %dma_wait3A_1020] : memref<1000000x32xf32, #tpu.memory_space<hbm>> -> memref<1000000x32xf32, #tpu.memory_space<hbm>>
    tpu.wait_indirect_dma semaphore(%arg11 : memref<!tpu.dma_semaphore, #tpu.memory_space<semaphore_mem>>) src(%dma_wait3A_1021 : memref<1000000x32xf32, #tpu.memory_space<hbm>>) dst(%dma_wait3A_1015 : memref<1280x32xf32, #tpu.memory_space<vmem>>)
    %add3A_1022 = arith.constant 16640 : i32
    %add3A_1023 = arith.addi %mul3A_2, %add3A_1022 : i32
    %dma_start3A_1024 = arith.constant 1 : i32
    %dma_start3A_1025 = arith.constant 0 : i32
    %dma_start3A_1026 = arith.constant 0 : i32
    %dma_start3A_1027 = tpu.memref_slice %arg6[%dma_start3A_1024, %dma_start3A_1025, %dma_start3A_1026] : memref<3x1280x32xf32, #tpu.memory_space<vmem>> -> memref<1x1280x32xf32, #tpu.memory_space<vmem>>
    %dma_start3A_1028 = tpu.memref_squeeze %dma_start3A_1027 : memref<1x1280x32xf32, #tpu.memory_space<vmem>> -> memref<1280x32xf32, #tpu.memory_space<vmem>>
    %dma_start3A_1029 = arith.constant 0 : i32
    %dma_start3A_1030 = tpu.memref_slice %arg4[%add3A_1023, %dma_start3A_1029] : memref<819200x32xf32, #tpu.memory_space<hbm>> -> memref<1280x32xf32, #tpu.memory_space<hbm>>
    %dma_start3A_1031 = arith.constant 0 : i32
    %dma_start3A_1032 = tpu.memref_slice %arg4[%add3A_1023, %dma_start3A_1031] : memref<819200x32xf32, #tpu.memory_space<hbm>> -> memref<1280x32xf32, #tpu.memory_space<hbm>>
    %dma_start3A_1033 = arith.constant 0 : i32
    %dma_start3A_1034 = arith.constant 0 : i32
    %dma_start3A_1035 = tpu.memref_slice %arg6[%dma_start3A_1024, %dma_start3A_1033, %dma_start3A_1034] : memref<3x1280x32xf32, #tpu.memory_space<vmem>> -> memref<1x1280x32xf32, #tpu.memory_space<vmem>>
    %dma_start3A_1036 = tpu.memref_squeeze %dma_start3A_1035 : memref<1x1280x32xf32, #tpu.memory_space<vmem>> -> memref<1280x32xf32, #tpu.memory_space<vmem>>
    tpu.enqueue_dma source(%dma_start3A_1036 : memref<1280x32xf32, #tpu.memory_space<vmem>>) target(%dma_start3A_1032 : memref<1280x32xf32, #tpu.memory_space<hbm>>) target_semaphore(%arg14 : memref<!tpu.dma_semaphore, #tpu.memory_space<semaphore_mem>>)
    %dma_wait3A_1037 = arith.constant 1 : i32
    %dma_wait3A_1038 = arith.constant 0 : i32
    %dma_wait3A_1039 = arith.constant 0 : i32
    %dma_wait3A_1040 = tpu.memref_slice %arg6[%dma_wait3A_1037, %dma_wait3A_1038, %dma_wait3A_1039] : memref<3x1280x32xf32, #tpu.memory_space<vmem>> -> memref<1x1280x32xf32, #tpu.memory_space<vmem>>
    %dma_wait3A_1041 = tpu.memref_squeeze %dma_wait3A_1040 : memref<1x1280x32xf32, #tpu.memory_space<vmem>> -> memref<1280x32xf32, #tpu.memory_space<vmem>>
    %dma_wait3A_1042 = arith.constant 0 : i32
    %dma_wait3A_1043 = tpu.memref_slice %arg4[%add3A_1023, %dma_wait3A_1042] : memref<819200x32xf32, #tpu.memory_space<hbm>> -> memref<1280x32xf32, #tpu.memory_space<hbm>>
    %dma_wait3A_1044 = arith.constant 0 : i32
    %dma_wait3A_1045 = tpu.memref_slice %arg4[%add3A_1023, %dma_wait3A_1044] : memref<819200x32xf32, #tpu.memory_space<hbm>> -> memref<1280x32xf32, #tpu.memory_space<hbm>>
    %dma_wait3A_1046 = arith.constant 0 : i32
    %dma_wait3A_1047 = arith.constant 0 : i32
    %dma_wait3A_1048 = tpu.memref_slice %arg6[%dma_wait3A_1037, %dma_wait3A_1046, %dma_wait3A_1047] : memref<3x1280x32xf32, #tpu.memory_space<vmem>> -> memref<1x1280x32xf32, #tpu.memory_space<vmem>>
    %dma_wait3A_1049 = tpu.memref_squeeze %dma_wait3A_1048 : memref<1x1280x32xf32, #tpu.memory_space<vmem>> -> memref<1280x32xf32, #tpu.memory_space<vmem>>
    tpu.wait_dma2 semaphore(%arg14 : memref<!tpu.dma_semaphore, #tpu.memory_space<semaphore_mem>>) src(%dma_wait3A_1049 : memref<1280x32xf32, #tpu.memory_space<vmem>>) dst(%dma_wait3A_1045 : memref<1280x32xf32, #tpu.memory_space<hbm>>)
    %add3A_1050 = arith.constant 20480 : i32
    %add3A_1051 = arith.addi %mul3A_2, %add3A_1050 : i32
    %dma_start3A_1052 = arith.constant 1 : i32
    %dma_start3A_1053 = arith.constant 0 : i32
    %dma_start3A_1054 = tpu.memref_slice %arg5[%dma_start3A_1052, %dma_start3A_1053] : memref<3x1280xi32, #tpu.memory_space<vmem>> -> memref<1x1280xi32, #tpu.memory_space<vmem>>
    %dma_start3A_1055 = tpu.memref_squeeze %dma_start3A_1054 : memref<1x1280xi32, #tpu.memory_space<vmem>> -> memref<1280xi32, #tpu.memory_space<vmem>>
    %dma_start3A_1056 = tpu.memref_slice %arg2[%add3A_1051] : memref<819200xi32, #tpu.memory_space<hbm>> -> memref<1280xi32, #tpu.memory_space<hbm>>
    %dma_start3A_1057 = arith.constant 0 : i32
    %dma_start3A_1058 = tpu.memref_slice %arg5[%dma_start3A_1052, %dma_start3A_1057] : memref<3x1280xi32, #tpu.memory_space<vmem>> -> memref<1x1280xi32, #tpu.memory_space<vmem>>
    %dma_start3A_1059 = tpu.memref_squeeze %dma_start3A_1058 : memref<1x1280xi32, #tpu.memory_space<vmem>> -> memref<1280xi32, #tpu.memory_space<vmem>>
    %dma_start3A_1060 = tpu.memref_slice %arg2[%add3A_1051] : memref<819200xi32, #tpu.memory_space<hbm>> -> memref<1280xi32, #tpu.memory_space<hbm>>
    tpu.enqueue_dma source(%dma_start3A_1060 : memref<1280xi32, #tpu.memory_space<hbm>>) target(%dma_start3A_1059 : memref<1280xi32, #tpu.memory_space<vmem>>) target_semaphore(%arg8 : memref<!tpu.dma_semaphore, #tpu.memory_space<semaphore_mem>>)
    %dma_wait3A_1061 = arith.constant 0 : i32
    %dma_wait3A_1062 = arith.constant 0 : i32
    %dma_wait3A_1063 = tpu.memref_slice %arg5[%dma_wait3A_1061, %dma_wait3A_1062] : memref<3x1280xi32, #tpu.memory_space<vmem>> -> memref<1x1280xi32, #tpu.memory_space<vmem>>
    %dma_wait3A_1064 = tpu.memref_squeeze %dma_wait3A_1063 : memref<1x1280xi32, #tpu.memory_space<vmem>> -> memref<1280xi32, #tpu.memory_space<vmem>>
    %dma_wait3A_1065 = tpu.memref_slice %arg2[%add3A_979] : memref<819200xi32, #tpu.memory_space<hbm>> -> memref<1280xi32, #tpu.memory_space<hbm>>
    %dma_wait3A_1066 = arith.constant 0 : i32
    %dma_wait3A_1067 = tpu.memref_slice %arg5[%dma_wait3A_1061, %dma_wait3A_1066] : memref<3x1280xi32, #tpu.memory_space<vmem>> -> memref<1x1280xi32, #tpu.memory_space<vmem>>
    %dma_wait3A_1068 = tpu.memref_squeeze %dma_wait3A_1067 : memref<1x1280xi32, #tpu.memory_space<vmem>> -> memref<1280xi32, #tpu.memory_space<vmem>>
    %dma_wait3A_1069 = tpu.memref_slice %arg2[%add3A_979] : memref<819200xi32, #tpu.memory_space<hbm>> -> memref<1280xi32, #tpu.memory_space<hbm>>
    tpu.wait_dma2 semaphore(%arg7 : memref<!tpu.dma_semaphore, #tpu.memory_space<semaphore_mem>>) src(%dma_wait3A_1069 : memref<1280xi32, #tpu.memory_space<hbm>>) dst(%dma_wait3A_1068 : memref<1280xi32, #tpu.memory_space<vmem>>)
    %dma_start3A_1070 = arith.constant 0 : i32
    %dma_start3A_1071 = arith.constant 0 : i32
    %dma_start3A_1072 = arith.constant 0 : i32
    %dma_start3A_1073 = arith.constant 0 : i32
    %dma_start3A_1074 = tpu.memref_slice %arg6[%dma_start3A_1071, %dma_start3A_1072, %dma_start3A_1073] : memref<3x1280x32xf32, #tpu.memory_space<vmem>> -> memref<1x1280x32xf32, #tpu.memory_space<vmem>>
    %dma_start3A_1075 = tpu.memref_squeeze %dma_start3A_1074 : memref<1x1280x32xf32, #tpu.memory_space<vmem>> -> memref<1280x32xf32, #tpu.memory_space<vmem>>
    %dma_start3A_1076 = arith.constant 0 : i32
    %dma_start3A_1077 = tpu.memref_slice %arg5[%dma_start3A_1070, %dma_start3A_1076] : memref<3x1280xi32, #tpu.memory_space<vmem>> -> memref<1x1280xi32, #tpu.memory_space<vmem>>
    %dma_start3A_1078 = tpu.memref_squeeze %dma_start3A_1077 : memref<1x1280xi32, #tpu.memory_space<vmem>> -> memref<1280xi32, #tpu.memory_space<vmem>>
    %dma_start3A_1079 = arith.constant 0 : i32
    %dma_start3A_1080 = arith.constant 0 : i32
    %dma_start3A_1081 = tpu.memref_slice %arg3[%dma_start3A_1079, %dma_start3A_1080] : memref<1000000x32xf32, #tpu.memory_space<hbm>> -> memref<1000000x32xf32, #tpu.memory_space<hbm>>
    tpu.enqueue_indirect_dma source(%dma_start3A_1081 : memref<1000000x32xf32, #tpu.memory_space<hbm>>) target(%dma_start3A_1075 : memref<1280x32xf32, #tpu.memory_space<vmem>>) offsets(%dma_start3A_1078 : memref<1280xi32, #tpu.memory_space<vmem>>) semaphore(%arg10 : memref<!tpu.dma_semaphore, #tpu.memory_space<semaphore_mem>>)
    %dma_wait3A_1082 = arith.constant 2 : i32
    %dma_wait3A_1083 = arith.constant 2 : i32
    %dma_wait3A_1084 = arith.constant 0 : i32
    %dma_wait3A_1085 = arith.constant 0 : i32
    %dma_wait3A_1086 = tpu.memref_slice %arg6[%dma_wait3A_1083, %dma_wait3A_1084, %dma_wait3A_1085] : memref<3x1280x32xf32, #tpu.memory_space<vmem>> -> memref<1x1280x32xf32, #tpu.memory_space<vmem>>
    %dma_wait3A_1087 = tpu.memref_squeeze %dma_wait3A_1086 : memref<1x1280x32xf32, #tpu.memory_space<vmem>> -> memref<1280x32xf32, #tpu.memory_space<vmem>>
    %dma_wait3A_1088 = arith.constant 0 : i32
    %dma_wait3A_1089 = tpu.memref_slice %arg5[%dma_wait3A_1082, %dma_wait3A_1088] : memref<3x1280xi32, #tpu.memory_space<vmem>> -> memref<1x1280xi32, #tpu.memory_space<vmem>>
    %dma_wait3A_1090 = tpu.memref_squeeze %dma_wait3A_1089 : memref<1x1280xi32, #tpu.memory_space<vmem>> -> memref<1280xi32, #tpu.memory_space<vmem>>
    %dma_wait3A_1091 = arith.constant 0 : i32
    %dma_wait3A_1092 = arith.constant 0 : i32
    %dma_wait3A_1093 = tpu.memref_slice %arg3[%dma_wait3A_1091, %dma_wait3A_1092] : memref<1000000x32xf32, #tpu.memory_space<hbm>> -> memref<1000000x32xf32, #tpu.memory_space<hbm>>
    tpu.wait_indirect_dma semaphore(%arg12 : memref<!tpu.dma_semaphore, #tpu.memory_space<semaphore_mem>>) src(%dma_wait3A_1093 : memref<1000000x32xf32, #tpu.memory_space<hbm>>) dst(%dma_wait3A_1087 : memref<1280x32xf32, #tpu.memory_space<vmem>>)
    %add3A_1094 = arith.constant 17920 : i32
    %add3A_1095 = arith.addi %mul3A_2, %add3A_1094 : i32
    %dma_start3A_1096 = arith.constant 2 : i32
    %dma_start3A_1097 = arith.constant 0 : i32
    %dma_start3A_1098 = arith.constant 0 : i32
    %dma_start3A_1099 = tpu.memref_slice %arg6[%dma_start3A_1096, %dma_start3A_1097, %dma_start3A_1098] : memref<3x1280x32xf32, #tpu.memory_space<vmem>> -> memref<1x1280x32xf32, #tpu.memory_space<vmem>>
    %dma_start3A_1100 = tpu.memref_squeeze %dma_start3A_1099 : memref<1x1280x32xf32, #tpu.memory_space<vmem>> -> memref<1280x32xf32, #tpu.memory_space<vmem>>
    %dma_start3A_1101 = arith.constant 0 : i32
    %dma_start3A_1102 = tpu.memref_slice %arg4[%add3A_1095, %dma_start3A_1101] : memref<819200x32xf32, #tpu.memory_space<hbm>> -> memref<1280x32xf32, #tpu.memory_space<hbm>>
    %dma_start3A_1103 = arith.constant 0 : i32
    %dma_start3A_1104 = tpu.memref_slice %arg4[%add3A_1095, %dma_start3A_1103] : memref<819200x32xf32, #tpu.memory_space<hbm>> -> memref<1280x32xf32, #tpu.memory_space<hbm>>
    %dma_start3A_1105 = arith.constant 0 : i32
    %dma_start3A_1106 = arith.constant 0 : i32
    %dma_start3A_1107 = tpu.memref_slice %arg6[%dma_start3A_1096, %dma_start3A_1105, %dma_start3A_1106] : memref<3x1280x32xf32, #tpu.memory_space<vmem>> -> memref<1x1280x32xf32, #tpu.memory_space<vmem>>
    %dma_start3A_1108 = tpu.memref_squeeze %dma_start3A_1107 : memref<1x1280x32xf32, #tpu.memory_space<vmem>> -> memref<1280x32xf32, #tpu.memory_space<vmem>>
    tpu.enqueue_dma source(%dma_start3A_1108 : memref<1280x32xf32, #tpu.memory_space<vmem>>) target(%dma_start3A_1104 : memref<1280x32xf32, #tpu.memory_space<hbm>>) target_semaphore(%arg15 : memref<!tpu.dma_semaphore, #tpu.memory_space<semaphore_mem>>)
    %dma_wait3A_1109 = arith.constant 2 : i32
    %dma_wait3A_1110 = arith.constant 0 : i32
    %dma_wait3A_1111 = arith.constant 0 : i32
    %dma_wait3A_1112 = tpu.memref_slice %arg6[%dma_wait3A_1109, %dma_wait3A_1110, %dma_wait3A_1111] : memref<3x1280x32xf32, #tpu.memory_space<vmem>> -> memref<1x1280x32xf32, #tpu.memory_space<vmem>>
    %dma_wait3A_1113 = tpu.memref_squeeze %dma_wait3A_1112 : memref<1x1280x32xf32, #tpu.memory_space<vmem>> -> memref<1280x32xf32, #tpu.memory_space<vmem>>
    %dma_wait3A_1114 = arith.constant 0 : i32
    %dma_wait3A_1115 = tpu.memref_slice %arg4[%add3A_1095, %dma_wait3A_1114] : memref<819200x32xf32, #tpu.memory_space<hbm>> -> memref<1280x32xf32, #tpu.memory_space<hbm>>
    %dma_wait3A_1116 = arith.constant 0 : i32
    %dma_wait3A_1117 = tpu.memref_slice %arg4[%add3A_1095, %dma_wait3A_1116] : memref<819200x32xf32, #tpu.memory_space<hbm>> -> memref<1280x32xf32, #tpu.memory_space<hbm>>
    %dma_wait3A_1118 = arith.constant 0 : i32
    %dma_wait3A_1119 = arith.constant 0 : i32
    %dma_wait3A_1120 = tpu.memref_slice %arg6[%dma_wait3A_1109, %dma_wait3A_1118, %dma_wait3A_1119] : memref<3x1280x32xf32, #tpu.memory_space<vmem>> -> memref<1x1280x32xf32, #tpu.memory_space<vmem>>
    %dma_wait3A_1121 = tpu.memref_squeeze %dma_wait3A_1120 : memref<1x1280x32xf32, #tpu.memory_space<vmem>> -> memref<1280x32xf32, #tpu.memory_space<vmem>>
    tpu.wait_dma2 semaphore(%arg15 : memref<!tpu.dma_semaphore, #tpu.memory_space<semaphore_mem>>) src(%dma_wait3A_1121 : memref<1280x32xf32, #tpu.memory_space<vmem>>) dst(%dma_wait3A_1117 : memref<1280x32xf32, #tpu.memory_space<hbm>>)
    %add3A_1122 = arith.constant 21760 : i32
    %add3A_1123 = arith.addi %mul3A_2, %add3A_1122 : i32
    %dma_start3A_1124 = arith.constant 2 : i32
    %dma_start3A_1125 = arith.constant 0 : i32
    %dma_start3A_1126 = tpu.memref_slice %arg5[%dma_start3A_1124, %dma_start3A_1125] : memref<3x1280xi32, #tpu.memory_space<vmem>> -> memref<1x1280xi32, #tpu.memory_space<vmem>>
    %dma_start3A_1127 = tpu.memref_squeeze %dma_start3A_1126 : memref<1x1280xi32, #tpu.memory_space<vmem>> -> memref<1280xi32, #tpu.memory_space<vmem>>
    %dma_start3A_1128 = tpu.memref_slice %arg2[%add3A_1123] : memref<819200xi32, #tpu.memory_space<hbm>> -> memref<1280xi32, #tpu.memory_space<hbm>>
    %dma_start3A_1129 = arith.constant 0 : i32
    %dma_start3A_1130 = tpu.memref_slice %arg5[%dma_start3A_1124, %dma_start3A_1129] : memref<3x1280xi32, #tpu.memory_space<vmem>> -> memref<1x1280xi32, #tpu.memory_space<vmem>>
    %dma_start3A_1131 = tpu.memref_squeeze %dma_start3A_1130 : memref<1x1280xi32, #tpu.memory_space<vmem>> -> memref<1280xi32, #tpu.memory_space<vmem>>
    %dma_start3A_1132 = tpu.memref_slice %arg2[%add3A_1123] : memref<819200xi32, #tpu.memory_space<hbm>> -> memref<1280xi32, #tpu.memory_space<hbm>>
    tpu.enqueue_dma source(%dma_start3A_1132 : memref<1280xi32, #tpu.memory_space<hbm>>) target(%dma_start3A_1131 : memref<1280xi32, #tpu.memory_space<vmem>>) target_semaphore(%arg9 : memref<!tpu.dma_semaphore, #tpu.memory_space<semaphore_mem>>)
    %dma_wait3A_1133 = arith.constant 1 : i32
    %dma_wait3A_1134 = arith.constant 0 : i32
    %dma_wait3A_1135 = tpu.memref_slice %arg5[%dma_wait3A_1133, %dma_wait3A_1134] : memref<3x1280xi32, #tpu.memory_space<vmem>> -> memref<1x1280xi32, #tpu.memory_space<vmem>>
    %dma_wait3A_1136 = tpu.memref_squeeze %dma_wait3A_1135 : memref<1x1280xi32, #tpu.memory_space<vmem>> -> memref<1280xi32, #tpu.memory_space<vmem>>
    %dma_wait3A_1137 = tpu.memref_slice %arg2[%add3A_1051] : memref<819200xi32, #tpu.memory_space<hbm>> -> memref<1280xi32, #tpu.memory_space<hbm>>
    %dma_wait3A_1138 = arith.constant 0 : i32
    %dma_wait3A_1139 = tpu.memref_slice %arg5[%dma_wait3A_1133, %dma_wait3A_1138] : memref<3x1280xi32, #tpu.memory_space<vmem>> -> memref<1x1280xi32, #tpu.memory_space<vmem>>
    %dma_wait3A_1140 = tpu.memref_squeeze %dma_wait3A_1139 : memref<1x1280xi32, #tpu.memory_space<vmem>> -> memref<1280xi32, #tpu.memory_space<vmem>>
    %dma_wait3A_1141 = tpu.memref_slice %arg2[%add3A_1051] : memref<819200xi32, #tpu.memory_space<hbm>> -> memref<1280xi32, #tpu.memory_space<hbm>>
    tpu.wait_dma2 semaphore(%arg8 : memref<!tpu.dma_semaphore, #tpu.memory_space<semaphore_mem>>) src(%dma_wait3A_1141 : memref<1280xi32, #tpu.memory_space<hbm>>) dst(%dma_wait3A_1140 : memref<1280xi32, #tpu.memory_space<vmem>>)
    %dma_start3A_1142 = arith.constant 1 : i32
    %dma_start3A_1143 = arith.constant 1 : i32
    %dma_start3A_1144 = arith.constant 0 : i32
    %dma_start3A_1145 = arith.constant 0 : i32
    %dma_start3A_1146 = tpu.memref_slice %arg6[%dma_start3A_1143, %dma_start3A_1144, %dma_start3A_1145] : memref<3x1280x32xf32, #tpu.memory_space<vmem>> -> memref<1x1280x32xf32, #tpu.memory_space<vmem>>
    %dma_start3A_1147 = tpu.memref_squeeze %dma_start3A_1146 : memref<1x1280x32xf32, #tpu.memory_space<vmem>> -> memref<1280x32xf32, #tpu.memory_space<vmem>>
    %dma_start3A_1148 = arith.constant 0 : i32
    %dma_start3A_1149 = tpu.memref_slice %arg5[%dma_start3A_1142, %dma_start3A_1148] : memref<3x1280xi32, #tpu.memory_space<vmem>> -> memref<1x1280xi32, #tpu.memory_space<vmem>>
    %dma_start3A_1150 = tpu.memref_squeeze %dma_start3A_1149 : memref<1x1280xi32, #tpu.memory_space<vmem>> -> memref<1280xi32, #tpu.memory_space<vmem>>
    %dma_start3A_1151 = arith.constant 0 : i32
    %dma_start3A_1152 = arith.constant 0 : i32
    %dma_start3A_1153 = tpu.memref_slice %arg3[%dma_start3A_1151, %dma_start3A_1152] : memref<1000000x32xf32, #tpu.memory_space<hbm>> -> memref<1000000x32xf32, #tpu.memory_space<hbm>>
    tpu.enqueue_indirect_dma source(%dma_start3A_1153 : memref<1000000x32xf32, #tpu.memory_space<hbm>>) target(%dma_start3A_1147 : memref<1280x32xf32, #tpu.memory_space<vmem>>) offsets(%dma_start3A_1150 : memref<1280xi32, #tpu.memory_space<vmem>>) semaphore(%arg11 : memref<!tpu.dma_semaphore, #tpu.memory_space<semaphore_mem>>)
    %dma_wait3A_1154 = arith.constant 0 : i32
    %dma_wait3A_1155 = arith.constant 0 : i32
    %dma_wait3A_1156 = arith.constant 0 : i32
    %dma_wait3A_1157 = arith.constant 0 : i32
    %dma_wait3A_1158 = tpu.memref_slice %arg6[%dma_wait3A_1155, %dma_wait3A_1156, %dma_wait3A_1157] : memref<3x1280x32xf32, #tpu.memory_space<vmem>> -> memref<1x1280x32xf32, #tpu.memory_space<vmem>>
    %dma_wait3A_1159 = tpu.memref_squeeze %dma_wait3A_1158 : memref<1x1280x32xf32, #tpu.memory_space<vmem>> -> memref<1280x32xf32, #tpu.memory_space<vmem>>
    %dma_wait3A_1160 = arith.constant 0 : i32
    %dma_wait3A_1161 = tpu.memref_slice %arg5[%dma_wait3A_1154, %dma_wait3A_1160] : memref<3x1280xi32, #tpu.memory_space<vmem>> -> memref<1x1280xi32, #tpu.memory_space<vmem>>
    %dma_wait3A_1162 = tpu.memref_squeeze %dma_wait3A_1161 : memref<1x1280xi32, #tpu.memory_space<vmem>> -> memref<1280xi32, #tpu.memory_space<vmem>>
    %dma_wait3A_1163 = arith.constant 0 : i32
    %dma_wait3A_1164 = arith.constant 0 : i32
    %dma_wait3A_1165 = tpu.memref_slice %arg3[%dma_wait3A_1163, %dma_wait3A_1164] : memref<1000000x32xf32, #tpu.memory_space<hbm>> -> memref<1000000x32xf32, #tpu.memory_space<hbm>>
    tpu.wait_indirect_dma semaphore(%arg10 : memref<!tpu.dma_semaphore, #tpu.memory_space<semaphore_mem>>) src(%dma_wait3A_1165 : memref<1000000x32xf32, #tpu.memory_space<hbm>>) dst(%dma_wait3A_1159 : memref<1280x32xf32, #tpu.memory_space<vmem>>)
    %add3A_1166 = arith.constant 19200 : i32
    %add3A_1167 = arith.addi %mul3A_2, %add3A_1166 : i32
    %dma_start3A_1168 = arith.constant 0 : i32
    %dma_start3A_1169 = arith.constant 0 : i32
    %dma_start3A_1170 = arith.constant 0 : i32
    %dma_start3A_1171 = tpu.memref_slice %arg6[%dma_start3A_1168, %dma_start3A_1169, %dma_start3A_1170] : memref<3x1280x32xf32, #tpu.memory_space<vmem>> -> memref<1x1280x32xf32, #tpu.memory_space<vmem>>
    %dma_start3A_1172 = tpu.memref_squeeze %dma_start3A_1171 : memref<1x1280x32xf32, #tpu.memory_space<vmem>> -> memref<1280x32xf32, #tpu.memory_space<vmem>>
    %dma_start3A_1173 = arith.constant 0 : i32
    %dma_start3A_1174 = tpu.memref_slice %arg4[%add3A_1167, %dma_start3A_1173] : memref<819200x32xf32, #tpu.memory_space<hbm>> -> memref<1280x32xf32, #tpu.memory_space<hbm>>
    %dma_start3A_1175 = arith.constant 0 : i32
    %dma_start3A_1176 = tpu.memref_slice %arg4[%add3A_1167, %dma_start3A_1175] : memref<819200x32xf32, #tpu.memory_space<hbm>> -> memref<1280x32xf32, #tpu.memory_space<hbm>>
    %dma_start3A_1177 = arith.constant 0 : i32
    %dma_start3A_1178 = arith.constant 0 : i32
    %dma_start3A_1179 = tpu.memref_slice %arg6[%dma_start3A_1168, %dma_start3A_1177, %dma_start3A_1178] : memref<3x1280x32xf32, #tpu.memory_space<vmem>> -> memref<1x1280x32xf32, #tpu.memory_space<vmem>>
    %dma_start3A_1180 = tpu.memref_squeeze %dma_start3A_1179 : memref<1x1280x32xf32, #tpu.memory_space<vmem>> -> memref<1280x32xf32, #tpu.memory_space<vmem>>
    tpu.enqueue_dma source(%dma_start3A_1180 : memref<1280x32xf32, #tpu.memory_space<vmem>>) target(%dma_start3A_1176 : memref<1280x32xf32, #tpu.memory_space<hbm>>) target_semaphore(%arg13 : memref<!tpu.dma_semaphore, #tpu.memory_space<semaphore_mem>>)
    %dma_wait3A_1181 = arith.constant 0 : i32
    %dma_wait3A_1182 = arith.constant 0 : i32
    %dma_wait3A_1183 = arith.constant 0 : i32
    %dma_wait3A_1184 = tpu.memref_slice %arg6[%dma_wait3A_1181, %dma_wait3A_1182, %dma_wait3A_1183] : memref<3x1280x32xf32, #tpu.memory_space<vmem>> -> memref<1x1280x32xf32, #tpu.memory_space<vmem>>
    %dma_wait3A_1185 = tpu.memref_squeeze %dma_wait3A_1184 : memref<1x1280x32xf32, #tpu.memory_space<vmem>> -> memref<1280x32xf32, #tpu.memory_space<vmem>>
    %dma_wait3A_1186 = arith.constant 0 : i32
    %dma_wait3A_1187 = tpu.memref_slice %arg4[%add3A_1167, %dma_wait3A_1186] : memref<819200x32xf32, #tpu.memory_space<hbm>> -> memref<1280x32xf32, #tpu.memory_space<hbm>>
    %dma_wait3A_1188 = arith.constant 0 : i32
    %dma_wait3A_1189 = tpu.memref_slice %arg4[%add3A_1167, %dma_wait3A_1188] : memref<819200x32xf32, #tpu.memory_space<hbm>> -> memref<1280x32xf32, #tpu.memory_space<hbm>>
    %dma_wait3A_1190 = arith.constant 0 : i32
    %dma_wait3A_1191 = arith.constant 0 : i32
    %dma_wait3A_1192 = tpu.memref_slice %arg6[%dma_wait3A_1181, %dma_wait3A_1190, %dma_wait3A_1191] : memref<3x1280x32xf32, #tpu.memory_space<vmem>> -> memref<1x1280x32xf32, #tpu.memory_space<vmem>>
    %dma_wait3A_1193 = tpu.memref_squeeze %dma_wait3A_1192 : memref<1x1280x32xf32, #tpu.memory_space<vmem>> -> memref<1280x32xf32, #tpu.memory_space<vmem>>
    tpu.wait_dma2 semaphore(%arg13 : memref<!tpu.dma_semaphore, #tpu.memory_space<semaphore_mem>>) src(%dma_wait3A_1193 : memref<1280x32xf32, #tpu.memory_space<vmem>>) dst(%dma_wait3A_1189 : memref<1280x32xf32, #tpu.memory_space<hbm>>)
    %add3A_1194 = arith.constant 23040 : i32
    %add3A_1195 = arith.addi %mul3A_2, %add3A_1194 : i32
    %dma_start3A_1196 = arith.constant 0 : i32
    %dma_start3A_1197 = arith.constant 0 : i32
    %dma_start3A_1198 = tpu.memref_slice %arg5[%dma_start3A_1196, %dma_start3A_1197] : memref<3x1280xi32, #tpu.memory_space<vmem>> -> memref<1x1280xi32, #tpu.memory_space<vmem>>
    %dma_start3A_1199 = tpu.memref_squeeze %dma_start3A_1198 : memref<1x1280xi32, #tpu.memory_space<vmem>> -> memref<1280xi32, #tpu.memory_space<vmem>>
    %dma_start3A_1200 = tpu.memref_slice %arg2[%add3A_1195] : memref<819200xi32, #tpu.memory_space<hbm>> -> memref<1280xi32, #tpu.memory_space<hbm>>
    %dma_start3A_1201 = arith.constant 0 : i32
    %dma_start3A_1202 = tpu.memref_slice %arg5[%dma_start3A_1196, %dma_start3A_1201] : memref<3x1280xi32, #tpu.memory_space<vmem>> -> memref<1x1280xi32, #tpu.memory_space<vmem>>
    %dma_start3A_1203 = tpu.memref_squeeze %dma_start3A_1202 : memref<1x1280xi32, #tpu.memory_space<vmem>> -> memref<1280xi32, #tpu.memory_space<vmem>>
    %dma_start3A_1204 = tpu.memref_slice %arg2[%add3A_1195] : memref<819200xi32, #tpu.memory_space<hbm>> -> memref<1280xi32, #tpu.memory_space<hbm>>
    tpu.enqueue_dma source(%dma_start3A_1204 : memref<1280xi32, #tpu.memory_space<hbm>>) target(%dma_start3A_1203 : memref<1280xi32, #tpu.memory_space<vmem>>) target_semaphore(%arg7 : memref<!tpu.dma_semaphore, #tpu.memory_space<semaphore_mem>>)
    %dma_wait3A_1205 = arith.constant 2 : i32
    %dma_wait3A_1206 = arith.constant 0 : i32
    %dma_wait3A_1207 = tpu.memref_slice %arg5[%dma_wait3A_1205, %dma_wait3A_1206] : memref<3x1280xi32, #tpu.memory_space<vmem>> -> memref<1x1280xi32, #tpu.memory_space<vmem>>
    %dma_wait3A_1208 = tpu.memref_squeeze %dma_wait3A_1207 : memref<1x1280xi32, #tpu.memory_space<vmem>> -> memref<1280xi32, #tpu.memory_space<vmem>>
    %dma_wait3A_1209 = tpu.memref_slice %arg2[%add3A_1123] : memref<819200xi32, #tpu.memory_space<hbm>> -> memref<1280xi32, #tpu.memory_space<hbm>>
    %dma_wait3A_1210 = arith.constant 0 : i32
    %dma_wait3A_1211 = tpu.memref_slice %arg5[%dma_wait3A_1205, %dma_wait3A_1210] : memref<3x1280xi32, #tpu.memory_space<vmem>> -> memref<1x1280xi32, #tpu.memory_space<vmem>>
    %dma_wait3A_1212 = tpu.memref_squeeze %dma_wait3A_1211 : memref<1x1280xi32, #tpu.memory_space<vmem>> -> memref<1280xi32, #tpu.memory_space<vmem>>
    %dma_wait3A_1213 = tpu.memref_slice %arg2[%add3A_1123] : memref<819200xi32, #tpu.memory_space<hbm>> -> memref<1280xi32, #tpu.memory_space<hbm>>
    tpu.wait_dma2 semaphore(%arg9 : memref<!tpu.dma_semaphore, #tpu.memory_space<semaphore_mem>>) src(%dma_wait3A_1213 : memref<1280xi32, #tpu.memory_space<hbm>>) dst(%dma_wait3A_1212 : memref<1280xi32, #tpu.memory_space<vmem>>)
    %dma_start3A_1214 = arith.constant 2 : i32
    %dma_start3A_1215 = arith.constant 2 : i32
    %dma_start3A_1216 = arith.constant 0 : i32
    %dma_start3A_1217 = arith.constant 0 : i32
    %dma_start3A_1218 = tpu.memref_slice %arg6[%dma_start3A_1215, %dma_start3A_1216, %dma_start3A_1217] : memref<3x1280x32xf32, #tpu.memory_space<vmem>> -> memref<1x1280x32xf32, #tpu.memory_space<vmem>>
    %dma_start3A_1219 = tpu.memref_squeeze %dma_start3A_1218 : memref<1x1280x32xf32, #tpu.memory_space<vmem>> -> memref<1280x32xf32, #tpu.memory_space<vmem>>
    %dma_start3A_1220 = arith.constant 0 : i32
    %dma_start3A_1221 = tpu.memref_slice %arg5[%dma_start3A_1214, %dma_start3A_1220] : memref<3x1280xi32, #tpu.memory_space<vmem>> -> memref<1x1280xi32, #tpu.memory_space<vmem>>
    %dma_start3A_1222 = tpu.memref_squeeze %dma_start3A_1221 : memref<1x1280xi32, #tpu.memory_space<vmem>> -> memref<1280xi32, #tpu.memory_space<vmem>>
    %dma_start3A_1223 = arith.constant 0 : i32
    %dma_start3A_1224 = arith.constant 0 : i32
    %dma_start3A_1225 = tpu.memref_slice %arg3[%dma_start3A_1223, %dma_start3A_1224] : memref<1000000x32xf32, #tpu.memory_space<hbm>> -> memref<1000000x32xf32, #tpu.memory_space<hbm>>
    tpu.enqueue_indirect_dma source(%dma_start3A_1225 : memref<1000000x32xf32, #tpu.memory_space<hbm>>) target(%dma_start3A_1219 : memref<1280x32xf32, #tpu.memory_space<vmem>>) offsets(%dma_start3A_1222 : memref<1280xi32, #tpu.memory_space<vmem>>) semaphore(%arg12 : memref<!tpu.dma_semaphore, #tpu.memory_space<semaphore_mem>>)
    %dma_wait3A_1226 = arith.constant 1 : i32
    %dma_wait3A_1227 = arith.constant 1 : i32
    %dma_wait3A_1228 = arith.constant 0 : i32
    %dma_wait3A_1229 = arith.constant 0 : i32
    %dma_wait3A_1230 = tpu.memref_slice %arg6[%dma_wait3A_1227, %dma_wait3A_1228, %dma_wait3A_1229] : memref<3x1280x32xf32, #tpu.memory_space<vmem>> -> memref<1x1280x32xf32, #tpu.memory_space<vmem>>
    %dma_wait3A_1231 = tpu.memref_squeeze %dma_wait3A_1230 : memref<1x1280x32xf32, #tpu.memory_space<vmem>> -> memref<1280x32xf32, #tpu.memory_space<vmem>>
    %dma_wait3A_1232 = arith.constant 0 : i32
    %dma_wait3A_1233 = tpu.memref_slice %arg5[%dma_wait3A_1226, %dma_wait3A_1232] : memref<3x1280xi32, #tpu.memory_space<vmem>> -> memref<1x1280xi32, #tpu.memory_space<vmem>>
    %dma_wait3A_1234 = tpu.memref_squeeze %dma_wait3A_1233 : memref<1x1280xi32, #tpu.memory_space<vmem>> -> memref<1280xi32, #tpu.memory_space<vmem>>
    %dma_wait3A_1235 = arith.constant 0 : i32
    %dma_wait3A_1236 = arith.constant 0 : i32
    %dma_wait3A_1237 = tpu.memref_slice %arg3[%dma_wait3A_1235, %dma_wait3A_1236] : memref<1000000x32xf32, #tpu.memory_space<hbm>> -> memref<1000000x32xf32, #tpu.memory_space<hbm>>
    tpu.wait_indirect_dma semaphore(%arg11 : memref<!tpu.dma_semaphore, #tpu.memory_space<semaphore_mem>>) src(%dma_wait3A_1237 : memref<1000000x32xf32, #tpu.memory_space<hbm>>) dst(%dma_wait3A_1231 : memref<1280x32xf32, #tpu.memory_space<vmem>>)
    %add3A_1238 = arith.constant 20480 : i32
    %add3A_1239 = arith.addi %mul3A_2, %add3A_1238 : i32
    %dma_start3A_1240 = arith.constant 1 : i32
    %dma_start3A_1241 = arith.constant 0 : i32
    %dma_start3A_1242 = arith.constant 0 : i32
    %dma_start3A_1243 = tpu.memref_slice %arg6[%dma_start3A_1240, %dma_start3A_1241, %dma_start3A_1242] : memref<3x1280x32xf32, #tpu.memory_space<vmem>> -> memref<1x1280x32xf32, #tpu.memory_space<vmem>>
    %dma_start3A_1244 = tpu.memref_squeeze %dma_start3A_1243 : memref<1x1280x32xf32, #tpu.memory_space<vmem>> -> memref<1280x32xf32, #tpu.memory_space<vmem>>
    %dma_start3A_1245 = arith.constant 0 : i32
    %dma_start3A_1246 = tpu.memref_slice %arg4[%add3A_1239, %dma_start3A_1245] : memref<819200x32xf32, #tpu.memory_space<hbm>> -> memref<1280x32xf32, #tpu.memory_space<hbm>>
    %dma_start3A_1247 = arith.constant 0 : i32
    %dma_start3A_1248 = tpu.memref_slice %arg4[%add3A_1239, %dma_start3A_1247] : memref<819200x32xf32, #tpu.memory_space<hbm>> -> memref<1280x32xf32, #tpu.memory_space<hbm>>
    %dma_start3A_1249 = arith.constant 0 : i32
    %dma_start3A_1250 = arith.constant 0 : i32
    %dma_start3A_1251 = tpu.memref_slice %arg6[%dma_start3A_1240, %dma_start3A_1249, %dma_start3A_1250] : memref<3x1280x32xf32, #tpu.memory_space<vmem>> -> memref<1x1280x32xf32, #tpu.memory_space<vmem>>
    %dma_start3A_1252 = tpu.memref_squeeze %dma_start3A_1251 : memref<1x1280x32xf32, #tpu.memory_space<vmem>> -> memref<1280x32xf32, #tpu.memory_space<vmem>>
    tpu.enqueue_dma source(%dma_start3A_1252 : memref<1280x32xf32, #tpu.memory_space<vmem>>) target(%dma_start3A_1248 : memref<1280x32xf32, #tpu.memory_space<hbm>>) target_semaphore(%arg14 : memref<!tpu.dma_semaphore, #tpu.memory_space<semaphore_mem>>)
    %dma_wait3A_1253 = arith.constant 1 : i32
    %dma_wait3A_1254 = arith.constant 0 : i32
    %dma_wait3A_1255 = arith.constant 0 : i32
    %dma_wait3A_1256 = tpu.memref_slice %arg6[%dma_wait3A_1253, %dma_wait3A_1254, %dma_wait3A_1255] : memref<3x1280x32xf32, #tpu.memory_space<vmem>> -> memref<1x1280x32xf32, #tpu.memory_space<vmem>>
    %dma_wait3A_1257 = tpu.memref_squeeze %dma_wait3A_1256 : memref<1x1280x32xf32, #tpu.memory_space<vmem>> -> memref<1280x32xf32, #tpu.memory_space<vmem>>
    %dma_wait3A_1258 = arith.constant 0 : i32
    %dma_wait3A_1259 = tpu.memref_slice %arg4[%add3A_1239, %dma_wait3A_1258] : memref<819200x32xf32, #tpu.memory_space<hbm>> -> memref<1280x32xf32, #tpu.memory_space<hbm>>
    %dma_wait3A_1260 = arith.constant 0 : i32
    %dma_wait3A_1261 = tpu.memref_slice %arg4[%add3A_1239, %dma_wait3A_1260] : memref<819200x32xf32, #tpu.memory_space<hbm>> -> memref<1280x32xf32, #tpu.memory_space<hbm>>
    %dma_wait3A_1262 = arith.constant 0 : i32
    %dma_wait3A_1263 = arith.constant 0 : i32
    %dma_wait3A_1264 = tpu.memref_slice %arg6[%dma_wait3A_1253, %dma_wait3A_1262, %dma_wait3A_1263] : memref<3x1280x32xf32, #tpu.memory_space<vmem>> -> memref<1x1280x32xf32, #tpu.memory_space<vmem>>
    %dma_wait3A_1265 = tpu.memref_squeeze %dma_wait3A_1264 : memref<1x1280x32xf32, #tpu.memory_space<vmem>> -> memref<1280x32xf32, #tpu.memory_space<vmem>>
    tpu.wait_dma2 semaphore(%arg14 : memref<!tpu.dma_semaphore, #tpu.memory_space<semaphore_mem>>) src(%dma_wait3A_1265 : memref<1280x32xf32, #tpu.memory_space<vmem>>) dst(%dma_wait3A_1261 : memref<1280x32xf32, #tpu.memory_space<hbm>>)
    %add3A_1266 = arith.constant 24320 : i32
    %add3A_1267 = arith.addi %mul3A_2, %add3A_1266 : i32
    %dma_start3A_1268 = arith.constant 1 : i32
    %dma_start3A_1269 = arith.constant 0 : i32
    %dma_start3A_1270 = tpu.memref_slice %arg5[%dma_start3A_1268, %dma_start3A_1269] : memref<3x1280xi32, #tpu.memory_space<vmem>> -> memref<1x1280xi32, #tpu.memory_space<vmem>>
    %dma_start3A_1271 = tpu.memref_squeeze %dma_start3A_1270 : memref<1x1280xi32, #tpu.memory_space<vmem>> -> memref<1280xi32, #tpu.memory_space<vmem>>
    %dma_start3A_1272 = tpu.memref_slice %arg2[%add3A_1267] : memref<819200xi32, #tpu.memory_space<hbm>> -> memref<1280xi32, #tpu.memory_space<hbm>>
    %dma_start3A_1273 = arith.constant 0 : i32
    %dma_start3A_1274 = tpu.memref_slice %arg5[%dma_start3A_1268, %dma_start3A_1273] : memref<3x1280xi32, #tpu.memory_space<vmem>> -> memref<1x1280xi32, #tpu.memory_space<vmem>>
    %dma_start3A_1275 = tpu.memref_squeeze %dma_start3A_1274 : memref<1x1280xi32, #tpu.memory_space<vmem>> -> memref<1280xi32, #tpu.memory_space<vmem>>
    %dma_start3A_1276 = tpu.memref_slice %arg2[%add3A_1267] : memref<819200xi32, #tpu.memory_space<hbm>> -> memref<1280xi32, #tpu.memory_space<hbm>>
    tpu.enqueue_dma source(%dma_start3A_1276 : memref<1280xi32, #tpu.memory_space<hbm>>) target(%dma_start3A_1275 : memref<1280xi32, #tpu.memory_space<vmem>>) target_semaphore(%arg8 : memref<!tpu.dma_semaphore, #tpu.memory_space<semaphore_mem>>)
    %dma_wait3A_1277 = arith.constant 0 : i32
    %dma_wait3A_1278 = arith.constant 0 : i32
    %dma_wait3A_1279 = tpu.memref_slice %arg5[%dma_wait3A_1277, %dma_wait3A_1278] : memref<3x1280xi32, #tpu.memory_space<vmem>> -> memref<1x1280xi32, #tpu.memory_space<vmem>>
    %dma_wait3A_1280 = tpu.memref_squeeze %dma_wait3A_1279 : memref<1x1280xi32, #tpu.memory_space<vmem>> -> memref<1280xi32, #tpu.memory_space<vmem>>
    %dma_wait3A_1281 = tpu.memref_slice %arg2[%add3A_1195] : memref<819200xi32, #tpu.memory_space<hbm>> -> memref<1280xi32, #tpu.memory_space<hbm>>
    %dma_wait3A_1282 = arith.constant 0 : i32
    %dma_wait3A_1283 = tpu.memref_slice %arg5[%dma_wait3A_1277, %dma_wait3A_1282] : memref<3x1280xi32, #tpu.memory_space<vmem>> -> memref<1x1280xi32, #tpu.memory_space<vmem>>
    %dma_wait3A_1284 = tpu.memref_squeeze %dma_wait3A_1283 : memref<1x1280xi32, #tpu.memory_space<vmem>> -> memref<1280xi32, #tpu.memory_space<vmem>>
    %dma_wait3A_1285 = tpu.memref_slice %arg2[%add3A_1195] : memref<819200xi32, #tpu.memory_space<hbm>> -> memref<1280xi32, #tpu.memory_space<hbm>>
    tpu.wait_dma2 semaphore(%arg7 : memref<!tpu.dma_semaphore, #tpu.memory_space<semaphore_mem>>) src(%dma_wait3A_1285 : memref<1280xi32, #tpu.memory_space<hbm>>) dst(%dma_wait3A_1284 : memref<1280xi32, #tpu.memory_space<vmem>>)
    %dma_start3A_1286 = arith.constant 0 : i32
    %dma_start3A_1287 = arith.constant 0 : i32
    %dma_start3A_1288 = arith.constant 0 : i32
    %dma_start3A_1289 = arith.constant 0 : i32
    %dma_start3A_1290 = tpu.memref_slice %arg6[%dma_start3A_1287, %dma_start3A_1288, %dma_start3A_1289] : memref<3x1280x32xf32, #tpu.memory_space<vmem>> -> memref<1x1280x32xf32, #tpu.memory_space<vmem>>
    %dma_start3A_1291 = tpu.memref_squeeze %dma_start3A_1290 : memref<1x1280x32xf32, #tpu.memory_space<vmem>> -> memref<1280x32xf32, #tpu.memory_space<vmem>>
    %dma_start3A_1292 = arith.constant 0 : i32
    %dma_start3A_1293 = tpu.memref_slice %arg5[%dma_start3A_1286, %dma_start3A_1292] : memref<3x1280xi32, #tpu.memory_space<vmem>> -> memref<1x1280xi32, #tpu.memory_space<vmem>>
    %dma_start3A_1294 = tpu.memref_squeeze %dma_start3A_1293 : memref<1x1280xi32, #tpu.memory_space<vmem>> -> memref<1280xi32, #tpu.memory_space<vmem>>
    %dma_start3A_1295 = arith.constant 0 : i32
    %dma_start3A_1296 = arith.constant 0 : i32
    %dma_start3A_1297 = tpu.memref_slice %arg3[%dma_start3A_1295, %dma_start3A_1296] : memref<1000000x32xf32, #tpu.memory_space<hbm>> -> memref<1000000x32xf32, #tpu.memory_space<hbm>>
    tpu.enqueue_indirect_dma source(%dma_start3A_1297 : memref<1000000x32xf32, #tpu.memory_space<hbm>>) target(%dma_start3A_1291 : memref<1280x32xf32, #tpu.memory_space<vmem>>) offsets(%dma_start3A_1294 : memref<1280xi32, #tpu.memory_space<vmem>>) semaphore(%arg10 : memref<!tpu.dma_semaphore, #tpu.memory_space<semaphore_mem>>)
    %dma_wait3A_1298 = arith.constant 2 : i32
    %dma_wait3A_1299 = arith.constant 2 : i32
    %dma_wait3A_1300 = arith.constant 0 : i32
    %dma_wait3A_1301 = arith.constant 0 : i32
    %dma_wait3A_1302 = tpu.memref_slice %arg6[%dma_wait3A_1299, %dma_wait3A_1300, %dma_wait3A_1301] : memref<3x1280x32xf32, #tpu.memory_space<vmem>> -> memref<1x1280x32xf32, #tpu.memory_space<vmem>>
    %dma_wait3A_1303 = tpu.memref_squeeze %dma_wait3A_1302 : memref<1x1280x32xf32, #tpu.memory_space<vmem>> -> memref<1280x32xf32, #tpu.memory_space<vmem>>
    %dma_wait3A_1304 = arith.constant 0 : i32
    %dma_wait3A_1305 = tpu.memref_slice %arg5[%dma_wait3A_1298, %dma_wait3A_1304] : memref<3x1280xi32, #tpu.memory_space<vmem>> -> memref<1x1280xi32, #tpu.memory_space<vmem>>
    %dma_wait3A_1306 = tpu.memref_squeeze %dma_wait3A_1305 : memref<1x1280xi32, #tpu.memory_space<vmem>> -> memref<1280xi32, #tpu.memory_space<vmem>>
    %dma_wait3A_1307 = arith.constant 0 : i32
    %dma_wait3A_1308 = arith.constant 0 : i32
    %dma_wait3A_1309 = tpu.memref_slice %arg3[%dma_wait3A_1307, %dma_wait3A_1308] : memref<1000000x32xf32, #tpu.memory_space<hbm>> -> memref<1000000x32xf32, #tpu.memory_space<hbm>>
    tpu.wait_indirect_dma semaphore(%arg12 : memref<!tpu.dma_semaphore, #tpu.memory_space<semaphore_mem>>) src(%dma_wait3A_1309 : memref<1000000x32xf32, #tpu.memory_space<hbm>>) dst(%dma_wait3A_1303 : memref<1280x32xf32, #tpu.memory_space<vmem>>)
    %add3A_1310 = arith.constant 21760 : i32
    %add3A_1311 = arith.addi %mul3A_2, %add3A_1310 : i32
    %dma_start3A_1312 = arith.constant 2 : i32
    %dma_start3A_1313 = arith.constant 0 : i32
    %dma_start3A_1314 = arith.constant 0 : i32
    %dma_start3A_1315 = tpu.memref_slice %arg6[%dma_start3A_1312, %dma_start3A_1313, %dma_start3A_1314] : memref<3x1280x32xf32, #tpu.memory_space<vmem>> -> memref<1x1280x32xf32, #tpu.memory_space<vmem>>
    %dma_start3A_1316 = tpu.memref_squeeze %dma_start3A_1315 : memref<1x1280x32xf32, #tpu.memory_space<vmem>> -> memref<1280x32xf32, #tpu.memory_space<vmem>>
    %dma_start3A_1317 = arith.constant 0 : i32
    %dma_start3A_1318 = tpu.memref_slice %arg4[%add3A_1311, %dma_start3A_1317] : memref<819200x32xf32, #tpu.memory_space<hbm>> -> memref<1280x32xf32, #tpu.memory_space<hbm>>
    %dma_start3A_1319 = arith.constant 0 : i32
    %dma_start3A_1320 = tpu.memref_slice %arg4[%add3A_1311, %dma_start3A_1319] : memref<819200x32xf32, #tpu.memory_space<hbm>> -> memref<1280x32xf32, #tpu.memory_space<hbm>>
    %dma_start3A_1321 = arith.constant 0 : i32
    %dma_start3A_1322 = arith.constant 0 : i32
    %dma_start3A_1323 = tpu.memref_slice %arg6[%dma_start3A_1312, %dma_start3A_1321, %dma_start3A_1322] : memref<3x1280x32xf32, #tpu.memory_space<vmem>> -> memref<1x1280x32xf32, #tpu.memory_space<vmem>>
    %dma_start3A_1324 = tpu.memref_squeeze %dma_start3A_1323 : memref<1x1280x32xf32, #tpu.memory_space<vmem>> -> memref<1280x32xf32, #tpu.memory_space<vmem>>
    tpu.enqueue_dma source(%dma_start3A_1324 : memref<1280x32xf32, #tpu.memory_space<vmem>>) target(%dma_start3A_1320 : memref<1280x32xf32, #tpu.memory_space<hbm>>) target_semaphore(%arg15 : memref<!tpu.dma_semaphore, #tpu.memory_space<semaphore_mem>>)
    %dma_wait3A_1325 = arith.constant 1 : i32
    %dma_wait3A_1326 = arith.constant 0 : i32
    %dma_wait3A_1327 = tpu.memref_slice %arg5[%dma_wait3A_1325, %dma_wait3A_1326] : memref<3x1280xi32, #tpu.memory_space<vmem>> -> memref<1x1280xi32, #tpu.memory_space<vmem>>
    %dma_wait3A_1328 = tpu.memref_squeeze %dma_wait3A_1327 : memref<1x1280xi32, #tpu.memory_space<vmem>> -> memref<1280xi32, #tpu.memory_space<vmem>>
    %dma_wait3A_1329 = tpu.memref_slice %arg2[%add3A_1267] : memref<819200xi32, #tpu.memory_space<hbm>> -> memref<1280xi32, #tpu.memory_space<hbm>>
    %dma_wait3A_1330 = arith.constant 0 : i32
    %dma_wait3A_1331 = tpu.memref_slice %arg5[%dma_wait3A_1325, %dma_wait3A_1330] : memref<3x1280xi32, #tpu.memory_space<vmem>> -> memref<1x1280xi32, #tpu.memory_space<vmem>>
    %dma_wait3A_1332 = tpu.memref_squeeze %dma_wait3A_1331 : memref<1x1280xi32, #tpu.memory_space<vmem>> -> memref<1280xi32, #tpu.memory_space<vmem>>
    %dma_wait3A_1333 = tpu.memref_slice %arg2[%add3A_1267] : memref<819200xi32, #tpu.memory_space<hbm>> -> memref<1280xi32, #tpu.memory_space<hbm>>
    tpu.wait_dma2 semaphore(%arg8 : memref<!tpu.dma_semaphore, #tpu.memory_space<semaphore_mem>>) src(%dma_wait3A_1333 : memref<1280xi32, #tpu.memory_space<hbm>>) dst(%dma_wait3A_1332 : memref<1280xi32, #tpu.memory_space<vmem>>)
    %dma_start3A_1334 = arith.constant 1 : i32
    %dma_start3A_1335 = arith.constant 1 : i32
    %dma_start3A_1336 = arith.constant 0 : i32
    %dma_start3A_1337 = arith.constant 0 : i32
    %dma_start3A_1338 = tpu.memref_slice %arg6[%dma_start3A_1335, %dma_start3A_1336, %dma_start3A_1337] : memref<3x1280x32xf32, #tpu.memory_space<vmem>> -> memref<1x1280x32xf32, #tpu.memory_space<vmem>>
    %dma_start3A_1339 = tpu.memref_squeeze %dma_start3A_1338 : memref<1x1280x32xf32, #tpu.memory_space<vmem>> -> memref<1280x32xf32, #tpu.memory_space<vmem>>
    %dma_start3A_1340 = arith.constant 0 : i32
    %dma_start3A_1341 = tpu.memref_slice %arg5[%dma_start3A_1334, %dma_start3A_1340] : memref<3x1280xi32, #tpu.memory_space<vmem>> -> memref<1x1280xi32, #tpu.memory_space<vmem>>
    %dma_start3A_1342 = tpu.memref_squeeze %dma_start3A_1341 : memref<1x1280xi32, #tpu.memory_space<vmem>> -> memref<1280xi32, #tpu.memory_space<vmem>>
    %dma_start3A_1343 = arith.constant 0 : i32
    %dma_start3A_1344 = arith.constant 0 : i32
    %dma_start3A_1345 = tpu.memref_slice %arg3[%dma_start3A_1343, %dma_start3A_1344] : memref<1000000x32xf32, #tpu.memory_space<hbm>> -> memref<1000000x32xf32, #tpu.memory_space<hbm>>
    tpu.enqueue_indirect_dma source(%dma_start3A_1345 : memref<1000000x32xf32, #tpu.memory_space<hbm>>) target(%dma_start3A_1339 : memref<1280x32xf32, #tpu.memory_space<vmem>>) offsets(%dma_start3A_1342 : memref<1280xi32, #tpu.memory_space<vmem>>) semaphore(%arg11 : memref<!tpu.dma_semaphore, #tpu.memory_space<semaphore_mem>>)
    %dma_wait3A_1346 = arith.constant 0 : i32
    %dma_wait3A_1347 = arith.constant 0 : i32
    %dma_wait3A_1348 = arith.constant 0 : i32
    %dma_wait3A_1349 = arith.constant 0 : i32
    %dma_wait3A_1350 = tpu.memref_slice %arg6[%dma_wait3A_1347, %dma_wait3A_1348, %dma_wait3A_1349] : memref<3x1280x32xf32, #tpu.memory_space<vmem>> -> memref<1x1280x32xf32, #tpu.memory_space<vmem>>
    %dma_wait3A_1351 = tpu.memref_squeeze %dma_wait3A_1350 : memref<1x1280x32xf32, #tpu.memory_space<vmem>> -> memref<1280x32xf32, #tpu.memory_space<vmem>>
    %dma_wait3A_1352 = arith.constant 0 : i32
    %dma_wait3A_1353 = tpu.memref_slice %arg5[%dma_wait3A_1346, %dma_wait3A_1352] : memref<3x1280xi32, #tpu.memory_space<vmem>> -> memref<1x1280xi32, #tpu.memory_space<vmem>>
    %dma_wait3A_1354 = tpu.memref_squeeze %dma_wait3A_1353 : memref<1x1280xi32, #tpu.memory_space<vmem>> -> memref<1280xi32, #tpu.memory_space<vmem>>
    %dma_wait3A_1355 = arith.constant 0 : i32
    %dma_wait3A_1356 = arith.constant 0 : i32
    %dma_wait3A_1357 = tpu.memref_slice %arg3[%dma_wait3A_1355, %dma_wait3A_1356] : memref<1000000x32xf32, #tpu.memory_space<hbm>> -> memref<1000000x32xf32, #tpu.memory_space<hbm>>
    tpu.wait_indirect_dma semaphore(%arg10 : memref<!tpu.dma_semaphore, #tpu.memory_space<semaphore_mem>>) src(%dma_wait3A_1357 : memref<1000000x32xf32, #tpu.memory_space<hbm>>) dst(%dma_wait3A_1351 : memref<1280x32xf32, #tpu.memory_space<vmem>>)
    %add3A_1358 = arith.constant 23040 : i32
    %add3A_1359 = arith.addi %mul3A_2, %add3A_1358 : i32
    %dma_start3A_1360 = arith.constant 0 : i32
    %dma_start3A_1361 = arith.constant 0 : i32
    %dma_start3A_1362 = arith.constant 0 : i32
    %dma_start3A_1363 = tpu.memref_slice %arg6[%dma_start3A_1360, %dma_start3A_1361, %dma_start3A_1362] : memref<3x1280x32xf32, #tpu.memory_space<vmem>> -> memref<1x1280x32xf32, #tpu.memory_space<vmem>>
    %dma_start3A_1364 = tpu.memref_squeeze %dma_start3A_1363 : memref<1x1280x32xf32, #tpu.memory_space<vmem>> -> memref<1280x32xf32, #tpu.memory_space<vmem>>
    %dma_start3A_1365 = arith.constant 0 : i32
    %dma_start3A_1366 = tpu.memref_slice %arg4[%add3A_1359, %dma_start3A_1365] : memref<819200x32xf32, #tpu.memory_space<hbm>> -> memref<1280x32xf32, #tpu.memory_space<hbm>>
    %dma_start3A_1367 = arith.constant 0 : i32
    %dma_start3A_1368 = tpu.memref_slice %arg4[%add3A_1359, %dma_start3A_1367] : memref<819200x32xf32, #tpu.memory_space<hbm>> -> memref<1280x32xf32, #tpu.memory_space<hbm>>
    %dma_start3A_1369 = arith.constant 0 : i32
    %dma_start3A_1370 = arith.constant 0 : i32
    %dma_start3A_1371 = tpu.memref_slice %arg6[%dma_start3A_1360, %dma_start3A_1369, %dma_start3A_1370] : memref<3x1280x32xf32, #tpu.memory_space<vmem>> -> memref<1x1280x32xf32, #tpu.memory_space<vmem>>
    %dma_start3A_1372 = tpu.memref_squeeze %dma_start3A_1371 : memref<1x1280x32xf32, #tpu.memory_space<vmem>> -> memref<1280x32xf32, #tpu.memory_space<vmem>>
    tpu.enqueue_dma source(%dma_start3A_1372 : memref<1280x32xf32, #tpu.memory_space<vmem>>) target(%dma_start3A_1368 : memref<1280x32xf32, #tpu.memory_space<hbm>>) target_semaphore(%arg13 : memref<!tpu.dma_semaphore, #tpu.memory_space<semaphore_mem>>)
    %dma_wait3A_1373 = arith.constant 1 : i32
    %dma_wait3A_1374 = arith.constant 1 : i32
    %dma_wait3A_1375 = arith.constant 0 : i32
    %dma_wait3A_1376 = arith.constant 0 : i32
    %dma_wait3A_1377 = tpu.memref_slice %arg6[%dma_wait3A_1374, %dma_wait3A_1375, %dma_wait3A_1376] : memref<3x1280x32xf32, #tpu.memory_space<vmem>> -> memref<1x1280x32xf32, #tpu.memory_space<vmem>>
    %dma_wait3A_1378 = tpu.memref_squeeze %dma_wait3A_1377 : memref<1x1280x32xf32, #tpu.memory_space<vmem>> -> memref<1280x32xf32, #tpu.memory_space<vmem>>
    %dma_wait3A_1379 = arith.constant 0 : i32
    %dma_wait3A_1380 = tpu.memref_slice %arg5[%dma_wait3A_1373, %dma_wait3A_1379] : memref<3x1280xi32, #tpu.memory_space<vmem>> -> memref<1x1280xi32, #tpu.memory_space<vmem>>
    %dma_wait3A_1381 = tpu.memref_squeeze %dma_wait3A_1380 : memref<1x1280xi32, #tpu.memory_space<vmem>> -> memref<1280xi32, #tpu.memory_space<vmem>>
    %dma_wait3A_1382 = arith.constant 0 : i32
    %dma_wait3A_1383 = arith.constant 0 : i32
    %dma_wait3A_1384 = tpu.memref_slice %arg3[%dma_wait3A_1382, %dma_wait3A_1383] : memref<1000000x32xf32, #tpu.memory_space<hbm>> -> memref<1000000x32xf32, #tpu.memory_space<hbm>>
    tpu.wait_indirect_dma semaphore(%arg11 : memref<!tpu.dma_semaphore, #tpu.memory_space<semaphore_mem>>) src(%dma_wait3A_1384 : memref<1000000x32xf32, #tpu.memory_space<hbm>>) dst(%dma_wait3A_1378 : memref<1280x32xf32, #tpu.memory_space<vmem>>)
    %add3A_1385 = arith.constant 24320 : i32
    %add3A_1386 = arith.addi %mul3A_2, %add3A_1385 : i32
    %dma_start3A_1387 = arith.constant 1 : i32
    %dma_start3A_1388 = arith.constant 0 : i32
    %dma_start3A_1389 = arith.constant 0 : i32
    %dma_start3A_1390 = tpu.memref_slice %arg6[%dma_start3A_1387, %dma_start3A_1388, %dma_start3A_1389] : memref<3x1280x32xf32, #tpu.memory_space<vmem>> -> memref<1x1280x32xf32, #tpu.memory_space<vmem>>
    %dma_start3A_1391 = tpu.memref_squeeze %dma_start3A_1390 : memref<1x1280x32xf32, #tpu.memory_space<vmem>> -> memref<1280x32xf32, #tpu.memory_space<vmem>>
    %dma_start3A_1392 = arith.constant 0 : i32
    %dma_start3A_1393 = tpu.memref_slice %arg4[%add3A_1386, %dma_start3A_1392] : memref<819200x32xf32, #tpu.memory_space<hbm>> -> memref<1280x32xf32, #tpu.memory_space<hbm>>
    %dma_start3A_1394 = arith.constant 0 : i32
    %dma_start3A_1395 = tpu.memref_slice %arg4[%add3A_1386, %dma_start3A_1394] : memref<819200x32xf32, #tpu.memory_space<hbm>> -> memref<1280x32xf32, #tpu.memory_space<hbm>>
    %dma_start3A_1396 = arith.constant 0 : i32
    %dma_start3A_1397 = arith.constant 0 : i32
    %dma_start3A_1398 = tpu.memref_slice %arg6[%dma_start3A_1387, %dma_start3A_1396, %dma_start3A_1397] : memref<3x1280x32xf32, #tpu.memory_space<vmem>> -> memref<1x1280x32xf32, #tpu.memory_space<vmem>>
    %dma_start3A_1399 = tpu.memref_squeeze %dma_start3A_1398 : memref<1x1280x32xf32, #tpu.memory_space<vmem>> -> memref<1280x32xf32, #tpu.memory_space<vmem>>
    tpu.enqueue_dma source(%dma_start3A_1399 : memref<1280x32xf32, #tpu.memory_space<vmem>>) target(%dma_start3A_1395 : memref<1280x32xf32, #tpu.memory_space<hbm>>) target_semaphore(%arg14 : memref<!tpu.dma_semaphore, #tpu.memory_space<semaphore_mem>>)
    %dma_wait3A_1400 = arith.constant 0 : i32
    %dma_wait3A_1401 = arith.constant 0 : i32
    %dma_wait3A_1402 = arith.constant 0 : i32
    %dma_wait3A_1403 = tpu.memref_slice %arg6[%dma_wait3A_1400, %dma_wait3A_1401, %dma_wait3A_1402] : memref<3x1280x32xf32, #tpu.memory_space<vmem>> -> memref<1x1280x32xf32, #tpu.memory_space<vmem>>
    %dma_wait3A_1404 = tpu.memref_squeeze %dma_wait3A_1403 : memref<1x1280x32xf32, #tpu.memory_space<vmem>> -> memref<1280x32xf32, #tpu.memory_space<vmem>>
    %dma_wait3A_1405 = arith.constant 0 : i32
    %dma_wait3A_1406 = tpu.memref_slice %arg4[%add3A_1359, %dma_wait3A_1405] : memref<819200x32xf32, #tpu.memory_space<hbm>> -> memref<1280x32xf32, #tpu.memory_space<hbm>>
    %dma_wait3A_1407 = arith.constant 0 : i32
    %dma_wait3A_1408 = tpu.memref_slice %arg4[%add3A_1359, %dma_wait3A_1407] : memref<819200x32xf32, #tpu.memory_space<hbm>> -> memref<1280x32xf32, #tpu.memory_space<hbm>>
    %dma_wait3A_1409 = arith.constant 0 : i32
    %dma_wait3A_1410 = arith.constant 0 : i32
    %dma_wait3A_1411 = tpu.memref_slice %arg6[%dma_wait3A_1400, %dma_wait3A_1409, %dma_wait3A_1410] : memref<3x1280x32xf32, #tpu.memory_space<vmem>> -> memref<1x1280x32xf32, #tpu.memory_space<vmem>>
    %dma_wait3A_1412 = tpu.memref_squeeze %dma_wait3A_1411 : memref<1x1280x32xf32, #tpu.memory_space<vmem>> -> memref<1280x32xf32, #tpu.memory_space<vmem>>
    tpu.wait_dma2 semaphore(%arg13 : memref<!tpu.dma_semaphore, #tpu.memory_space<semaphore_mem>>) src(%dma_wait3A_1412 : memref<1280x32xf32, #tpu.memory_space<vmem>>) dst(%dma_wait3A_1408 : memref<1280x32xf32, #tpu.memory_space<hbm>>)
    %dma_wait3A_1413 = arith.constant 1 : i32
    %dma_wait3A_1414 = arith.constant 0 : i32
    %dma_wait3A_1415 = arith.constant 0 : i32
    %dma_wait3A_1416 = tpu.memref_slice %arg6[%dma_wait3A_1413, %dma_wait3A_1414, %dma_wait3A_1415] : memref<3x1280x32xf32, #tpu.memory_space<vmem>> -> memref<1x1280x32xf32, #tpu.memory_space<vmem>>
    %dma_wait3A_1417 = tpu.memref_squeeze %dma_wait3A_1416 : memref<1x1280x32xf32, #tpu.memory_space<vmem>> -> memref<1280x32xf32, #tpu.memory_space<vmem>>
    %dma_wait3A_1418 = arith.constant 0 : i32
    %dma_wait3A_1419 = tpu.memref_slice %arg4[%add3A_1386, %dma_wait3A_1418] : memref<819200x32xf32, #tpu.memory_space<hbm>> -> memref<1280x32xf32, #tpu.memory_space<hbm>>
    %dma_wait3A_1420 = arith.constant 0 : i32
    %dma_wait3A_1421 = tpu.memref_slice %arg4[%add3A_1386, %dma_wait3A_1420] : memref<819200x32xf32, #tpu.memory_space<hbm>> -> memref<1280x32xf32, #tpu.memory_space<hbm>>
    %dma_wait3A_1422 = arith.constant 0 : i32
    %dma_wait3A_1423 = arith.constant 0 : i32
    %dma_wait3A_1424 = tpu.memref_slice %arg6[%dma_wait3A_1413, %dma_wait3A_1422, %dma_wait3A_1423] : memref<3x1280x32xf32, #tpu.memory_space<vmem>> -> memref<1x1280x32xf32, #tpu.memory_space<vmem>>
    %dma_wait3A_1425 = tpu.memref_squeeze %dma_wait3A_1424 : memref<1x1280x32xf32, #tpu.memory_space<vmem>> -> memref<1280x32xf32, #tpu.memory_space<vmem>>
    tpu.wait_dma2 semaphore(%arg14 : memref<!tpu.dma_semaphore, #tpu.memory_space<semaphore_mem>>) src(%dma_wait3A_1425 : memref<1280x32xf32, #tpu.memory_space<vmem>>) dst(%dma_wait3A_1421 : memref<1280x32xf32, #tpu.memory_space<hbm>>)
    %dma_wait3A_1426 = arith.constant 2 : i32
    %dma_wait3A_1427 = arith.constant 0 : i32
    %dma_wait3A_1428 = arith.constant 0 : i32
    %dma_wait3A_1429 = tpu.memref_slice %arg6[%dma_wait3A_1426, %dma_wait3A_1427, %dma_wait3A_1428] : memref<3x1280x32xf32, #tpu.memory_space<vmem>> -> memref<1x1280x32xf32, #tpu.memory_space<vmem>>
    %dma_wait3A_1430 = tpu.memref_squeeze %dma_wait3A_1429 : memref<1x1280x32xf32, #tpu.memory_space<vmem>> -> memref<1280x32xf32, #tpu.memory_space<vmem>>
    %dma_wait3A_1431 = arith.constant 0 : i32
    %dma_wait3A_1432 = tpu.memref_slice %arg4[%add3A_1311, %dma_wait3A_1431] : memref<819200x32xf32, #tpu.memory_space<hbm>> -> memref<1280x32xf32, #tpu.memory_space<hbm>>
    %dma_wait3A_1433 = arith.constant 0 : i32
    %dma_wait3A_1434 = tpu.memref_slice %arg4[%add3A_1311, %dma_wait3A_1433] : memref<819200x32xf32, #tpu.memory_space<hbm>> -> memref<1280x32xf32, #tpu.memory_space<hbm>>
    %dma_wait3A_1435 = arith.constant 0 : i32
    %dma_wait3A_1436 = arith.constant 0 : i32
    %dma_wait3A_1437 = tpu.memref_slice %arg6[%dma_wait3A_1426, %dma_wait3A_1435, %dma_wait3A_1436] : memref<3x1280x32xf32, #tpu.memory_space<vmem>> -> memref<1x1280x32xf32, #tpu.memory_space<vmem>>
    %dma_wait3A_1438 = tpu.memref_squeeze %dma_wait3A_1437 : memref<1x1280x32xf32, #tpu.memory_space<vmem>> -> memref<1280x32xf32, #tpu.memory_space<vmem>>
    tpu.wait_dma2 semaphore(%arg15 : memref<!tpu.dma_semaphore, #tpu.memory_space<semaphore_mem>>) src(%dma_wait3A_1438 : memref<1280x32xf32, #tpu.memory_space<vmem>>) dst(%dma_wait3A_1434 : memref<1280x32xf32, #tpu.memory_space<hbm>>)
    return
  }
}

</mosaic_0001>

<sc_bundles>
// kernel: kernel.3.cloned.1.call-start
scs
__scs_entry_jumppad:
0x0: {  	(pc) =	sbr.rel $0x88, $3  }
0x1: {  	(tag) =	ssettag $0x0;
	lr =	simm.s32 $0x1  }
0x2: {  	[smem:$0x3F9F] =	sst lr;
	_ =	strace $0xD0000000  }
0x3: {  	_ = 	snop  }
0x4: {  	_ = 	snop  }
0x5: {  	_ = 	snop  }
0x6: {  	_ = 	snop  }
0x7: {  	_ = 	snop  }
__scs_overlays_trampoline_lowered:
0x8: {  	[smem:$0x3FAE] =	sst s0  }
0x9: {  	[smem:$0x3FAF] =	sst s1  }
0xa: {  	[smem:$0x3FB0] =	sst s2  }
0xb: {  	[smem:$0x3FB1] =	sst s3  }
0xc: {  	[smem:$0x3FB2] =	sst s4  }
0xd: {  	[smem:$0x3FB3] =	sst s5  }
0xe: {  	[smem:$0x3FB4] =	sst s6  }
0xf: {  	[smem:$0x3FB5] =	sst s7  }
0x10: {  	[smem:$0x3FB6] =	sst s8  }
0x11: {  	[smem:$0x3FB7] =	sst s9;
	s0 =	simm.s32 @!p0 $0x0  }
0x12: {  	s1 =	sld [smem:$0x3F9D];
	s0 =	simm.s32 @p0 $0x1  }
0x13: {  	[smem:$0x3FB8] =	sst s0;
	s0 =	simm.s32 @!p1 $0x0  }
0x14: {  	s2 =	sld [smem:$0x3F9C];
	s0 =	simm.s32 @p1 $0x1  }
0x15: {  	[smem:$0x3FB9] =	sst s0;
	s0 =	simm.s32 @!p2 $0x0  }
0x16: {  	s3 =	sld [smem:$0x3FDB];
	s0 =	simm.s32 @p2 $0x1  }
0x17: {  	s4 =	simm.s32 $0x1BF5;
	[smem:$0x3FBB] =	sst s0  }
0x18: {  	s0 =	sld [smem:$0x3F9E];
	_ =	swait.ge [sflag:s4], $0x0  }
0x19: {  	s7 =	sld [smem:$0x3F9F]  }
0x1a: {  	s8 =	sadd.s32 $0xFFFFE003, lr  }
0x1b: {  	s9 =	sadd.s32 $0xFFFFFEF7, lr;
	s5 =	simm.s32 $0xFFFFFFFF;
	p2 =	slt.u32 s8, $0xFFFFF086  }
0x1c: {  	p1 =	slt.u32 s9, $0xF7A;
	s5 =	simm.s32 @!p2 $0x0  }
0x1d: {  	s5 =	simm.s32 @p1 $0x1;
	p0 =	seq.s32 s7, s2  }
0x1e: {  	s7 =	smul.u32 @!p0 $0xF7A, s2;
	p2 =	seq.s32 @!p0 s5, $0x0  }
0x1f: {  	s9 =	smul.u32 $0xF7A, s1;
	s8 =	simm.s32 @!p0 $0x1BF5;
	p2 =	por !p2, p0  }
0x20: {  	[sflag:s8] =	ssyncset.s32 @!p0 $0xFFFFF086;
	s6 =	sadd.s32 @!p0 s3, s7;
	s7 =	simm.s32 @!p0 $0x108  }
0x21: {  	s3 =	sadd.s32 s3, s9;
	s6 =	sadd.s32 @!p0 $0x88, s6;
	s7 =	simm.s32 @p2 $0x1082  }
0x22: {  	[simem:s7], [sflag:s8] =	dma.local @!p0 [hbm:s6], $0xF7A  }
0x23: {  	s9 =	sor.u32 $0xD0000000, s2;
	s6 =	simm.s32 $0x108;
	_ =	swait.ge @!p0 [sflag:s8], $0x0  }
0x24: {  	s3 =	sadd.s32 $0x88, s3;
	s6 =	simm.s32 @!p1 $0x1082;
	[sflag:s4] =	ssyncset.s32 $0xFFFFF086  }
0x25: {  	[simem:s6], [sflag:s4] =	dma.local [hbm:s3], $0xF7A  }
0x26: {  	[smem:$0x3F9F] =	sst s1;
	(tag) =	ssettag s2;
	_ =	strace s9  }
0x27: {  	s1 =	sld [smem:$0x3FAF]  }
0x28: {  	s2 =	sld [smem:$0x3FB0]  }
0x29: {  	s4 =	sld [smem:$0x3FB2]  }
0x2a: {  	p0 =	seq.s32 s5, $0x0;
	s5 =	sld [smem:$0x3FB3]  }
0x2b: {  	s6 =	sld [smem:$0x3FB4]  }
0x2c: {  	s7 =	sld [smem:$0x3FB5]  }
0x2d: {  	s3 =	simm.s32 $0x108;
	s8 =	sld [smem:$0x3FB6]  }
0x2e: {  	s3 =	simm.s32 @!p0 $0x1082;
	s9 =	sld [smem:$0x3FB7]  }
0x2f: {  	lr =	sadd.s32 s0, s3;
	s0 =	sld [smem:$0x3FAE]  }
0x30: {  	s3 =	sld [smem:$0x3FB1]  }
0x31: {  	[smem:$0x3FBA] =	sst s10  }
0x32: {  	s10 =	sld [smem:$0x3FB8];
	_ =	sdelay $0x3  }
0x33: {  	p0 =	seq.s32 s10, $0x1;
	s10 =	sld [smem:$0x3FBA];
	_ =	sdelay $0x3  }
0x34: {  	[smem:$0x3FBA] =	sst s10  }
0x35: {  	s10 =	sld [smem:$0x3FB9];
	_ =	sdelay $0x3  }
0x36: {  	p1 =	seq.s32 s10, $0x1;
	s10 =	sld [smem:$0x3FBA];
	_ =	sdelay $0x3  }
0x37: {  	[smem:$0x3FBA] =	sst s10  }
0x38: {  	s10 =	sld [smem:$0x3FBB]  }
0x39: {  	_ = 	snop;
	(pc) =	sbr.ind lr, $3  }
0x3a: {  	_ = 	snop  }
0x3b: {  	_ = 	snop  }
0x3c: {  	p2 =	seq.s32 s10, $0x1;
	s10 =	sld [smem:$0x3FBA]  }
0x3d: {  	_ =	shalt  }
0x3e: {  	_ =	shalt  }
0x3f: {  	_ =	shalt  }
0x40: {  	_ =	shalt  }
0x41: {  	_ =	shalt  }
0x42: {  	_ =	shalt  }
0x43: {  	_ =	shalt  }
0x44: {  	_ =	shalt  }
0x45: {  	_ =	shalt  }
0x46: {  	_ =	shalt  }
0x47: {  	_ =	shalt  }
0x48: {  	_ =	shalt  }
0x49: {  	_ =	shalt  }
0x4a: {  	_ =	shalt  }
0x4b: {  	_ =	shalt  }
0x4c: {  	_ =	shalt  }
0x4d: {  	_ =	shalt  }
0x4e: {  	_ =	shalt  }
0x4f: {  	_ =	shalt  }
0x50: {  	_ =	shalt  }
0x51: {  	_ =	shalt  }
0x52: {  	_ =	shalt  }
0x53: {  	_ =	shalt  }
0x54: {  	_ =	shalt  }
0x55: {  	_ =	shalt  }
0x56: {  	_ =	shalt  }
0x57: {  	_ =	shalt  }
0x58: {  	_ =	shalt  }
0x59: {  	_ =	shalt  }
0x5a: {  	_ =	shalt  }
0x5b: {  	_ =	shalt  }
0x5c: {  	_ =	shalt  }
0x5d: {  	_ =	shalt  }
0x5e: {  	_ =	shalt  }
0x5f: {  	_ =	shalt  }
0x60: {  	_ =	shalt  }
0x61: {  	_ =	shalt  }
0x62: {  	_ =	shalt  }
0x63: {  	_ =	shalt  }
0x64: {  	_ =	shalt  }
0x65: {  	_ =	shalt  }
0x66: {  	_ =	shalt  }
0x67: {  	_ =	shalt  }
0x68: {  	_ =	shalt  }
0x69: {  	_ =	shalt  }
0x6a: {  	_ =	shalt  }
0x6b: {  	_ =	shalt  }
0x6c: {  	_ =	shalt  }
0x6d: {  	_ =	shalt  }
0x6e: {  	_ =	shalt  }
0x6f: {  	_ =	shalt  }
0x70: {  	_ =	shalt  }
0x71: {  	_ =	shalt  }
0x72: {  	_ =	shalt  }
0x73: {  	_ =	shalt  }
0x74: {  	_ =	shalt  }
0x75: {  	_ =	shalt  }
0x76: {  	_ =	shalt  }
0x77: {  	_ =	shalt  }
0x78: {  	_ =	shalt  }
0x79: {  	_ =	shalt  }
0x7a: {  	_ =	shalt  }
0x7b: {  	_ =	shalt  }
0x7c: {  	_ =	shalt  }
0x7d: {  	_ =	shalt  }
0x7e: {  	_ =	shalt  }
0x7f: {  	_ =	shalt  }
0x80: {  	_ =	shalt  }
0x81: {  	_ =	shalt  }
0x82: {  	_ =	shalt  }
0x83: {  	_ =	shalt  }
0x84: {  	_ =	shalt  }
0x85: {  	_ =	shalt  }
0x86: {  	_ =	shalt  }
0x87: {  	_ =	shalt  }
.Lfunc_end0:
.L_simem_size_0:
called_computation.1_lowered:
.L_overlay_start_0:
0x88: {  	s2 =	sld [smem:$0x3FD9]  }
0x89: {  	s3 =	sld [smem:$0x3FFE];
	_ =	sdelay $0x1  }
0x8a: {  	s1 =	srdreg.scid  }
0x8b: {  	s0 =	sand.u32 $0x1, s1  }
0x8c: {  	s17 =	sshll.u32 s0, $0xA;
	s2 =	sadd.s32 s3, s2  }
0x8d: {  	s2 =	sadd.s32 s2, s17  }
0x8e: {  	[smem:$0x3FC6] =	sst s2  }
0x8f: {  	_ = 	snop  }
0x90: {  	s2 =	sld [smem:$0x3FD0];
	(tm) =	ssettm $0x1  }
0x91: {  	s18 =	sld [smem:$0x3FFB];
	_ =	sdelay $0x3  }
0x92: {  	_ =	strace s18  }
0x93: {  	s3 =	sld [smem:$0x3FFC];
	_ =	sdelay $0x3  }
0x94: {  	_ =	strace s3  }
0x95: {  	s3 =	sld [smem:$0x3FFD];
	_ =	sdelay $0x3  }
0x96: {  	_ =	strace s3  }
0x97: {  	_ =	strace $0x8FFFFFFF  }
0x98: {  	s19 =	sld [smem:$0x3FDB];
	_ =	sdelay $0x1  }
0x99: {  	s4 =	simm.s32 $_scs_section_size  }
0x9a: {  	s5 =	simm.s32 $_size__tile_overlayer_lowered;
	s6 =	simm.s32 $_tile_overlayer_lowered  }
0x9b: {  	s22 =	simm.s32 $0x1BFF;
	s21 =	sshll.u32 s6, $0x1;
	s3 =	sadd.s32 s4, s19  }
0x9c: {  	s7 =	simm.s32 $0x0;
	s20 =	sshll.u32 s5, $0x1;
	s5 =	sadd.s32 s21, s3  }
0x9d: {  	[timem:s7], [sflag:s22] =	dma.local [hbm:s5], s20  }
0x9e: {  	_ =	swait.ge [sflag:s22], s20  }
0x9f: {  	s4 =	ssub.s32 $0x0, s20;
	[sflag:s22] =	ssyncset.done $0x0  }
0xa0: {  	[sflag:s22] =	ssyncadd.s32 s4;
	_ =	sdelay $0x1  }
0xa1: {  	s23 =	simm.s32 $0x1B8B  }
0xa2: {  	_ =	swait.ge [sflag:s23], $0x1  }
0xa3: {  	[sflag:s23] =	ssyncset.done $0x0  }
0xa4: {  	s25 =	simm.s32 $0x1B8E;
	s24 =	sld [smem:$0x3FFE];
	[sflag:s23] =	ssyncadd.s32 $0xFFFFFFFF  }
0xa5: {  	s26 =	simm.s32 $execute0_lowered;
	[smem:$0x3FD2] =	sst s25  }
0xa6: {  	s5 =	sshll.u32 s26, $0x1;
	_ =	strace $0x80000046;
	[dreg:$0x1] =	wrdreg $0xFFFFFFFF  }
0xa7: {  	s28 =	simm.s32 $_size_execute0_lowered;
	s3 =	sadd.s32 s3, s5;
	[dreg:$0x0] =	wrdreg $0x0  }
0xa8: {  	s5 =	sshll.u32 s28, $0x1;
	[dreg:$0x2] =	wrdreg s3  }
0xa9: {  	[dreg:$0x3] =	wrdreg s5  }
0xaa: {  	[dreg:$0x4] =	wrdreg $0xC0  }
0xab: {  	_ =	task [dreg:s7], $0x5FFFF  }
0xac: {  	[dreg:$0x1] =	wrdreg $0xFFFFFFFF  }
0xad: {  	[dreg:$0x0] =	wrdreg $0x60  }
0xae: {  	[dreg:$0x2] =	wrdreg s24  }
0xaf: {  	[dreg:$0x3] =	wrdreg s2  }
0xb0: {  	[dreg:$0x4] =	wrdreg $0x9  }
0xb1: {  	_ =	task.clear_ibuf [dreg:s7], $0x5FFFF;
	_ =	strace $0x90000046  }
0xb2: {  	s29 =	simm.s32 $0x9;
	_ =	strace $0x80000048  }
0xb3: {  	_ =	swait.ge [sflag:s29], $0x1  }
0xb4: {  	[sflag:s29] =	ssyncadd.s32 $0xFFFFFFFF  }
0xb5: {  	_ =	strace $0x90000048  }
0xb6: {  	_ =	sfence  }
0xb7: {  	s30 =	sld [smem:$0x0];
	_ =	sdelay $0x2  }
0xb8: {  	s31 =	sshll.u32 s1, $0xD;
	s1 =	sshrl.u32 s1, $0x2  }
0xb9: {  	s3 =	sand.u32 $0x4000, s31;
	s1 =	sadd.s32 s1, s30  }
0xba: {  	s0 =	sor.u32 s3, s0;
	s1 =	sshll.u32 s1, $0x11  }
0xbb: {  	s0 =	sor.u32 s1, s0  }
0xbc: {  	s0 =	sadd.s32 $0x8F2B, s0  }
0xbd: {  	[sflag:s0] =	ssyncadd.remote.s32 $0x1  }
0xbe: {  	_ =	sfence.sel $0xFFFF  }
0xbf: {  	[dreg:$0x0] =	wrdreg $0xFFFFFFFF;
	(pc) =	sbr.abs _section_cstart, $3  }
0xc0: {  	[dreg:$0x1] =	wrdreg $0xFFFFFFFF  }
0xc1: {  	_ =	task.clear_ibuf [dreg:s7], $0x2FFFF;
	_ =	strace $0x9FFFFFFF  }
0xc2: {  	(tm) =	ssettm $0x7FFFFFFF  }
0xc3: {  	_ =	shalt  }
tec
execute0_lowered:
.L_overlay_start_1:
0x0: {  	(tag) =	ssettag $0x1  }
0x1: {  	s0 =	srdreg.scid  }
0x2: {  	s1 =	stileid.u32;
	s3 =	rddreg [dreg:$0x0]  }
0x3: {  	s2 =	simm.s32 $0x0;
	s6 =	sand.u32 $0x1, s0;
	s19 =	sshll.u32 s1, $0x1  }
0x4: {  	p0 =	por $0x0, $0x0;
	s1 =	rddreg [dreg:$0x1];
	s0 =	sor.u32 s6, s19  }
0x5: {  	s29 =	simm.s32 $0x3;
	[smem:$0x7FF] =	sst s2;
	s5 =	smul.u32 $0x6400, s0  }
0x6: {  	s4 =	sadd.s32 $0xA00, s3;
	s3 =	sadd.s32 $0xF42E00, s3;
	s0 =	smul.u32 $0x19000, s0  }
0x7: {  	_ =	strace $0x80000047;
	s6 =	ssub.s32 $0x2, s6;
	s7 =	sshrl.u32 s5, $0x3  }
0x8: {  	s8 =	sadd.s32 $0x500, s5;
	s9 =	sadd.s32 $0xA00, s5;
	s0 =	sadd.s32 s1, s0  }
0x9: {  	s22 =	sadd.s32 $0xF00, s5;
	s24 =	sadd.s32 $0x1400, s5;
	s14 =	sadd.s32 $0x1900, s5  }
0xa: {  	s16 =	sadd.s32 $0x1E00, s5;
	s7 =	sadd.s32 s4, s7;
	s20 =	sshrl.u32 s8, $0x3  }
0xb: {  	s10 =	sshrl.u32 s9, $0x3;
	[dreg:$0x6] =	wrdreg s0;
	s23 =	sshrl.u32 s22, $0x3  }
0xc: {  	s8 =	sshll.u32 s8, $0x2;
	s26 =	sshrl.u32 s24, $0x3;
	s12 =	sshll.u32 s9, $0x2  }
0xd: {  	s15 =	sshrl.u32 s14, $0x3;
	s18 =	sshrl.u32 s16, $0x3;
	[dreg:$0x3] =	wrdreg s7  }
0xe: {  	s7 =	sadd.s32 s4, s20;
	s21 =	sadd.s32 s4, s10;
	s0 =	sadd.s32 s4, s23  }
0xf: {  	s25 =	sadd.s32 s1, s8;
	s11 =	sadd.s32 s4, s26;
	[dreg:$0x4] =	wrdreg s7  }
0x10: {  	s13 =	sadd.s32 s1, s12;
	s19 =	sadd.s32 s4, s18;
	[dreg:$0x5] =	wrdreg s21  }
0x11: {  	s20 =	sshll.u32 s24, $0x2;
	s8 =	sshll.u32 s14, $0x2;
	[dreg:$0x7] =	wrdreg s0  }
0x12: {  	s24 =	sadd.s32 $0x2800, s5;
	s12 =	sshll.u32 s16, $0x2;
	[dreg:$0x8] =	wrdreg s25  }
0x13: {  	s14 =	sadd.s32 $0x2D00, s5;
	s16 =	sadd.s32 $0x3200, s5;
	[dreg:$0x9] =	wrdreg s11  }
0x14: {  	[dreg:$0xa] =	wrdreg s13;
	s0 =	sadd.s32 s4, s15;
	s7 =	sshll.u32 s22, $0x2  }
0x15: {  	[dreg:$0xd] =	wrdreg s19;
	s21 =	sadd.s32 s1, s20;
	s22 =	sadd.s32 $0x2300, s5  }
0x16: {  	s25 =	sadd.s32 s1, s8;
	s26 =	sshrl.u32 s24, $0x3;
	s13 =	sadd.s32 s1, s12  }
0x17: {  	s15 =	sshrl.u32 s14, $0x3;
	s18 =	sshrl.u32 s16, $0x3;
	s20 =	sshll.u32 s24, $0x2  }
0x18: {  	s8 =	sshll.u32 s14, $0x2;
	s24 =	sadd.s32 $0x3C00, s5;
	[dreg:$0xb] =	wrdreg s0  }
0x19: {  	s12 =	sshll.u32 s16, $0x2;
	s14 =	sadd.s32 $0x4100, s5;
	[dreg:$0xe] =	wrdreg s21  }
0x1a: {  	s17 =	sadd.s32 s1, s7;
	s23 =	sshrl.u32 s22, $0x3;
	[dreg:$0x10] =	wrdreg s25  }
0x1b: {  	s11 =	sadd.s32 s4, s26;
	[dreg:$0x12] =	wrdreg s13;
	s7 =	sshll.u32 s22, $0x2  }
0x1c: {  	s19 =	sadd.s32 s4, s18;
	s21 =	sadd.s32 s1, s20;
	s22 =	sadd.s32 $0x3700, s5  }
0x1d: {  	s25 =	sadd.s32 s1, s8;
	s26 =	sshrl.u32 s24, $0x3;
	[dreg:$0xc] =	wrdreg s17  }
0x1e: {  	s13 =	sadd.s32 s1, s12;
	s16 =	sshrl.u32 s14, $0x3;
	[dreg:$0x11] =	wrdreg s11  }
0x1f: {  	s20 =	sshll.u32 s24, $0x2;
	s8 =	sshll.u32 s14, $0x2;
	[dreg:$0x15] =	wrdreg s19  }
0x20: {  	s0 =	sadd.s32 s4, s23;
	s17 =	sadd.s32 s1, s7;
	[dreg:$0x16] =	wrdreg s21  }
0x21: {  	s23 =	sshrl.u32 s22, $0x3;
	[dreg:$0x18] =	wrdreg s25;
	s11 =	sadd.s32 s4, s26  }
0x22: {  	[dreg:$0x1a] =	wrdreg s13;
	s7 =	sshll.u32 s22, $0x2;
	s21 =	sadd.s32 $0x4B00, s5  }
0x23: {  	s31 =	sadd.s32 s1, s20;
	s26 =	sadd.s32 s1, s8;
	[dreg:$0xf] =	wrdreg s0  }
0x24: {  	s25 =	sadd.s32 $0x5000, s5;
	s13 =	sadd.s32 $0x5A00, s5;
	[dreg:$0x14] =	wrdreg s17  }
0x25: {  	s0 =	sadd.s32 s4, s15;
	[dreg:$0x19] =	wrdreg s11;
	s15 =	sshrl.u32 s6, $0x1  }
0x26: {  	s11 =	sadd.s32 $0x4600, s5;
	s17 =	sadd.s32 s1, s7;
	s24 =	sshrl.u32 s21, $0x3  }
0x27: {  	s9 =	sshrl.u32 s25, $0x3;
	s7 =	sshll.u32 s21, $0x2;
	s14 =	sshrl.u32 s13, $0x3  }
0x28: {  	[dreg:$0x13] =	wrdreg s0;
	s0 =	sadd.s32 s4, s23;
	s18 =	sshrl.u32 s11, $0x3  }
0x29: {  	s6 =	ssub.s32 s6, s15;
	[dreg:$0x1c] =	wrdreg s17;
	s30 =	sadd.s32 s4, s24  }
0x2a: {  	s10 =	sshll.u32 s11, $0x2;
	s11 =	sadd.s32 $0x5500, s5;
	s28 =	sadd.s32 s4, s9  }
0x2b: {  	s20 =	sadd.s32 s1, s7;
	s5 =	sadd.s32 $0x5F00, s5;
	s9 =	simm.s32 $0xF00  }
0x2c: {  	s7 =	simm.s32 $0xAF00;
	[dreg:$0x17] =	wrdreg s0;
	s0 =	sadd.s32 s4, s16  }
0x2d: {  	s19 =	sadd.s32 s4, s18;
	s23 =	sadd.s32 s1, s10;
	s12 =	sshrl.u32 s11, $0x3  }
0x2e: {  	s15 =	sshrl.u32 s5, $0x3;
	s16 =	sshll.u32 s11, $0x2;
	s18 =	sshll.u32 s13, $0x2  }
0x2f: {  	s21 =	sshll.u32 s5, $0x2;
	s24 =	smax.u32 s6, $0x1;
	s11 =	simm.s32 $0x500  }
0x30: {  	s13 =	simm.s32 $0x4;
	s6 =	simm.s32 $0x7;
	[dreg:$0x1b] =	wrdreg s0  }
0x31: {  	s10 =	simm.s32 $0x9;
	[dreg:$0x1d] =	wrdreg s19;
	s22 =	sadd.s32 s4, s12  }
0x32: {  	s19 =	sadd.s32 s4, s14;
	s0 =	sshll.u32 s25, $0x2;
	p1 =	sne.s32 s24, $0x1  }
.Ltmp0:
0x33: {  	s14 =	sadd.s32 s4, s15;
	s8 =	sadd.s32 s1, s16;
	(pc) =	sbr.rel @!p1 .LBB2_3-.Ltmp0, $4  }
0x34: {  	s5 =	sadd.s32 s1, s18;
	s4 =	sadd.s32 s1, s21;
	s18 =	simm.s32 $0x1  }
0x35: {  	s25 =	simm.s32 $0xA00;
	s15 =	simm.s32 $0x2;
	s21 =	simm.s32 $0x14F00  }
0x36: {  	s16 =	simm.s32 $0x5;
	s12 =	simm.s32 $0x8;
	s17 =	sadd.s32 s1, s0  }
0x37: {  	s1 =	sadd.s32 $0xFFFFFFFF, s24;
	s24 =	simm.s32 $0x6;
	s0 =	rddreg [dreg:$0x3]  }
0x38: {  	[dreg:$0x1e] =	wrdreg s1  }
0x39: {  	[tilespmem:s2], [sflag:$0x1] =	stream.linear.gather [hbm4b:s0+s2], $0x500, $0x38;
	[tilespmem:$0x1EF00] =	vst v63  }
0x3a: {  	s1 =	rddreg [dreg:$0x4]  }
0x3b: {  	[tilespmem:s11], [sflag:$0x2] =	stream.linear.gather [hbm4b:s1+s2], $0x500, $0x38;
	[tilespmem:$0x1EF00] =	vst v63  }
0x3c: {  	_ =	swait.ge [sflag:s18], $0x500  }
0x3d: {  	[sflag:s18] =	ssyncset.done $0x0  }
0x3e: {  	[sflag:s18] =	ssyncadd.s32 $0xFFFFFB00  }
0x3f: {  	[tilespmem:s9], [sflag:$0x4] =	stream.indirect.gather [hbm4b:s3+s11], $0x20, s2, s11, $0xb8;
	[tilespmem:$0x1EF00] =	vst v63  }
0x40: {  	s1 =	rddreg [dreg:$0x5]  }
0x41: {  	[tilespmem:s25], [sflag:$0x3] =	stream.linear.gather [hbm4b:s1+s2], $0x500, $0x38;
	[tilespmem:$0x1EF00] =	vst v63  }
0x42: {  	_ =	swait.ge [sflag:s15], $0x500  }
0x43: {  	[sflag:s15] =	ssyncset.done $0x0  }
0x44: {  	[sflag:s15] =	ssyncadd.s32 $0xFFFFFB00  }
0x45: {  	[tilespmem:s7], [sflag:$0x5] =	stream.indirect.gather [hbm4b:s3+s11], $0x20, s11, s11, $0xb8;
	[tilespmem:$0x1EF00] =	vst v63  }
0x46: {  	_ =	swait.ge [sflag:s13], $0xA000  }
0x47: {  	[sflag:s13] =	ssyncset.done $0x0  }
0x48: {  	s1 =	rddreg [dreg:$0x6];
	[sflag:s13] =	ssyncadd.s32 $0xFFFF6000  }
0x49: {  	[hbm4b:s1+s2] =	stream.linear.scatter [tilespmem:s9], [sflag:$0x7], $0xA000, $0x38;
	[tilespmem:$0x1EF00] =	vst v63  }
0x4a: {  	_ =	swait.ge [sflag:s6], $0xA000  }
0x4b: {  	[sflag:s6] =	ssyncset.done $0x0  }
0x4c: {  	s1 =	rddreg [dreg:$0x7];
	[sflag:s6] =	ssyncadd.s32 $0xFFFF6000  }
0x4d: {  	[tilespmem:s2], [sflag:$0x1] =	stream.linear.gather [hbm4b:s1+s2], $0x500, $0x38;
	[tilespmem:$0x1EF00] =	vst v63  }
0x4e: {  	_ =	swait.ge [sflag:s29], $0x500  }
0x4f: {  	[sflag:s29] =	ssyncset.done $0x0  }
0x50: {  	[sflag:s29] =	ssyncadd.s32 $0xFFFFFB00  }
0x51: {  	[tilespmem:s21], [sflag:$0x6] =	stream.indirect.gather [hbm4b:s3+s11], $0x20, s25, s11, $0xb8;
	[tilespmem:$0x1EF00] =	vst v63  }
0x52: {  	_ =	swait.ge [sflag:s16], $0xA000  }
0x53: {  	[sflag:s16] =	ssyncset.done $0x0  }
0x54: {  	s1 =	rddreg [dreg:$0x8];
	[sflag:s16] =	ssyncadd.s32 $0xFFFF6000  }
0x55: {  	[hbm4b:s1+s2] =	stream.linear.scatter [tilespmem:s7], [sflag:$0x8], $0xA000, $0x38;
	[tilespmem:$0x1EF00] =	vst v63  }
0x56: {  	_ =	swait.ge [sflag:s12], $0xA000  }
0x57: {  	[sflag:s12] =	ssyncset.done $0x0  }
0x58: {  	s1 =	rddreg [dreg:$0x9];
	[sflag:s12] =	ssyncadd.s32 $0xFFFF6000  }
0x59: {  	[tilespmem:s11], [sflag:$0x2] =	stream.linear.gather [hbm4b:s1+s2], $0x500, $0x38;
	[tilespmem:$0x1EF00] =	vst v63  }
0x5a: {  	_ =	swait.ge [sflag:s18], $0x500  }
0x5b: {  	[sflag:s18] =	ssyncset.done $0x0  }
0x5c: {  	[sflag:s18] =	ssyncadd.s32 $0xFFFFFB00  }
0x5d: {  	[tilespmem:s9], [sflag:$0x4] =	stream.indirect.gather [hbm4b:s3+s11], $0x20, s2, s11, $0xb8;
	[tilespmem:$0x1EF00] =	vst v63  }
0x5e: {  	_ =	swait.ge [sflag:s24], $0xA000  }
0x5f: {  	[sflag:s24] =	ssyncset.done $0x0  }
0x60: {  	s1 =	rddreg [dreg:$0xa];
	[sflag:s24] =	ssyncadd.s32 $0xFFFF6000  }
0x61: {  	[hbm4b:s1+s2] =	stream.linear.scatter [tilespmem:s21], [sflag:$0x9], $0xA000, $0x38;
	[tilespmem:$0x1EF00] =	vst v63  }
0x62: {  	_ =	swait.ge [sflag:s10], $0xA000  }
0x63: {  	[sflag:s10] =	ssyncset.done $0x0  }
0x64: {  	s1 =	rddreg [dreg:$0xb];
	[sflag:s10] =	ssyncadd.s32 $0xFFFF6000  }
0x65: {  	[tilespmem:s25], [sflag:$0x3] =	stream.linear.gather [hbm4b:s1+s2], $0x500, $0x38;
	[tilespmem:$0x1EF00] =	vst v63  }
0x66: {  	_ =	swait.ge [sflag:s15], $0x500  }
0x67: {  	[sflag:s15] =	ssyncset.done $0x0  }
0x68: {  	[sflag:s15] =	ssyncadd.s32 $0xFFFFFB00  }
0x69: {  	[tilespmem:s7], [sflag:$0x5] =	stream.indirect.gather [hbm4b:s3+s11], $0x20, s11, s11, $0xb8;
	[tilespmem:$0x1EF00] =	vst v63  }
0x6a: {  	_ =	swait.ge [sflag:s13], $0xA000  }
0x6b: {  	[sflag:s13] =	ssyncset.done $0x0  }
0x6c: {  	s1 =	rddreg [dreg:$0xc];
	[sflag:s13] =	ssyncadd.s32 $0xFFFF6000  }
0x6d: {  	[hbm4b:s1+s2] =	stream.linear.scatter [tilespmem:s9], [sflag:$0x7], $0xA000, $0x38;
	[tilespmem:$0x1EF00] =	vst v63  }
0x6e: {  	_ =	swait.ge [sflag:s6], $0xA000  }
0x6f: {  	[sflag:s6] =	ssyncset.done $0x0  }
0x70: {  	s1 =	rddreg [dreg:$0xd];
	[sflag:s6] =	ssyncadd.s32 $0xFFFF6000  }
0x71: {  	[tilespmem:s2], [sflag:$0x1] =	stream.linear.gather [hbm4b:s1+s2], $0x500, $0x38;
	[tilespmem:$0x1EF00] =	vst v63  }
0x72: {  	_ =	swait.ge [sflag:s29], $0x500  }
0x73: {  	[sflag:s29] =	ssyncset.done $0x0  }
0x74: {  	[sflag:s29] =	ssyncadd.s32 $0xFFFFFB00  }
0x75: {  	[tilespmem:s21], [sflag:$0x6] =	stream.indirect.gather [hbm4b:s3+s11], $0x20, s25, s11, $0xb8;
	[tilespmem:$0x1EF00] =	vst v63  }
0x76: {  	_ =	swait.ge [sflag:s16], $0xA000  }
0x77: {  	[sflag:s16] =	ssyncset.done $0x0  }
0x78: {  	s1 =	rddreg [dreg:$0xe];
	[sflag:s16] =	ssyncadd.s32 $0xFFFF6000  }
0x79: {  	[hbm4b:s1+s2] =	stream.linear.scatter [tilespmem:s7], [sflag:$0x8], $0xA000, $0x38;
	[tilespmem:$0x1EF00] =	vst v63  }
0x7a: {  	_ =	swait.ge [sflag:s12], $0xA000  }
0x7b: {  	[sflag:s12] =	ssyncset.done $0x0  }
0x7c: {  	s1 =	rddreg [dreg:$0xf];
	[sflag:s12] =	ssyncadd.s32 $0xFFFF6000  }
0x7d: {  	[tilespmem:s11], [sflag:$0x2] =	stream.linear.gather [hbm4b:s1+s2], $0x500, $0x38;
	[tilespmem:$0x1EF00] =	vst v63  }
0x7e: {  	_ =	swait.ge [sflag:s18], $0x500  }
0x7f: {  	[sflag:s18] =	ssyncset.done $0x0  }
0x80: {  	[sflag:s18] =	ssyncadd.s32 $0xFFFFFB00  }
0x81: {  	[tilespmem:s9], [sflag:$0x4] =	stream.indirect.gather [hbm4b:s3+s11], $0x20, s2, s11, $0xb8;
	[tilespmem:$0x1EF00] =	vst v63  }
0x82: {  	_ =	swait.ge [sflag:s24], $0xA000  }
0x83: {  	[sflag:s24] =	ssyncset.done $0x0  }
0x84: {  	s1 =	rddreg [dreg:$0x10];
	[sflag:s24] =	ssyncadd.s32 $0xFFFF6000  }
0x85: {  	[hbm4b:s1+s2] =	stream.linear.scatter [tilespmem:s21], [sflag:$0x9], $0xA000, $0x38;
	[tilespmem:$0x1EF00] =	vst v63  }
0x86: {  	_ =	swait.ge [sflag:s10], $0xA000  }
0x87: {  	[sflag:s10] =	ssyncset.done $0x0  }
0x88: {  	s1 =	rddreg [dreg:$0x11];
	[sflag:s10] =	ssyncadd.s32 $0xFFFF6000  }
0x89: {  	[tilespmem:s25], [sflag:$0x3] =	stream.linear.gather [hbm4b:s1+s2], $0x500, $0x38;
	[tilespmem:$0x1EF00] =	vst v63  }
0x8a: {  	_ =	swait.ge [sflag:s15], $0x500  }
0x8b: {  	[sflag:s15] =	ssyncset.done $0x0  }
0x8c: {  	[sflag:s15] =	ssyncadd.s32 $0xFFFFFB00  }
0x8d: {  	[tilespmem:s7], [sflag:$0x5] =	stream.indirect.gather [hbm4b:s3+s11], $0x20, s11, s11, $0xb8;
	[tilespmem:$0x1EF00] =	vst v63  }
0x8e: {  	_ =	swait.ge [sflag:s13], $0xA000  }
0x8f: {  	[sflag:s13] =	ssyncset.done $0x0  }
0x90: {  	s1 =	rddreg [dreg:$0x12];
	[sflag:s13] =	ssyncadd.s32 $0xFFFF6000  }
0x91: {  	[hbm4b:s1+s2] =	stream.linear.scatter [tilespmem:s9], [sflag:$0x7], $0xA000, $0x38;
	[tilespmem:$0x1EF00] =	vst v63  }
0x92: {  	_ =	swait.ge [sflag:s6], $0xA000  }
0x93: {  	[sflag:s6] =	ssyncset.done $0x0  }
0x94: {  	s1 =	rddreg [dreg:$0x13];
	[sflag:s6] =	ssyncadd.s32 $0xFFFF6000  }
0x95: {  	[tilespmem:s2], [sflag:$0x1] =	stream.linear.gather [hbm4b:s1+s2], $0x500, $0x38;
	[tilespmem:$0x1EF00] =	vst v63  }
0x96: {  	_ =	swait.ge [sflag:s29], $0x500  }
0x97: {  	[sflag:s29] =	ssyncset.done $0x0  }
0x98: {  	[sflag:s29] =	ssyncadd.s32 $0xFFFFFB00  }
0x99: {  	[tilespmem:s21], [sflag:$0x6] =	stream.indirect.gather [hbm4b:s3+s11], $0x20, s25, s11, $0xb8;
	[tilespmem:$0x1EF00] =	vst v63  }
0x9a: {  	_ =	swait.ge [sflag:s16], $0xA000  }
0x9b: {  	[sflag:s16] =	ssyncset.done $0x0  }
0x9c: {  	s1 =	rddreg [dreg:$0x14];
	[sflag:s16] =	ssyncadd.s32 $0xFFFF6000  }
0x9d: {  	[hbm4b:s1+s2] =	stream.linear.scatter [tilespmem:s7], [sflag:$0x8], $0xA000, $0x38;
	[tilespmem:$0x1EF00] =	vst v63  }
0x9e: {  	_ =	swait.ge [sflag:s12], $0xA000  }
0x9f: {  	[sflag:s12] =	ssyncset.done $0x0  }
0xa0: {  	s1 =	rddreg [dreg:$0x15];
	[sflag:s12] =	ssyncadd.s32 $0xFFFF6000  }
0xa1: {  	[tilespmem:s11], [sflag:$0x2] =	stream.linear.gather [hbm4b:s1+s2], $0x500, $0x38;
	[tilespmem:$0x1EF00] =	vst v63  }
0xa2: {  	_ =	swait.ge [sflag:s18], $0x500  }
0xa3: {  	[sflag:s18] =	ssyncset.done $0x0  }
0xa4: {  	[sflag:s18] =	ssyncadd.s32 $0xFFFFFB00  }
0xa5: {  	[tilespmem:s9], [sflag:$0x4] =	stream.indirect.gather [hbm4b:s3+s11], $0x20, s2, s11, $0xb8;
	[tilespmem:$0x1EF00] =	vst v63  }
0xa6: {  	_ =	swait.ge [sflag:s24], $0xA000  }
0xa7: {  	[sflag:s24] =	ssyncset.done $0x0  }
0xa8: {  	s1 =	rddreg [dreg:$0x16];
	[sflag:s24] =	ssyncadd.s32 $0xFFFF6000  }
0xa9: {  	[hbm4b:s1+s2] =	stream.linear.scatter [tilespmem:s21], [sflag:$0x9], $0xA000, $0x38;
	[tilespmem:$0x1EF00] =	vst v63  }
0xaa: {  	_ =	swait.ge [sflag:s10], $0xA000  }
0xab: {  	[sflag:s10] =	ssyncset.done $0x0  }
0xac: {  	s1 =	rddreg [dreg:$0x17];
	[sflag:s10] =	ssyncadd.s32 $0xFFFF6000  }
0xad: {  	[tilespmem:s25], [sflag:$0x3] =	stream.linear.gather [hbm4b:s1+s2], $0x500, $0x38;
	[tilespmem:$0x1EF00] =	vst v63  }
0xae: {  	_ =	swait.ge [sflag:s15], $0x500  }
0xaf: {  	[sflag:s15] =	ssyncset.done $0x0  }
0xb0: {  	[sflag:s15] =	ssyncadd.s32 $0xFFFFFB00  }
0xb1: {  	[tilespmem:s7], [sflag:$0x5] =	stream.indirect.gather [hbm4b:s3+s11], $0x20, s11, s11, $0xb8;
	[tilespmem:$0x1EF00] =	vst v63  }
0xb2: {  	_ =	swait.ge [sflag:s13], $0xA000  }
0xb3: {  	[sflag:s13] =	ssyncset.done $0x0  }
0xb4: {  	s1 =	rddreg [dreg:$0x18];
	[sflag:s13] =	ssyncadd.s32 $0xFFFF6000  }
0xb5: {  	[hbm4b:s1+s2] =	stream.linear.scatter [tilespmem:s9], [sflag:$0x7], $0xA000, $0x38;
	[tilespmem:$0x1EF00] =	vst v63  }
0xb6: {  	_ =	swait.ge [sflag:s6], $0xA000  }
0xb7: {  	[sflag:s6] =	ssyncset.done $0x0  }
0xb8: {  	s1 =	rddreg [dreg:$0x19];
	[sflag:s6] =	ssyncadd.s32 $0xFFFF6000  }
0xb9: {  	[tilespmem:s2], [sflag:$0x1] =	stream.linear.gather [hbm4b:s1+s2], $0x500, $0x38;
	[tilespmem:$0x1EF00] =	vst v63  }
0xba: {  	_ =	swait.ge [sflag:s29], $0x500  }
0xbb: {  	[sflag:s29] =	ssyncset.done $0x0  }
0xbc: {  	[sflag:s29] =	ssyncadd.s32 $0xFFFFFB00  }
0xbd: {  	[tilespmem:s21], [sflag:$0x6] =	stream.indirect.gather [hbm4b:s3+s11], $0x20, s25, s11, $0xb8;
	[tilespmem:$0x1EF00] =	vst v63  }
0xbe: {  	_ =	swait.ge [sflag:s16], $0xA000  }
0xbf: {  	[sflag:s16] =	ssyncset.done $0x0  }
0xc0: {  	s1 =	rddreg [dreg:$0x1a];
	[sflag:s16] =	ssyncadd.s32 $0xFFFF6000  }
0xc1: {  	[hbm4b:s1+s2] =	stream.linear.scatter [tilespmem:s7], [sflag:$0x8], $0xA000, $0x38;
	[tilespmem:$0x1EF00] =	vst v63  }
0xc2: {  	_ =	swait.ge [sflag:s12], $0xA000  }
0xc3: {  	[sflag:s12] =	ssyncset.done $0x0  }
0xc4: {  	s1 =	rddreg [dreg:$0x1b];
	[sflag:s12] =	ssyncadd.s32 $0xFFFF6000  }
0xc5: {  	[tilespmem:s11], [sflag:$0x2] =	stream.linear.gather [hbm4b:s1+s2], $0x500, $0x38;
	[tilespmem:$0x1EF00] =	vst v63  }
0xc6: {  	_ =	swait.ge [sflag:s18], $0x500  }
0xc7: {  	[sflag:s18] =	ssyncset.done $0x0  }
0xc8: {  	[sflag:s18] =	ssyncadd.s32 $0xFFFFFB00  }
0xc9: {  	[tilespmem:s9], [sflag:$0x4] =	stream.indirect.gather [hbm4b:s3+s11], $0x20, s2, s11, $0xb8;
	[tilespmem:$0x1EF00] =	vst v63  }
0xca: {  	_ =	swait.ge [sflag:s24], $0xA000  }
0xcb: {  	[sflag:s24] =	ssyncset.done $0x0  }
0xcc: {  	s1 =	rddreg [dreg:$0x1c];
	[sflag:s24] =	ssyncadd.s32 $0xFFFF6000  }
0xcd: {  	[hbm4b:s1+s2] =	stream.linear.scatter [tilespmem:s21], [sflag:$0x9], $0xA000, $0x38;
	[tilespmem:$0x1EF00] =	vst v63  }
0xce: {  	_ =	swait.ge [sflag:s10], $0xA000  }
0xcf: {  	[sflag:s10] =	ssyncset.done $0x0  }
0xd0: {  	s1 =	rddreg [dreg:$0x1d];
	[sflag:s10] =	ssyncadd.s32 $0xFFFF6000  }
0xd1: {  	[tilespmem:s25], [sflag:$0x3] =	stream.linear.gather [hbm4b:s1+s2], $0x500, $0x38;
	[tilespmem:$0x1EF00] =	vst v63  }
0xd2: {  	_ =	swait.ge [sflag:s15], $0x500  }
0xd3: {  	[sflag:s15] =	ssyncset.done $0x0  }
0xd4: {  	[sflag:s15] =	ssyncadd.s32 $0xFFFFFB00  }
0xd5: {  	[tilespmem:s7], [sflag:$0x5] =	stream.indirect.gather [hbm4b:s3+s11], $0x20, s11, s11, $0xb8;
	[tilespmem:$0x1EF00] =	vst v63  }
0xd6: {  	_ =	swait.ge [sflag:s13], $0xA000  }
0xd7: {  	[sflag:s13] =	ssyncset.done $0x0  }
0xd8: {  	[sflag:s13] =	ssyncadd.s32 $0xFFFF6000  }
0xd9: {  	[hbm4b:s31+s2] =	stream.linear.scatter [tilespmem:s9], [sflag:$0x7], $0xA000, $0x38;
	[tilespmem:$0x1EF00] =	vst v63  }
0xda: {  	_ =	swait.ge [sflag:s6], $0xA000  }
0xdb: {  	[sflag:s6] =	ssyncset.done $0x0  }
0xdc: {  	[sflag:s6] =	ssyncadd.s32 $0xFFFF6000  }
0xdd: {  	[tilespmem:s2], [sflag:$0x1] =	stream.linear.gather [hbm4b:s30+s2], $0x500, $0x38;
	[tilespmem:$0x1EF00] =	vst v63  }
0xde: {  	_ =	swait.ge [sflag:s29], $0x500  }
0xdf: {  	[sflag:s29] =	ssyncset.done $0x0  }
0xe0: {  	[sflag:s29] =	ssyncadd.s32 $0xFFFFFB00  }
0xe1: {  	[tilespmem:s21], [sflag:$0x6] =	stream.indirect.gather [hbm4b:s3+s11], $0x20, s25, s11, $0xb8;
	[tilespmem:$0x1EF00] =	vst v63  }
0xe2: {  	_ =	swait.ge [sflag:s16], $0xA000  }
0xe3: {  	[sflag:s16] =	ssyncset.done $0x0  }
0xe4: {  	[sflag:s16] =	ssyncadd.s32 $0xFFFF6000  }
0xe5: {  	[hbm4b:s26+s2] =	stream.linear.scatter [tilespmem:s7], [sflag:$0x8], $0xA000, $0x38;
	[tilespmem:$0x1EF00] =	vst v63  }
0xe6: {  	_ =	swait.ge [sflag:s12], $0xA000  }
0xe7: {  	[sflag:s12] =	ssyncset.done $0x0  }
0xe8: {  	[sflag:s12] =	ssyncadd.s32 $0xFFFF6000  }
0xe9: {  	[tilespmem:s11], [sflag:$0x2] =	stream.linear.gather [hbm4b:s28+s2], $0x500, $0x38;
	[tilespmem:$0x1EF00] =	vst v63  }
0xea: {  	_ =	swait.ge [sflag:s18], $0x500  }
0xeb: {  	[sflag:s18] =	ssyncset.done $0x0  }
0xec: {  	[sflag:s18] =	ssyncadd.s32 $0xFFFFFB00  }
0xed: {  	[tilespmem:s9], [sflag:$0x4] =	stream.indirect.gather [hbm4b:s3+s11], $0x20, s2, s11, $0xb8;
	[tilespmem:$0x1EF00] =	vst v63  }
0xee: {  	_ =	swait.ge [sflag:s24], $0xA000  }
0xef: {  	[sflag:s24] =	ssyncset.done $0x0  }
0xf0: {  	[sflag:s24] =	ssyncadd.s32 $0xFFFF6000  }
0xf1: {  	[hbm4b:s23+s2] =	stream.linear.scatter [tilespmem:s21], [sflag:$0x9], $0xA000, $0x38;
	[tilespmem:$0x1EF00] =	vst v63  }
0xf2: {  	_ =	swait.ge [sflag:s10], $0xA000  }
0xf3: {  	[sflag:s10] =	ssyncset.done $0x0  }
0xf4: {  	[sflag:s10] =	ssyncadd.s32 $0xFFFF6000  }
0xf5: {  	[tilespmem:s25], [sflag:$0x3] =	stream.linear.gather [hbm4b:s22+s2], $0x500, $0x38;
	[tilespmem:$0x1EF00] =	vst v63  }
0xf6: {  	_ =	swait.ge [sflag:s15], $0x500  }
0xf7: {  	[sflag:s15] =	ssyncset.done $0x0  }
0xf8: {  	[sflag:s15] =	ssyncadd.s32 $0xFFFFFB00  }
0xf9: {  	[tilespmem:s7], [sflag:$0x5] =	stream.indirect.gather [hbm4b:s3+s11], $0x20, s11, s11, $0xb8;
	[tilespmem:$0x1EF00] =	vst v63  }
0xfa: {  	_ =	swait.ge [sflag:s13], $0xA000  }
0xfb: {  	[sflag:s13] =	ssyncset.done $0x0  }
0xfc: {  	[sflag:s13] =	ssyncadd.s32 $0xFFFF6000  }
0xfd: {  	[hbm4b:s20+s2] =	stream.linear.scatter [tilespmem:s9], [sflag:$0x7], $0xA000, $0x38;
	[tilespmem:$0x1EF00] =	vst v63  }
0xfe: {  	_ =	swait.ge [sflag:s6], $0xA000  }
0xff: {  	[sflag:s6] =	ssyncset.done $0x0  }
0x100: {  	[sflag:s6] =	ssyncadd.s32 $0xFFFF6000  }
0x101: {  	[tilespmem:s2], [sflag:$0x1] =	stream.linear.gather [hbm4b:s19+s2], $0x500, $0x38;
	[tilespmem:$0x1EF00] =	vst v63  }
0x102: {  	_ =	swait.ge [sflag:s29], $0x500  }
0x103: {  	[sflag:s29] =	ssyncset.done $0x0  }
0x104: {  	[sflag:s29] =	ssyncadd.s32 $0xFFFFFB00  }
0x105: {  	[tilespmem:s21], [sflag:$0x6] =	stream.indirect.gather [hbm4b:s3+s11], $0x20, s25, s11, $0xb8;
	[tilespmem:$0x1EF00] =	vst v63  }
0x106: {  	_ =	swait.ge [sflag:s16], $0xA000  }
0x107: {  	[sflag:s16] =	ssyncset.done $0x0  }
0x108: {  	[sflag:s16] =	ssyncadd.s32 $0xFFFF6000  }
0x109: {  	[hbm4b:s17+s2] =	stream.linear.scatter [tilespmem:s7], [sflag:$0x8], $0xA000, $0x38;
	[tilespmem:$0x1EF00] =	vst v63  }
0x10a: {  	_ =	swait.ge [sflag:s12], $0xA000  }
0x10b: {  	[sflag:s12] =	ssyncset.done $0x0  }
0x10c: {  	[sflag:s12] =	ssyncadd.s32 $0xFFFF6000  }
0x10d: {  	[tilespmem:s11], [sflag:$0x2] =	stream.linear.gather [hbm4b:s14+s2], $0x500, $0x38;
	[tilespmem:$0x1EF00] =	vst v63  }
0x10e: {  	_ =	swait.ge [sflag:s18], $0x500  }
0x10f: {  	[sflag:s18] =	ssyncset.done $0x0  }
0x110: {  	[sflag:s18] =	ssyncadd.s32 $0xFFFFFB00  }
0x111: {  	[tilespmem:s9], [sflag:$0x4] =	stream.indirect.gather [hbm4b:s3+s11], $0x20, s2, s11, $0xb8;
	[tilespmem:$0x1EF00] =	vst v63  }
0x112: {  	_ =	swait.ge [sflag:s24], $0xA000  }
0x113: {  	[sflag:s24] =	ssyncset.done $0x0  }
0x114: {  	[sflag:s24] =	ssyncadd.s32 $0xFFFF6000  }
0x115: {  	[hbm4b:s8+s2] =	stream.linear.scatter [tilespmem:s21], [sflag:$0x9], $0xA000, $0x38;
	[tilespmem:$0x1EF00] =	vst v63  }
0x116: {  	_ =	swait.ge [sflag:s15], $0x500  }
0x117: {  	[sflag:s15] =	ssyncset.done $0x0  }
0x118: {  	[sflag:s15] =	ssyncadd.s32 $0xFFFFFB00  }
0x119: {  	[tilespmem:s7], [sflag:$0x5] =	stream.indirect.gather [hbm4b:s3+s11], $0x20, s11, s11, $0xb8;
	[tilespmem:$0x1EF00] =	vst v63  }
0x11a: {  	_ =	swait.ge [sflag:s13], $0xA000  }
0x11b: {  	[sflag:s13] =	ssyncset.done $0x0  }
0x11c: {  	[sflag:s13] =	ssyncadd.s32 $0xFFFF6000  }
0x11d: {  	[hbm4b:s5+s2] =	stream.linear.scatter [tilespmem:s9], [sflag:$0x7], $0xA000, $0x38;
	[tilespmem:$0x1EF00] =	vst v63  }
0x11e: {  	_ =	swait.ge [sflag:s16], $0xA000  }
0x11f: {  	[sflag:s16] =	ssyncset.done $0x0  }
0x120: {  	[sflag:s16] =	ssyncadd.s32 $0xFFFF6000  }
0x121: {  	[hbm4b:s4+s2] =	stream.linear.scatter [tilespmem:s7], [sflag:$0x8], $0xA000, $0x38;
	[tilespmem:$0x1EF00] =	vst v63  }
0x122: {  	_ =	swait.ge [sflag:s6], $0xA000  }
0x123: {  	[sflag:s6] =	ssyncset.done $0x0  }
0x124: {  	[sflag:s6] =	ssyncadd.s32 $0xFFFF6000  }
0x125: {  	_ =	swait.ge [sflag:s12], $0xA000  }
0x126: {  	s1 =	rddreg [dreg:$0x1e]  }
0x127: {  	p1 =	sne.s32 s1, $0x1  }
.Ltmp1:
0x128: {  	_ = 	snop;
	(pc) =	sbr.rel @!p1 .LBB2_3-.Ltmp1, $4  }
0x129: {  	[sflag:s12] =	ssyncset.done $0x0  }
0x12a: {  	[sflag:s12] =	ssyncadd.s32 $0xFFFF6000  }
0x12b: {  	p0 =	por $0x1, $0x1;
	_ =	swait.ge [sflag:s10], $0xA000  }
0x12c: {  	s1 =	sadd.s32 $0xFFFFFFFF, s1;
	s0 =	rddreg [dreg:$0x3];
	[sflag:s10] =	ssyncset.done $0x0  }
.LBB2_2:
0x12d: {  	[sflag:s10] =	ssyncadd.s32 $0xFFFF6000;
	s21 =	smov.u32 s31;
	s31 =	smov.u32 s30  }
0x12e: {  	s30 =	smov.u32 s28;
	s28 =	smov.u32 s26;
	s26 =	smov.u32 s23  }
0x12f: {  	s23 =	smov.u32 s22;
	s22 =	smov.u32 s20;
	s20 =	smov.u32 s19  }
0x130: {  	s19 =	smov.u32 s17;
	s17 =	smov.u32 s14;
	s14 =	smov.u32 s8  }
0x131: {  	[tilespmem:s2], [sflag:$0x1] =	stream.linear.gather [hbm4b:s0+s2], $0x500, $0x38;
	[tilespmem:$0x1EF00] =	vst v63  }
0x132: {  	s8 =	smov.u32 s5;
	s5 =	smov.u32 s4;
	s4 =	rddreg [dreg:$0x4]  }
0x133: {  	[tilespmem:s11], [sflag:$0x2] =	stream.linear.gather [hbm4b:s4+s2], $0x500, $0x38;
	[tilespmem:$0x1EF00] =	vst v63  }
0x134: {  	_ =	swait.ge [sflag:s18], $0x500  }
0x135: {  	[sflag:s18] =	ssyncset.done $0x0  }
0x136: {  	[sflag:s18] =	ssyncadd.s32 $0xFFFFFB00  }
0x137: {  	[tilespmem:s9], [sflag:$0x4] =	stream.indirect.gather [hbm4b:s3+s11], $0x20, s2, s11, $0xb8;
	[tilespmem:$0x1EF00] =	vst v63  }
0x138: {  	s0 =	rddreg [dreg:$0x5]  }
0x139: {  	[tilespmem:s25], [sflag:$0x3] =	stream.linear.gather [hbm4b:s0+s2], $0x500, $0x38;
	[tilespmem:$0x1EF00] =	vst v63  }
0x13a: {  	_ =	swait.ge [sflag:s15], $0x500  }
0x13b: {  	[sflag:s15] =	ssyncset.done $0x0  }
0x13c: {  	[sflag:s15] =	ssyncadd.s32 $0xFFFFFB00  }
0x13d: {  	[tilespmem:s7], [sflag:$0x5] =	stream.indirect.gather [hbm4b:s3+s11], $0x20, s11, s11, $0xb8;
	[tilespmem:$0x1EF00] =	vst v63  }
0x13e: {  	_ =	swait.ge [sflag:s13], $0xA000  }
0x13f: {  	s4 =	smov.u32 s5;
	s5 =	smov.u32 s8;
	[sflag:s13] =	ssyncset.done $0x0  }
0x140: {  	s8 =	smov.u32 s14;
	s0 =	rddreg [dreg:$0x6];
	[sflag:s13] =	ssyncadd.s32 $0xFFFF6000  }
0x141: {  	[hbm4b:s0+s2] =	stream.linear.scatter [tilespmem:s9], [sflag:$0x7], $0xA000, $0x38;
	[tilespmem:$0x1EF00] =	vst v63  }
0x142: {  	s14 =	smov.u32 s17;
	s17 =	smov.u32 s19;
	_ =	swait.ge [sflag:s6], $0xA000  }
0x143: {  	s19 =	smov.u32 s20;
	s20 =	smov.u32 s22;
	[sflag:s6] =	ssyncset.done $0x0  }
0x144: {  	s22 =	smov.u32 s23;
	s0 =	rddreg [dreg:$0x7];
	[sflag:s6] =	ssyncadd.s32 $0xFFFF6000  }
0x145: {  	[tilespmem:s2], [sflag:$0x1] =	stream.linear.gather [hbm4b:s0+s2], $0x500, $0x38;
	[tilespmem:$0x1EF00] =	vst v63  }
0x146: {  	s23 =	smov.u32 s26;
	s26 =	smov.u32 s28;
	_ =	swait.ge [sflag:s29], $0x500  }
0x147: {  	s28 =	smov.u32 s30;
	s30 =	smov.u32 s31;
	[sflag:s29] =	ssyncset.done $0x0  }
0x148: {  	s31 =	smov.u32 s21;
	s21 =	simm.s32 $0x14F00;
	[sflag:s29] =	ssyncadd.s32 $0xFFFFFB00  }
0x149: {  	[tilespmem:s21], [sflag:$0x6] =	stream.indirect.gather [hbm4b:s3+s11], $0x20, s25, s11, $0xb8;
	[tilespmem:$0x1EF00] =	vst v63  }
0x14a: {  	_ =	swait.ge [sflag:s16], $0xA000  }
0x14b: {  	[sflag:s16] =	ssyncset.done $0x0  }
0x14c: {  	s0 =	rddreg [dreg:$0x8];
	[sflag:s16] =	ssyncadd.s32 $0xFFFF6000  }
0x14d: {  	[hbm4b:s0+s2] =	stream.linear.scatter [tilespmem:s7], [sflag:$0x8], $0xA000, $0x38;
	[tilespmem:$0x1EF00] =	vst v63  }
0x14e: {  	_ =	swait.ge [sflag:s12], $0xA000  }
0x14f: {  	[sflag:s12] =	ssyncset.done $0x0  }
0x150: {  	s0 =	rddreg [dreg:$0x9];
	[sflag:s12] =	ssyncadd.s32 $0xFFFF6000  }
0x151: {  	[tilespmem:s11], [sflag:$0x2] =	stream.linear.gather [hbm4b:s0+s2], $0x500, $0x38;
	[tilespmem:$0x1EF00] =	vst v63  }
0x152: {  	_ =	swait.ge [sflag:s18], $0x500  }
0x153: {  	[sflag:s18] =	ssyncset.done $0x0  }
0x154: {  	[sflag:s18] =	ssyncadd.s32 $0xFFFFFB00  }
0x155: {  	[tilespmem:s9], [sflag:$0x4] =	stream.indirect.gather [hbm4b:s3+s11], $0x20, s2, s11, $0xb8;
	[tilespmem:$0x1EF00] =	vst v63  }
0x156: {  	_ =	swait.ge [sflag:s24], $0xA000  }
0x157: {  	[sflag:s24] =	ssyncset.done $0x0  }
0x158: {  	s0 =	rddreg [dreg:$0xa];
	[sflag:s24] =	ssyncadd.s32 $0xFFFF6000  }
0x159: {  	[hbm4b:s0+s2] =	stream.linear.scatter [tilespmem:s21], [sflag:$0x9], $0xA000, $0x38;
	[tilespmem:$0x1EF00] =	vst v63  }
0x15a: {  	_ =	swait.ge [sflag:s10], $0xA000  }
0x15b: {  	[sflag:s10] =	ssyncset.done $0x0  }
0x15c: {  	s0 =	rddreg [dreg:$0xb];
	[sflag:s10] =	ssyncadd.s32 $0xFFFF6000  }
0x15d: {  	[tilespmem:s25], [sflag:$0x3] =	stream.linear.gather [hbm4b:s0+s2], $0x500, $0x38;
	[tilespmem:$0x1EF00] =	vst v63  }
0x15e: {  	_ =	swait.ge [sflag:s15], $0x500  }
0x15f: {  	[sflag:s15] =	ssyncset.done $0x0  }
0x160: {  	[sflag:s15] =	ssyncadd.s32 $0xFFFFFB00  }
0x161: {  	[tilespmem:s7], [sflag:$0x5] =	stream.indirect.gather [hbm4b:s3+s11], $0x20, s11, s11, $0xb8;
	[tilespmem:$0x1EF00] =	vst v63  }
0x162: {  	_ =	swait.ge [sflag:s13], $0xA000  }
0x163: {  	[sflag:s13] =	ssyncset.done $0x0  }
0x164: {  	s0 =	rddreg [dreg:$0xc];
	[sflag:s13] =	ssyncadd.s32 $0xFFFF6000  }
0x165: {  	[hbm4b:s0+s2] =	stream.linear.scatter [tilespmem:s9], [sflag:$0x7], $0xA000, $0x38;
	[tilespmem:$0x1EF00] =	vst v63  }
0x166: {  	_ =	swait.ge [sflag:s6], $0xA000  }
0x167: {  	[sflag:s6] =	ssyncset.done $0x0  }
0x168: {  	s0 =	rddreg [dreg:$0xd];
	[sflag:s6] =	ssyncadd.s32 $0xFFFF6000  }
0x169: {  	[tilespmem:s2], [sflag:$0x1] =	stream.linear.gather [hbm4b:s0+s2], $0x500, $0x38;
	[tilespmem:$0x1EF00] =	vst v63  }
0x16a: {  	_ =	swait.ge [sflag:s29], $0x500  }
0x16b: {  	[sflag:s29] =	ssyncset.done $0x0  }
0x16c: {  	[sflag:s29] =	ssyncadd.s32 $0xFFFFFB00  }
0x16d: {  	[tilespmem:s21], [sflag:$0x6] =	stream.indirect.gather [hbm4b:s3+s11], $0x20, s25, s11, $0xb8;
	[tilespmem:$0x1EF00] =	vst v63  }
0x16e: {  	_ =	swait.ge [sflag:s16], $0xA000  }
0x16f: {  	[sflag:s16] =	ssyncset.done $0x0  }
0x170: {  	s0 =	rddreg [dreg:$0xe];
	[sflag:s16] =	ssyncadd.s32 $0xFFFF6000  }
0x171: {  	[hbm4b:s0+s2] =	stream.linear.scatter [tilespmem:s7], [sflag:$0x8], $0xA000, $0x38;
	[tilespmem:$0x1EF00] =	vst v63  }
0x172: {  	_ =	swait.ge [sflag:s12], $0xA000  }
0x173: {  	[sflag:s12] =	ssyncset.done $0x0  }
0x174: {  	s0 =	rddreg [dreg:$0xf];
	[sflag:s12] =	ssyncadd.s32 $0xFFFF6000  }
0x175: {  	[tilespmem:s11], [sflag:$0x2] =	stream.linear.gather [hbm4b:s0+s2], $0x500, $0x38;
	[tilespmem:$0x1EF00] =	vst v63  }
0x176: {  	_ =	swait.ge [sflag:s18], $0x500  }
0x177: {  	[sflag:s18] =	ssyncset.done $0x0  }
0x178: {  	[sflag:s18] =	ssyncadd.s32 $0xFFFFFB00  }
0x179: {  	[tilespmem:s9], [sflag:$0x4] =	stream.indirect.gather [hbm4b:s3+s11], $0x20, s2, s11, $0xb8;
	[tilespmem:$0x1EF00] =	vst v63  }
0x17a: {  	_ =	swait.ge [sflag:s24], $0xA000  }
0x17b: {  	[sflag:s24] =	ssyncset.done $0x0  }
0x17c: {  	s0 =	rddreg [dreg:$0x10];
	[sflag:s24] =	ssyncadd.s32 $0xFFFF6000  }
0x17d: {  	[hbm4b:s0+s2] =	stream.linear.scatter [tilespmem:s21], [sflag:$0x9], $0xA000, $0x38;
	[tilespmem:$0x1EF00] =	vst v63  }
0x17e: {  	_ =	swait.ge [sflag:s10], $0xA000  }
0x17f: {  	[sflag:s10] =	ssyncset.done $0x0  }
0x180: {  	s0 =	rddreg [dreg:$0x11];
	[sflag:s10] =	ssyncadd.s32 $0xFFFF6000  }
0x181: {  	[tilespmem:s25], [sflag:$0x3] =	stream.linear.gather [hbm4b:s0+s2], $0x500, $0x38;
	[tilespmem:$0x1EF00] =	vst v63  }
0x182: {  	_ =	swait.ge [sflag:s15], $0x500  }
0x183: {  	[sflag:s15] =	ssyncset.done $0x0  }
0x184: {  	[sflag:s15] =	ssyncadd.s32 $0xFFFFFB00  }
0x185: {  	[tilespmem:s7], [sflag:$0x5] =	stream.indirect.gather [hbm4b:s3+s11], $0x20, s11, s11, $0xb8;
	[tilespmem:$0x1EF00] =	vst v63  }
0x186: {  	_ =	swait.ge [sflag:s13], $0xA000  }
0x187: {  	[sflag:s13] =	ssyncset.done $0x0  }
0x188: {  	s0 =	rddreg [dreg:$0x12];
	[sflag:s13] =	ssyncadd.s32 $0xFFFF6000  }
0x189: {  	[hbm4b:s0+s2] =	stream.linear.scatter [tilespmem:s9], [sflag:$0x7], $0xA000, $0x38;
	[tilespmem:$0x1EF00] =	vst v63  }
0x18a: {  	_ =	swait.ge [sflag:s6], $0xA000  }
0x18b: {  	[sflag:s6] =	ssyncset.done $0x0  }
0x18c: {  	s0 =	rddreg [dreg:$0x13];
	[sflag:s6] =	ssyncadd.s32 $0xFFFF6000  }
0x18d: {  	[tilespmem:s2], [sflag:$0x1] =	stream.linear.gather [hbm4b:s0+s2], $0x500, $0x38;
	[tilespmem:$0x1EF00] =	vst v63  }
0x18e: {  	_ =	swait.ge [sflag:s29], $0x500  }
0x18f: {  	[sflag:s29] =	ssyncset.done $0x0  }
0x190: {  	[sflag:s29] =	ssyncadd.s32 $0xFFFFFB00  }
0x191: {  	[tilespmem:s21], [sflag:$0x6] =	stream.indirect.gather [hbm4b:s3+s11], $0x20, s25, s11, $0xb8;
	[tilespmem:$0x1EF00] =	vst v63  }
0x192: {  	_ =	swait.ge [sflag:s16], $0xA000  }
0x193: {  	[sflag:s16] =	ssyncset.done $0x0  }
0x194: {  	s0 =	rddreg [dreg:$0x14];
	[sflag:s16] =	ssyncadd.s32 $0xFFFF6000  }
0x195: {  	[hbm4b:s0+s2] =	stream.linear.scatter [tilespmem:s7], [sflag:$0x8], $0xA000, $0x38;
	[tilespmem:$0x1EF00] =	vst v63  }
0x196: {  	_ =	swait.ge [sflag:s12], $0xA000  }
0x197: {  	[sflag:s12] =	ssyncset.done $0x0  }
0x198: {  	s0 =	rddreg [dreg:$0x15];
	[sflag:s12] =	ssyncadd.s32 $0xFFFF6000  }
0x199: {  	[tilespmem:s11], [sflag:$0x2] =	stream.linear.gather [hbm4b:s0+s2], $0x500, $0x38;
	[tilespmem:$0x1EF00] =	vst v63  }
0x19a: {  	_ =	swait.ge [sflag:s18], $0x500  }
0x19b: {  	[sflag:s18] =	ssyncset.done $0x0  }
0x19c: {  	[sflag:s18] =	ssyncadd.s32 $0xFFFFFB00  }
0x19d: {  	[tilespmem:s9], [sflag:$0x4] =	stream.indirect.gather [hbm4b:s3+s11], $0x20, s2, s11, $0xb8;
	[tilespmem:$0x1EF00] =	vst v63  }
0x19e: {  	_ =	swait.ge [sflag:s24], $0xA000  }
0x19f: {  	[sflag:s24] =	ssyncset.done $0x0  }
0x1a0: {  	s0 =	rddreg [dreg:$0x16];
	[sflag:s24] =	ssyncadd.s32 $0xFFFF6000  }
0x1a1: {  	[hbm4b:s0+s2] =	stream.linear.scatter [tilespmem:s21], [sflag:$0x9], $0xA000, $0x38;
	[tilespmem:$0x1EF00] =	vst v63  }
0x1a2: {  	_ =	swait.ge [sflag:s10], $0xA000  }
0x1a3: {  	[sflag:s10] =	ssyncset.done $0x0  }
0x1a4: {  	s0 =	rddreg [dreg:$0x17];
	[sflag:s10] =	ssyncadd.s32 $0xFFFF6000  }
0x1a5: {  	[tilespmem:s25], [sflag:$0x3] =	stream.linear.gather [hbm4b:s0+s2], $0x500, $0x38;
	[tilespmem:$0x1EF00] =	vst v63  }
0x1a6: {  	_ =	swait.ge [sflag:s15], $0x500  }
0x1a7: {  	[sflag:s15] =	ssyncset.done $0x0  }
0x1a8: {  	[sflag:s15] =	ssyncadd.s32 $0xFFFFFB00  }
0x1a9: {  	[tilespmem:s7], [sflag:$0x5] =	stream.indirect.gather [hbm4b:s3+s11], $0x20, s11, s11, $0xb8;
	[tilespmem:$0x1EF00] =	vst v63  }
0x1aa: {  	_ =	swait.ge [sflag:s13], $0xA000  }
0x1ab: {  	[sflag:s13] =	ssyncset.done $0x0  }
0x1ac: {  	s0 =	rddreg [dreg:$0x18];
	[sflag:s13] =	ssyncadd.s32 $0xFFFF6000  }
0x1ad: {  	[hbm4b:s0+s2] =	stream.linear.scatter [tilespmem:s9], [sflag:$0x7], $0xA000, $0x38;
	[tilespmem:$0x1EF00] =	vst v63  }
0x1ae: {  	_ =	swait.ge [sflag:s6], $0xA000  }
0x1af: {  	[sflag:s6] =	ssyncset.done $0x0  }
0x1b0: {  	s0 =	rddreg [dreg:$0x19];
	[sflag:s6] =	ssyncadd.s32 $0xFFFF6000  }
0x1b1: {  	[tilespmem:s2], [sflag:$0x1] =	stream.linear.gather [hbm4b:s0+s2], $0x500, $0x38;
	[tilespmem:$0x1EF00] =	vst v63  }
0x1b2: {  	_ =	swait.ge [sflag:s29], $0x500  }
0x1b3: {  	[sflag:s29] =	ssyncset.done $0x0  }
0x1b4: {  	[sflag:s29] =	ssyncadd.s32 $0xFFFFFB00  }
0x1b5: {  	[tilespmem:s21], [sflag:$0x6] =	stream.indirect.gather [hbm4b:s3+s11], $0x20, s25, s11, $0xb8;
	[tilespmem:$0x1EF00] =	vst v63  }
0x1b6: {  	_ =	swait.ge [sflag:s16], $0xA000  }
0x1b7: {  	[sflag:s16] =	ssyncset.done $0x0  }
0x1b8: {  	s0 =	rddreg [dreg:$0x1a];
	[sflag:s16] =	ssyncadd.s32 $0xFFFF6000  }
0x1b9: {  	[hbm4b:s0+s2] =	stream.linear.scatter [tilespmem:s7], [sflag:$0x8], $0xA000, $0x38;
	[tilespmem:$0x1EF00] =	vst v63  }
0x1ba: {  	_ =	swait.ge [sflag:s12], $0xA000  }
0x1bb: {  	[sflag:s12] =	ssyncset.done $0x0  }
0x1bc: {  	s0 =	rddreg [dreg:$0x1b];
	[sflag:s12] =	ssyncadd.s32 $0xFFFF6000  }
0x1bd: {  	[tilespmem:s11], [sflag:$0x2] =	stream.linear.gather [hbm4b:s0+s2], $0x500, $0x38;
	[tilespmem:$0x1EF00] =	vst v63  }
0x1be: {  	_ =	swait.ge [sflag:s18], $0x500  }
0x1bf: {  	[sflag:s18] =	ssyncset.done $0x0  }
0x1c0: {  	[sflag:s18] =	ssyncadd.s32 $0xFFFFFB00  }
0x1c1: {  	[tilespmem:s9], [sflag:$0x4] =	stream.indirect.gather [hbm4b:s3+s11], $0x20, s2, s11, $0xb8;
	[tilespmem:$0x1EF00] =	vst v63  }
0x1c2: {  	_ =	swait.ge [sflag:s24], $0xA000  }
0x1c3: {  	[sflag:s24] =	ssyncset.done $0x0  }
0x1c4: {  	s0 =	rddreg [dreg:$0x1c];
	[sflag:s24] =	ssyncadd.s32 $0xFFFF6000  }
0x1c5: {  	[hbm4b:s0+s2] =	stream.linear.scatter [tilespmem:s21], [sflag:$0x9], $0xA000, $0x38;
	[tilespmem:$0x1EF00] =	vst v63  }
0x1c6: {  	_ =	swait.ge [sflag:s10], $0xA000  }
0x1c7: {  	[sflag:s10] =	ssyncset.done $0x0  }
0x1c8: {  	s0 =	rddreg [dreg:$0x1d];
	[sflag:s10] =	ssyncadd.s32 $0xFFFF6000  }
0x1c9: {  	[tilespmem:s25], [sflag:$0x3] =	stream.linear.gather [hbm4b:s0+s2], $0x500, $0x38;
	[tilespmem:$0x1EF00] =	vst v63  }
0x1ca: {  	_ =	swait.ge [sflag:s15], $0x500  }
0x1cb: {  	[sflag:s15] =	ssyncset.done $0x0  }
0x1cc: {  	[sflag:s15] =	ssyncadd.s32 $0xFFFFFB00  }
0x1cd: {  	[tilespmem:s7], [sflag:$0x5] =	stream.indirect.gather [hbm4b:s3+s11], $0x20, s11, s11, $0xb8;
	[tilespmem:$0x1EF00] =	vst v63  }
0x1ce: {  	_ =	swait.ge [sflag:s13], $0xA000  }
0x1cf: {  	[sflag:s13] =	ssyncset.done $0x0  }
0x1d0: {  	[sflag:s13] =	ssyncadd.s32 $0xFFFF6000  }
0x1d1: {  	[hbm4b:s31+s2] =	stream.linear.scatter [tilespmem:s9], [sflag:$0x7], $0xA000, $0x38;
	[tilespmem:$0x1EF00] =	vst v63  }
0x1d2: {  	_ =	swait.ge [sflag:s6], $0xA000  }
0x1d3: {  	[sflag:s6] =	ssyncset.done $0x0  }
0x1d4: {  	[sflag:s6] =	ssyncadd.s32 $0xFFFF6000  }
0x1d5: {  	[tilespmem:s2], [sflag:$0x1] =	stream.linear.gather [hbm4b:s30+s2], $0x500, $0x38;
	[tilespmem:$0x1EF00] =	vst v63  }
0x1d6: {  	_ =	swait.ge [sflag:s29], $0x500  }
0x1d7: {  	[sflag:s29] =	ssyncset.done $0x0  }
0x1d8: {  	[sflag:s29] =	ssyncadd.s32 $0xFFFFFB00  }
0x1d9: {  	[tilespmem:s21], [sflag:$0x6] =	stream.indirect.gather [hbm4b:s3+s11], $0x20, s25, s11, $0xb8;
	[tilespmem:$0x1EF00] =	vst v63  }
0x1da: {  	_ =	swait.ge [sflag:s16], $0xA000  }
0x1db: {  	[sflag:s16] =	ssyncset.done $0x0  }
0x1dc: {  	[sflag:s16] =	ssyncadd.s32 $0xFFFF6000  }
0x1dd: {  	[hbm4b:s26+s2] =	stream.linear.scatter [tilespmem:s7], [sflag:$0x8], $0xA000, $0x38;
	[tilespmem:$0x1EF00] =	vst v63  }
0x1de: {  	_ =	swait.ge [sflag:s12], $0xA000  }
0x1df: {  	[sflag:s12] =	ssyncset.done $0x0  }
0x1e0: {  	[sflag:s12] =	ssyncadd.s32 $0xFFFF6000  }
0x1e1: {  	[tilespmem:s11], [sflag:$0x2] =	stream.linear.gather [hbm4b:s28+s2], $0x500, $0x38;
	[tilespmem:$0x1EF00] =	vst v63  }
0x1e2: {  	_ =	swait.ge [sflag:s18], $0x500  }
0x1e3: {  	[sflag:s18] =	ssyncset.done $0x0  }
0x1e4: {  	[sflag:s18] =	ssyncadd.s32 $0xFFFFFB00  }
0x1e5: {  	[tilespmem:s9], [sflag:$0x4] =	stream.indirect.gather [hbm4b:s3+s11], $0x20, s2, s11, $0xb8;
	[tilespmem:$0x1EF00] =	vst v63  }
0x1e6: {  	_ =	swait.ge [sflag:s24], $0xA000  }
0x1e7: {  	[sflag:s24] =	ssyncset.done $0x0  }
0x1e8: {  	[sflag:s24] =	ssyncadd.s32 $0xFFFF6000  }
0x1e9: {  	[hbm4b:s23+s2] =	stream.linear.scatter [tilespmem:s21], [sflag:$0x9], $0xA000, $0x38;
	[tilespmem:$0x1EF00] =	vst v63  }
0x1ea: {  	_ =	swait.ge [sflag:s10], $0xA000  }
0x1eb: {  	[sflag:s10] =	ssyncset.done $0x0  }
0x1ec: {  	[sflag:s10] =	ssyncadd.s32 $0xFFFF6000  }
0x1ed: {  	[tilespmem:s25], [sflag:$0x3] =	stream.linear.gather [hbm4b:s22+s2], $0x500, $0x38;
	[tilespmem:$0x1EF00] =	vst v63  }
0x1ee: {  	_ =	swait.ge [sflag:s15], $0x500  }
0x1ef: {  	[sflag:s15] =	ssyncset.done $0x0  }
0x1f0: {  	[sflag:s15] =	ssyncadd.s32 $0xFFFFFB00  }
0x1f1: {  	[tilespmem:s7], [sflag:$0x5] =	stream.indirect.gather [hbm4b:s3+s11], $0x20, s11, s11, $0xb8;
	[tilespmem:$0x1EF00] =	vst v63  }
0x1f2: {  	_ =	swait.ge [sflag:s13], $0xA000  }
0x1f3: {  	[sflag:s13] =	ssyncset.done $0x0  }
0x1f4: {  	[sflag:s13] =	ssyncadd.s32 $0xFFFF6000  }
0x1f5: {  	[hbm4b:s20+s2] =	stream.linear.scatter [tilespmem:s9], [sflag:$0x7], $0xA000, $0x38;
	[tilespmem:$0x1EF00] =	vst v63  }
0x1f6: {  	_ =	swait.ge [sflag:s6], $0xA000  }
0x1f7: {  	[sflag:s6] =	ssyncset.done $0x0  }
0x1f8: {  	[sflag:s6] =	ssyncadd.s32 $0xFFFF6000  }
0x1f9: {  	[tilespmem:s2], [sflag:$0x1] =	stream.linear.gather [hbm4b:s19+s2], $0x500, $0x38;
	[tilespmem:$0x1EF00] =	vst v63  }
0x1fa: {  	_ =	swait.ge [sflag:s29], $0x500  }
0x1fb: {  	[sflag:s29] =	ssyncset.done $0x0  }
0x1fc: {  	[sflag:s29] =	ssyncadd.s32 $0xFFFFFB00  }
0x1fd: {  	[tilespmem:s21], [sflag:$0x6] =	stream.indirect.gather [hbm4b:s3+s11], $0x20, s25, s11, $0xb8;
	[tilespmem:$0x1EF00] =	vst v63  }
0x1fe: {  	_ =	swait.ge [sflag:s16], $0xA000  }
0x1ff: {  	[sflag:s16] =	ssyncset.done $0x0  }
0x200: {  	[sflag:s16] =	ssyncadd.s32 $0xFFFF6000  }
0x201: {  	[hbm4b:s17+s2] =	stream.linear.scatter [tilespmem:s7], [sflag:$0x8], $0xA000, $0x38;
	[tilespmem:$0x1EF00] =	vst v63  }
0x202: {  	_ =	swait.ge [sflag:s12], $0xA000  }
0x203: {  	[sflag:s12] =	ssyncset.done $0x0  }
0x204: {  	[sflag:s12] =	ssyncadd.s32 $0xFFFF6000  }
0x205: {  	[tilespmem:s11], [sflag:$0x2] =	stream.linear.gather [hbm4b:s14+s2], $0x500, $0x38;
	[tilespmem:$0x1EF00] =	vst v63  }
0x206: {  	_ =	swait.ge [sflag:s18], $0x500  }
0x207: {  	[sflag:s18] =	ssyncset.done $0x0  }
0x208: {  	[sflag:s18] =	ssyncadd.s32 $0xFFFFFB00  }
0x209: {  	[tilespmem:s9], [sflag:$0x4] =	stream.indirect.gather [hbm4b:s3+s11], $0x20, s2, s11, $0xb8;
	[tilespmem:$0x1EF00] =	vst v63  }
0x20a: {  	_ =	swait.ge [sflag:s24], $0xA000  }
0x20b: {  	[sflag:s24] =	ssyncset.done $0x0  }
0x20c: {  	[sflag:s24] =	ssyncadd.s32 $0xFFFF6000  }
0x20d: {  	[hbm4b:s8+s2] =	stream.linear.scatter [tilespmem:s21], [sflag:$0x9], $0xA000, $0x38;
	[tilespmem:$0x1EF00] =	vst v63  }
0x20e: {  	_ =	swait.ge [sflag:s15], $0x500  }
0x20f: {  	[sflag:s15] =	ssyncset.done $0x0  }
0x210: {  	[sflag:s15] =	ssyncadd.s32 $0xFFFFFB00  }
0x211: {  	[tilespmem:s7], [sflag:$0x5] =	stream.indirect.gather [hbm4b:s3+s11], $0x20, s11, s11, $0xb8;
	[tilespmem:$0x1EF00] =	vst v63  }
0x212: {  	_ =	swait.ge [sflag:s13], $0xA000  }
0x213: {  	[sflag:s13] =	ssyncset.done $0x0  }
0x214: {  	[sflag:s13] =	ssyncadd.s32 $0xFFFF6000  }
0x215: {  	[hbm4b:s5+s2] =	stream.linear.scatter [tilespmem:s9], [sflag:$0x7], $0xA000, $0x38;
	[tilespmem:$0x1EF00] =	vst v63  }
0x216: {  	_ =	swait.ge [sflag:s16], $0xA000  }
0x217: {  	[sflag:s16] =	ssyncset.done $0x0  }
0x218: {  	[sflag:s16] =	ssyncadd.s32 $0xFFFF6000  }
0x219: {  	[hbm4b:s4+s2] =	stream.linear.scatter [tilespmem:s7], [sflag:$0x8], $0xA000, $0x38;
	[tilespmem:$0x1EF00] =	vst v63  }
0x21a: {  	_ =	swait.ge [sflag:s6], $0xA000  }
0x21b: {  	[sflag:s6] =	ssyncset.done $0x0  }
0x21c: {  	p1 =	sne.s32 s1, $0x1;
	[sflag:s6] =	ssyncadd.s32 $0xFFFF6000  }
.Ltmp2:
0x21d: {  	_ =	swait.ge [sflag:s12], $0xA000;
	(pc) =	sbr.rel @p1 .LBB2_2-.Ltmp2, $4  }
0x21e: {  	[sflag:s12] =	ssyncset.done $0x0  }
0x21f: {  	[sflag:s12] =	ssyncadd.s32 $0xFFFF6000  }
0x220: {  	_ =	swait.ge [sflag:s10], $0xA000  }
0x221: {  	s1 =	sadd.s32 $0xFFFFFFFF, s1;
	s0 =	rddreg [dreg:$0x3];
	[sflag:s10] =	ssyncset.done $0x0  }
.LBB2_3:
0x222: {  	[sflag:s10] =	ssyncadd.s32 @p0 $0xFFFF6000  }
0x223: {  	[tilespmem:s2], [sflag:$0x1] =	stream.linear.gather [hbm4b:s0+s2], $0x500, $0x38;
	[tilespmem:$0x1EF00] =	vst v63  }
0x224: {  	s1 =	rddreg [dreg:$0x4]  }
0x225: {  	[tilespmem:s11], [sflag:$0x2] =	stream.linear.gather [hbm4b:s1+s2], $0x500, $0x38;
	[tilespmem:$0x1EF00] =	vst v63  }
0x226: {  	_ =	swait.ge [sflag:s18], $0x500  }
0x227: {  	[sflag:s18] =	ssyncset.done $0x0  }
0x228: {  	[sflag:s18] =	ssyncadd.s32 $0xFFFFFB00  }
0x229: {  	[tilespmem:s9], [sflag:$0x4] =	stream.indirect.gather [hbm4b:s3+s11], $0x20, s2, s11, $0xb8;
	[tilespmem:$0x1EF00] =	vst v63  }
0x22a: {  	s1 =	rddreg [dreg:$0x5]  }
0x22b: {  	[tilespmem:s25], [sflag:$0x3] =	stream.linear.gather [hbm4b:s1+s2], $0x500, $0x38;
	[tilespmem:$0x1EF00] =	vst v63  }
0x22c: {  	_ =	swait.ge [sflag:s15], $0x500  }
0x22d: {  	[sflag:s15] =	ssyncset.done $0x0  }
0x22e: {  	[sflag:s15] =	ssyncadd.s32 $0xFFFFFB00  }
0x22f: {  	[tilespmem:s7], [sflag:$0x5] =	stream.indirect.gather [hbm4b:s3+s11], $0x20, s11, s11, $0xb8;
	[tilespmem:$0x1EF00] =	vst v63  }
0x230: {  	_ =	swait.ge [sflag:s13], $0xA000  }
0x231: {  	[sflag:s13] =	ssyncset.done $0x0  }
0x232: {  	s1 =	rddreg [dreg:$0x6];
	[sflag:s13] =	ssyncadd.s32 $0xFFFF6000  }
0x233: {  	[hbm4b:s1+s2] =	stream.linear.scatter [tilespmem:s9], [sflag:$0x7], $0xA000, $0x38;
	[tilespmem:$0x1EF00] =	vst v63  }
0x234: {  	_ =	swait.ge [sflag:s6], $0xA000  }
0x235: {  	[sflag:s6] =	ssyncset.done $0x0  }
0x236: {  	s1 =	rddreg [dreg:$0x7];
	[sflag:s6] =	ssyncadd.s32 $0xFFFF6000  }
0x237: {  	[tilespmem:s2], [sflag:$0x1] =	stream.linear.gather [hbm4b:s1+s2], $0x500, $0x38;
	[tilespmem:$0x1EF00] =	vst v63  }
0x238: {  	_ =	swait.ge [sflag:s29], $0x500  }
0x239: {  	[sflag:s29] =	ssyncset.done $0x0  }
0x23a: {  	[sflag:s29] =	ssyncadd.s32 $0xFFFFFB00  }
0x23b: {  	[tilespmem:s21], [sflag:$0x6] =	stream.indirect.gather [hbm4b:s3+s11], $0x20, s25, s11, $0xb8;
	[tilespmem:$0x1EF00] =	vst v63  }
0x23c: {  	_ =	swait.ge [sflag:s16], $0xA000  }
0x23d: {  	[sflag:s16] =	ssyncset.done $0x0  }
0x23e: {  	s1 =	rddreg [dreg:$0x8];
	[sflag:s16] =	ssyncadd.s32 $0xFFFF6000  }
0x23f: {  	[hbm4b:s1+s2] =	stream.linear.scatter [tilespmem:s7], [sflag:$0x8], $0xA000, $0x38;
	[tilespmem:$0x1EF00] =	vst v63  }
0x240: {  	_ =	swait.ge [sflag:s12], $0xA000  }
0x241: {  	[sflag:s12] =	ssyncset.done $0x0  }
0x242: {  	s1 =	rddreg [dreg:$0x9];
	[sflag:s12] =	ssyncadd.s32 $0xFFFF6000  }
0x243: {  	[tilespmem:s11], [sflag:$0x2] =	stream.linear.gather [hbm4b:s1+s2], $0x500, $0x38;
	[tilespmem:$0x1EF00] =	vst v63  }
0x244: {  	_ =	swait.ge [sflag:s18], $0x500  }
0x245: {  	[sflag:s18] =	ssyncset.done $0x0  }
0x246: {  	[sflag:s18] =	ssyncadd.s32 $0xFFFFFB00  }
0x247: {  	[tilespmem:s9], [sflag:$0x4] =	stream.indirect.gather [hbm4b:s3+s11], $0x20, s2, s11, $0xb8;
	[tilespmem:$0x1EF00] =	vst v63  }
0x248: {  	_ =	swait.ge [sflag:s24], $0xA000  }
0x249: {  	[sflag:s24] =	ssyncset.done $0x0  }
0x24a: {  	s1 =	rddreg [dreg:$0xa];
	[sflag:s24] =	ssyncadd.s32 $0xFFFF6000  }
0x24b: {  	[hbm4b:s1+s2] =	stream.linear.scatter [tilespmem:s21], [sflag:$0x9], $0xA000, $0x38;
	[tilespmem:$0x1EF00] =	vst v63  }
0x24c: {  	_ =	swait.ge [sflag:s10], $0xA000  }
0x24d: {  	[sflag:s10] =	ssyncset.done $0x0  }
0x24e: {  	s1 =	rddreg [dreg:$0xb];
	[sflag:s10] =	ssyncadd.s32 $0xFFFF6000  }
0x24f: {  	[tilespmem:s25], [sflag:$0x3] =	stream.linear.gather [hbm4b:s1+s2], $0x500, $0x38;
	[tilespmem:$0x1EF00] =	vst v63  }
0x250: {  	_ =	swait.ge [sflag:s15], $0x500  }
0x251: {  	[sflag:s15] =	ssyncset.done $0x0  }
0x252: {  	[sflag:s15] =	ssyncadd.s32 $0xFFFFFB00  }
0x253: {  	[tilespmem:s7], [sflag:$0x5] =	stream.indirect.gather [hbm4b:s3+s11], $0x20, s11, s11, $0xb8;
	[tilespmem:$0x1EF00] =	vst v63  }
0x254: {  	_ =	swait.ge [sflag:s13], $0xA000  }
0x255: {  	[sflag:s13] =	ssyncset.done $0x0  }
0x256: {  	s1 =	rddreg [dreg:$0xc];
	[sflag:s13] =	ssyncadd.s32 $0xFFFF6000  }
0x257: {  	[hbm4b:s1+s2] =	stream.linear.scatter [tilespmem:s9], [sflag:$0x7], $0xA000, $0x38;
	[tilespmem:$0x1EF00] =	vst v63  }
0x258: {  	_ =	swait.ge [sflag:s6], $0xA000  }
0x259: {  	[sflag:s6] =	ssyncset.done $0x0  }
0x25a: {  	s1 =	rddreg [dreg:$0xd];
	[sflag:s6] =	ssyncadd.s32 $0xFFFF6000  }
0x25b: {  	[tilespmem:s2], [sflag:$0x1] =	stream.linear.gather [hbm4b:s1+s2], $0x500, $0x38;
	[tilespmem:$0x1EF00] =	vst v63  }
0x25c: {  	_ =	swait.ge [sflag:s29], $0x500  }
0x25d: {  	[sflag:s29] =	ssyncset.done $0x0  }
0x25e: {  	[sflag:s29] =	ssyncadd.s32 $0xFFFFFB00  }
0x25f: {  	[tilespmem:s21], [sflag:$0x6] =	stream.indirect.gather [hbm4b:s3+s11], $0x20, s25, s11, $0xb8;
	[tilespmem:$0x1EF00] =	vst v63  }
0x260: {  	_ =	swait.ge [sflag:s16], $0xA000  }
0x261: {  	[sflag:s16] =	ssyncset.done $0x0  }
0x262: {  	s1 =	rddreg [dreg:$0xe];
	[sflag:s16] =	ssyncadd.s32 $0xFFFF6000  }
0x263: {  	[hbm4b:s1+s2] =	stream.linear.scatter [tilespmem:s7], [sflag:$0x8], $0xA000, $0x38;
	[tilespmem:$0x1EF00] =	vst v63  }
0x264: {  	_ =	swait.ge [sflag:s12], $0xA000  }
0x265: {  	[sflag:s12] =	ssyncset.done $0x0  }
0x266: {  	s1 =	rddreg [dreg:$0xf];
	[sflag:s12] =	ssyncadd.s32 $0xFFFF6000  }
0x267: {  	[tilespmem:s11], [sflag:$0x2] =	stream.linear.gather [hbm4b:s1+s2], $0x500, $0x38;
	[tilespmem:$0x1EF00] =	vst v63  }
0x268: {  	_ =	swait.ge [sflag:s18], $0x500  }
0x269: {  	[sflag:s18] =	ssyncset.done $0x0  }
0x26a: {  	[sflag:s18] =	ssyncadd.s32 $0xFFFFFB00  }
0x26b: {  	[tilespmem:s9], [sflag:$0x4] =	stream.indirect.gather [hbm4b:s3+s11], $0x20, s2, s11, $0xb8;
	[tilespmem:$0x1EF00] =	vst v63  }
0x26c: {  	_ =	swait.ge [sflag:s24], $0xA000  }
0x26d: {  	[sflag:s24] =	ssyncset.done $0x0  }
0x26e: {  	s1 =	rddreg [dreg:$0x10];
	[sflag:s24] =	ssyncadd.s32 $0xFFFF6000  }
0x26f: {  	[hbm4b:s1+s2] =	stream.linear.scatter [tilespmem:s21], [sflag:$0x9], $0xA000, $0x38;
	[tilespmem:$0x1EF00] =	vst v63  }
0x270: {  	_ =	swait.ge [sflag:s10], $0xA000  }
0x271: {  	[sflag:s10] =	ssyncset.done $0x0  }
0x272: {  	s1 =	rddreg [dreg:$0x11];
	[sflag:s10] =	ssyncadd.s32 $0xFFFF6000  }
0x273: {  	[tilespmem:s25], [sflag:$0x3] =	stream.linear.gather [hbm4b:s1+s2], $0x500, $0x38;
	[tilespmem:$0x1EF00] =	vst v63  }
0x274: {  	_ =	swait.ge [sflag:s15], $0x500  }
0x275: {  	[sflag:s15] =	ssyncset.done $0x0  }
0x276: {  	[sflag:s15] =	ssyncadd.s32 $0xFFFFFB00  }
0x277: {  	[tilespmem:s7], [sflag:$0x5] =	stream.indirect.gather [hbm4b:s3+s11], $0x20, s11, s11, $0xb8;
	[tilespmem:$0x1EF00] =	vst v63  }
0x278: {  	_ =	swait.ge [sflag:s13], $0xA000  }
0x279: {  	[sflag:s13] =	ssyncset.done $0x0  }
0x27a: {  	s1 =	rddreg [dreg:$0x12];
	[sflag:s13] =	ssyncadd.s32 $0xFFFF6000  }
0x27b: {  	[hbm4b:s1+s2] =	stream.linear.scatter [tilespmem:s9], [sflag:$0x7], $0xA000, $0x38;
	[tilespmem:$0x1EF00] =	vst v63  }
0x27c: {  	_ =	swait.ge [sflag:s6], $0xA000  }
0x27d: {  	[sflag:s6] =	ssyncset.done $0x0  }
0x27e: {  	s1 =	rddreg [dreg:$0x13];
	[sflag:s6] =	ssyncadd.s32 $0xFFFF6000  }
0x27f: {  	[tilespmem:s2], [sflag:$0x1] =	stream.linear.gather [hbm4b:s1+s2], $0x500, $0x38;
	[tilespmem:$0x1EF00] =	vst v63  }
0x280: {  	_ =	swait.ge [sflag:s29], $0x500  }
0x281: {  	[sflag:s29] =	ssyncset.done $0x0  }
0x282: {  	[sflag:s29] =	ssyncadd.s32 $0xFFFFFB00  }
0x283: {  	[tilespmem:s21], [sflag:$0x6] =	stream.indirect.gather [hbm4b:s3+s11], $0x20, s25, s11, $0xb8;
	[tilespmem:$0x1EF00] =	vst v63  }
0x284: {  	_ =	swait.ge [sflag:s16], $0xA000  }
0x285: {  	[sflag:s16] =	ssyncset.done $0x0  }
0x286: {  	s1 =	rddreg [dreg:$0x14];
	[sflag:s16] =	ssyncadd.s32 $0xFFFF6000  }
0x287: {  	[hbm4b:s1+s2] =	stream.linear.scatter [tilespmem:s7], [sflag:$0x8], $0xA000, $0x38;
	[tilespmem:$0x1EF00] =	vst v63  }
0x288: {  	_ =	swait.ge [sflag:s12], $0xA000  }
0x289: {  	[sflag:s12] =	ssyncset.done $0x0  }
0x28a: {  	s1 =	rddreg [dreg:$0x15];
	[sflag:s12] =	ssyncadd.s32 $0xFFFF6000  }
0x28b: {  	[tilespmem:s11], [sflag:$0x2] =	stream.linear.gather [hbm4b:s1+s2], $0x500, $0x38;
	[tilespmem:$0x1EF00] =	vst v63  }
0x28c: {  	_ =	swait.ge [sflag:s18], $0x500  }
0x28d: {  	[sflag:s18] =	ssyncset.done $0x0  }
0x28e: {  	[sflag:s18] =	ssyncadd.s32 $0xFFFFFB00  }
0x28f: {  	[tilespmem:s9], [sflag:$0x4] =	stream.indirect.gather [hbm4b:s3+s11], $0x20, s2, s11, $0xb8;
	[tilespmem:$0x1EF00] =	vst v63  }
0x290: {  	_ =	swait.ge [sflag:s24], $0xA000  }
0x291: {  	[sflag:s24] =	ssyncset.done $0x0  }
0x292: {  	s1 =	rddreg [dreg:$0x16];
	[sflag:s24] =	ssyncadd.s32 $0xFFFF6000  }
0x293: {  	[hbm4b:s1+s2] =	stream.linear.scatter [tilespmem:s21], [sflag:$0x9], $0xA000, $0x38;
	[tilespmem:$0x1EF00] =	vst v63  }
0x294: {  	_ =	swait.ge [sflag:s10], $0xA000  }
0x295: {  	[sflag:s10] =	ssyncset.done $0x0  }
0x296: {  	s1 =	rddreg [dreg:$0x17];
	[sflag:s10] =	ssyncadd.s32 $0xFFFF6000  }
0x297: {  	[tilespmem:s25], [sflag:$0x3] =	stream.linear.gather [hbm4b:s1+s2], $0x500, $0x38;
	[tilespmem:$0x1EF00] =	vst v63  }
0x298: {  	_ =	swait.ge [sflag:s15], $0x500  }
0x299: {  	[sflag:s15] =	ssyncset.done $0x0  }
0x29a: {  	[sflag:s15] =	ssyncadd.s32 $0xFFFFFB00  }
0x29b: {  	[tilespmem:s7], [sflag:$0x5] =	stream.indirect.gather [hbm4b:s3+s11], $0x20, s11, s11, $0xb8;
	[tilespmem:$0x1EF00] =	vst v63  }
0x29c: {  	_ =	swait.ge [sflag:s13], $0xA000  }
0x29d: {  	[sflag:s13] =	ssyncset.done $0x0  }
0x29e: {  	s1 =	rddreg [dreg:$0x18];
	[sflag:s13] =	ssyncadd.s32 $0xFFFF6000  }
0x29f: {  	[hbm4b:s1+s2] =	stream.linear.scatter [tilespmem:s9], [sflag:$0x7], $0xA000, $0x38;
	[tilespmem:$0x1EF00] =	vst v63  }
0x2a0: {  	_ =	swait.ge [sflag:s6], $0xA000  }
0x2a1: {  	[sflag:s6] =	ssyncset.done $0x0  }
0x2a2: {  	s1 =	rddreg [dreg:$0x19];
	[sflag:s6] =	ssyncadd.s32 $0xFFFF6000  }
0x2a3: {  	[tilespmem:s2], [sflag:$0x1] =	stream.linear.gather [hbm4b:s1+s2], $0x500, $0x38;
	[tilespmem:$0x1EF00] =	vst v63  }
0x2a4: {  	_ =	swait.ge [sflag:s29], $0x500  }
0x2a5: {  	[sflag:s29] =	ssyncset.done $0x0  }
0x2a6: {  	[sflag:s29] =	ssyncadd.s32 $0xFFFFFB00  }
0x2a7: {  	[tilespmem:s21], [sflag:$0x6] =	stream.indirect.gather [hbm4b:s3+s11], $0x20, s25, s11, $0xb8;
	[tilespmem:$0x1EF00] =	vst v63  }
0x2a8: {  	_ =	swait.ge [sflag:s16], $0xA000  }
0x2a9: {  	[sflag:s16] =	ssyncset.done $0x0  }
0x2aa: {  	s1 =	rddreg [dreg:$0x1a];
	[sflag:s16] =	ssyncadd.s32 $0xFFFF6000  }
0x2ab: {  	[hbm4b:s1+s2] =	stream.linear.scatter [tilespmem:s7], [sflag:$0x8], $0xA000, $0x38;
	[tilespmem:$0x1EF00] =	vst v63  }
0x2ac: {  	_ =	swait.ge [sflag:s12], $0xA000  }
0x2ad: {  	[sflag:s12] =	ssyncset.done $0x0  }
0x2ae: {  	s1 =	rddreg [dreg:$0x1b];
	[sflag:s12] =	ssyncadd.s32 $0xFFFF6000  }
0x2af: {  	[tilespmem:s11], [sflag:$0x2] =	stream.linear.gather [hbm4b:s1+s2], $0x500, $0x38;
	[tilespmem:$0x1EF00] =	vst v63  }
0x2b0: {  	_ =	swait.ge [sflag:s18], $0x500  }
0x2b1: {  	[sflag:s18] =	ssyncset.done $0x0  }
0x2b2: {  	[sflag:s18] =	ssyncadd.s32 $0xFFFFFB00  }
0x2b3: {  	[tilespmem:s9], [sflag:$0x4] =	stream.indirect.gather [hbm4b:s3+s11], $0x20, s2, s11, $0xb8;
	[tilespmem:$0x1EF00] =	vst v63  }
0x2b4: {  	_ =	swait.ge [sflag:s24], $0xA000  }
0x2b5: {  	[sflag:s24] =	ssyncset.done $0x0  }
0x2b6: {  	s1 =	rddreg [dreg:$0x1c];
	[sflag:s24] =	ssyncadd.s32 $0xFFFF6000  }
0x2b7: {  	[hbm4b:s1+s2] =	stream.linear.scatter [tilespmem:s21], [sflag:$0x9], $0xA000, $0x38;
	[tilespmem:$0x1EF00] =	vst v63  }
0x2b8: {  	_ =	swait.ge [sflag:s10], $0xA000  }
0x2b9: {  	[sflag:s10] =	ssyncset.done $0x0  }
0x2ba: {  	s1 =	rddreg [dreg:$0x1d];
	[sflag:s10] =	ssyncadd.s32 $0xFFFF6000  }
0x2bb: {  	[tilespmem:s25], [sflag:$0x3] =	stream.linear.gather [hbm4b:s1+s2], $0x500, $0x38;
	[tilespmem:$0x1EF00] =	vst v63  }
0x2bc: {  	_ =	swait.ge [sflag:s15], $0x500  }
0x2bd: {  	[sflag:s15] =	ssyncset.done $0x0  }
0x2be: {  	[sflag:s15] =	ssyncadd.s32 $0xFFFFFB00  }
0x2bf: {  	[tilespmem:s7], [sflag:$0x5] =	stream.indirect.gather [hbm4b:s3+s11], $0x20, s11, s11, $0xb8;
	[tilespmem:$0x1EF00] =	vst v63  }
0x2c0: {  	_ =	swait.ge [sflag:s13], $0xA000  }
0x2c1: {  	[sflag:s13] =	ssyncset.done $0x0  }
0x2c2: {  	[sflag:s13] =	ssyncadd.s32 $0xFFFF6000  }
0x2c3: {  	[hbm4b:s31+s2] =	stream.linear.scatter [tilespmem:s9], [sflag:$0x7], $0xA000, $0x38;
	[tilespmem:$0x1EF00] =	vst v63  }
0x2c4: {  	_ =	swait.ge [sflag:s6], $0xA000  }
0x2c5: {  	[sflag:s6] =	ssyncset.done $0x0  }
0x2c6: {  	[sflag:s6] =	ssyncadd.s32 $0xFFFF6000  }
0x2c7: {  	[tilespmem:s2], [sflag:$0x1] =	stream.linear.gather [hbm4b:s30+s2], $0x500, $0x38;
	[tilespmem:$0x1EF00] =	vst v63  }
0x2c8: {  	_ =	swait.ge [sflag:s29], $0x500  }
0x2c9: {  	[sflag:s29] =	ssyncset.done $0x0  }
0x2ca: {  	[sflag:s29] =	ssyncadd.s32 $0xFFFFFB00  }
0x2cb: {  	[tilespmem:s21], [sflag:$0x6] =	stream.indirect.gather [hbm4b:s3+s11], $0x20, s25, s11, $0xb8;
	[tilespmem:$0x1EF00] =	vst v63  }
0x2cc: {  	_ =	swait.ge [sflag:s16], $0xA000  }
0x2cd: {  	[sflag:s16] =	ssyncset.done $0x0  }
0x2ce: {  	[sflag:s16] =	ssyncadd.s32 $0xFFFF6000  }
0x2cf: {  	[hbm4b:s26+s2] =	stream.linear.scatter [tilespmem:s7], [sflag:$0x8], $0xA000, $0x38;
	[tilespmem:$0x1EF00] =	vst v63  }
0x2d0: {  	_ =	swait.ge [sflag:s12], $0xA000  }
0x2d1: {  	[sflag:s12] =	ssyncset.done $0x0  }
0x2d2: {  	[sflag:s12] =	ssyncadd.s32 $0xFFFF6000  }
0x2d3: {  	[tilespmem:s11], [sflag:$0x2] =	stream.linear.gather [hbm4b:s28+s2], $0x500, $0x38;
	[tilespmem:$0x1EF00] =	vst v63  }
0x2d4: {  	_ =	swait.ge [sflag:s18], $0x500  }
0x2d5: {  	[sflag:s18] =	ssyncset.done $0x0  }
0x2d6: {  	[sflag:s18] =	ssyncadd.s32 $0xFFFFFB00  }
0x2d7: {  	[tilespmem:s9], [sflag:$0x4] =	stream.indirect.gather [hbm4b:s3+s11], $0x20, s2, s11, $0xb8;
	[tilespmem:$0x1EF00] =	vst v63  }
0x2d8: {  	_ =	swait.ge [sflag:s24], $0xA000  }
0x2d9: {  	[sflag:s24] =	ssyncset.done $0x0  }
0x2da: {  	[sflag:s24] =	ssyncadd.s32 $0xFFFF6000  }
0x2db: {  	[hbm4b:s23+s2] =	stream.linear.scatter [tilespmem:s21], [sflag:$0x9], $0xA000, $0x38;
	[tilespmem:$0x1EF00] =	vst v63  }
0x2dc: {  	_ =	swait.ge [sflag:s10], $0xA000  }
0x2dd: {  	[sflag:s10] =	ssyncset.done $0x0  }
0x2de: {  	[sflag:s10] =	ssyncadd.s32 $0xFFFF6000  }
0x2df: {  	[tilespmem:s25], [sflag:$0x3] =	stream.linear.gather [hbm4b:s22+s2], $0x500, $0x38;
	[tilespmem:$0x1EF00] =	vst v63  }
0x2e0: {  	_ =	swait.ge [sflag:s15], $0x500  }
0x2e1: {  	[sflag:s15] =	ssyncset.done $0x0  }
0x2e2: {  	[sflag:s15] =	ssyncadd.s32 $0xFFFFFB00  }
0x2e3: {  	[tilespmem:s7], [sflag:$0x5] =	stream.indirect.gather [hbm4b:s3+s11], $0x20, s11, s11, $0xb8;
	[tilespmem:$0x1EF00] =	vst v63  }
0x2e4: {  	_ =	swait.ge [sflag:s13], $0xA000  }
0x2e5: {  	[sflag:s13] =	ssyncset.done $0x0  }
0x2e6: {  	[sflag:s13] =	ssyncadd.s32 $0xFFFF6000  }
0x2e7: {  	[hbm4b:s20+s2] =	stream.linear.scatter [tilespmem:s9], [sflag:$0x7], $0xA000, $0x38;
	[tilespmem:$0x1EF00] =	vst v63  }
0x2e8: {  	_ =	swait.ge [sflag:s6], $0xA000  }
0x2e9: {  	[sflag:s6] =	ssyncset.done $0x0  }
0x2ea: {  	[sflag:s6] =	ssyncadd.s32 $0xFFFF6000  }
0x2eb: {  	[tilespmem:s2], [sflag:$0x1] =	stream.linear.gather [hbm4b:s19+s2], $0x500, $0x38;
	[tilespmem:$0x1EF00] =	vst v63  }
0x2ec: {  	_ =	swait.ge [sflag:s29], $0x500  }
0x2ed: {  	[sflag:s29] =	ssyncset.done $0x0  }
0x2ee: {  	[sflag:s29] =	ssyncadd.s32 $0xFFFFFB00  }
0x2ef: {  	[tilespmem:s21], [sflag:$0x6] =	stream.indirect.gather [hbm4b:s3+s11], $0x20, s25, s11, $0xb8;
	[tilespmem:$0x1EF00] =	vst v63  }
0x2f0: {  	_ =	swait.ge [sflag:s16], $0xA000  }
0x2f1: {  	[sflag:s16] =	ssyncset.done $0x0  }
0x2f2: {  	[sflag:s16] =	ssyncadd.s32 $0xFFFF6000  }
0x2f3: {  	[hbm4b:s17+s2] =	stream.linear.scatter [tilespmem:s7], [sflag:$0x8], $0xA000, $0x38;
	[tilespmem:$0x1EF00] =	vst v63  }
0x2f4: {  	_ =	swait.ge [sflag:s12], $0xA000  }
0x2f5: {  	[sflag:s12] =	ssyncset.done $0x0  }
0x2f6: {  	[sflag:s12] =	ssyncadd.s32 $0xFFFF6000  }
0x2f7: {  	[tilespmem:s11], [sflag:$0x2] =	stream.linear.gather [hbm4b:s14+s2], $0x500, $0x38;
	[tilespmem:$0x1EF00] =	vst v63  }
0x2f8: {  	_ =	swait.ge [sflag:s18], $0x500  }
0x2f9: {  	[sflag:s18] =	ssyncset.done $0x0  }
0x2fa: {  	[sflag:s18] =	ssyncadd.s32 $0xFFFFFB00  }
0x2fb: {  	[tilespmem:s9], [sflag:$0x4] =	stream.indirect.gather [hbm4b:s3+s11], $0x20, s2, s11, $0xb8;
	[tilespmem:$0x1EF00] =	vst v63  }
0x2fc: {  	_ =	swait.ge [sflag:s24], $0xA000  }
0x2fd: {  	[sflag:s24] =	ssyncset.done $0x0  }
0x2fe: {  	[sflag:s24] =	ssyncadd.s32 $0xFFFF6000  }
0x2ff: {  	[hbm4b:s8+s2] =	stream.linear.scatter [tilespmem:s21], [sflag:$0x9], $0xA000, $0x38;
	[tilespmem:$0x1EF00] =	vst v63  }
0x300: {  	_ =	swait.ge [sflag:s15], $0x500  }
0x301: {  	[sflag:s15] =	ssyncset.done $0x0  }
0x302: {  	[sflag:s15] =	ssyncadd.s32 $0xFFFFFB00  }
0x303: {  	[tilespmem:s7], [sflag:$0x5] =	stream.indirect.gather [hbm4b:s3+s11], $0x20, s11, s11, $0xb8;
	[tilespmem:$0x1EF00] =	vst v63  }
0x304: {  	_ =	swait.ge [sflag:s13], $0xA000  }
0x305: {  	[sflag:s13] =	ssyncset.done $0x0  }
0x306: {  	[sflag:s13] =	ssyncadd.s32 $0xFFFF6000  }
0x307: {  	[hbm4b:s5+s2] =	stream.linear.scatter [tilespmem:s9], [sflag:$0x7], $0xA000, $0x38;
	[tilespmem:$0x1EF00] =	vst v63  }
0x308: {  	_ =	swait.ge [sflag:s16], $0xA000  }
0x309: {  	[sflag:s16] =	ssyncset.done $0x0  }
0x30a: {  	[sflag:s16] =	ssyncadd.s32 $0xFFFF6000  }
0x30b: {  	[hbm4b:s4+s2] =	stream.linear.scatter [tilespmem:s7], [sflag:$0x8], $0xA000, $0x38;
	[tilespmem:$0x1EF00] =	vst v63  }
0x30c: {  	_ =	swait.ge [sflag:s6], $0xA000  }
0x30d: {  	[sflag:s6] =	ssyncset.done $0x0  }
0x30e: {  	[sflag:s6] =	ssyncadd.s32 $0xFFFF6000  }
0x30f: {  	_ =	swait.ge [sflag:s12], $0xA000  }
0x310: {  	[sflag:s12] =	ssyncset.done $0x0  }
0x311: {  	[sflag:s12] =	ssyncadd.s32 $0xFFFF6000  }
0x312: {  	_ =	swait.ge [sflag:s10], $0xA000  }
0x313: {  	[sflag:s10] =	ssyncset.done $0x0  }
0x314: {  	[sflag:s10] =	ssyncadd.s32 $0xFFFF6000  }
0x315: {  	_ =	sfence.sel $0x180000  }
0x316: {  	[bflag:$0x0] =	sbarrier.arrive $0xFFFF  }
0x317: {  	_ =	strace $0x90000047  }
0x318: {  	s31 =	stileid.u32;
	[bflag:$0x2] =	sbarrier.arrive $0xFFFF  }
0x319: {  	p0 =	sne.s32 s31, $0x0;
	s0 =	rddreg [dreg:$0x2]  }
0x31a: {  	s0 =	sadd.s32 @!p0 $0x100000, s0  }
0x31b: {  	[sflag:s0] =	ssyncadd.tile.s32 @!p0 $0x1;
	_ =	shalt  }
.Lfunc_end2:
_tile_overlayer_lowered:
.L_overlay_start_2:
0x31c: {  	(tag) =	ssettag $0x2  }
0x31d: {  	s0 =	rddreg [dreg:$0x0];
	s2 =	stileid.u32  }
0x31e: {  	s1 =	rddreg [dreg:$0x1];
	p0 =	sne.s32 s2, $0x0  }
0x31f: {  	s3 =	rddreg [dreg:$0x2];
	[bflag:$0x3] =	sbarrier.arrive $0xFFFF;
	s2 =	simm.s32 @!p0 $0x1C0A  }
0x320: {  	[timem:s3], [sflag:s2] =	dma.local @!p0 [hbm:s0], s1  }
0x321: {  	s0 =	simm.s32 @!p0 $0xA  }
0x322: {  	_ =	swait.ge @!p0 [sflag:s0], s1  }
0x323: {  	s1 =	ssub.s32 @!p0 $0x0, s1;
	[sflag:s0] =	ssyncset.done @!p0 $0x0  }
0x324: {  	[sflag:s0] =	ssyncadd.s32 @!p0 s1  }
0x325: {  	[bflag:$0x3] =	sbarrier.arrive $0xFFFF  }
0x326: {  	_ =	shalt  }

// kernel: sparse-core-data-format-call.cloned.1.call-start
scs
called_computation_lowered:
.L_overlay_start_0:
0x0: {  	s2 =	sld [smem:$0x3FD9]  }
0x1: {  	s3 =	sld [smem:$0x3FFE];
	_ =	sdelay $0x1  }
0x2: {  	s1 =	srdreg.scid  }
0x3: {  	s0 =	sand.u32 $0x1, s1  }
0x4: {  	s18 =	sshll.u32 s0, $0xA;
	s2 =	sadd.s32 s3, s2  }
0x5: {  	s2 =	sadd.s32 s2, s18  }
0x6: {  	[smem:$0x3FC6] =	sst s2  }
0x7: {  	_ = 	snop  }
0x8: {  	s2 =	sld [smem:$0x3FD0];
	(tm) =	ssettm $0x1  }
0x9: {  	s19 =	sld [smem:$0x3FFB];
	_ =	sdelay $0x3  }
0xa: {  	_ =	strace s19  }
0xb: {  	s3 =	sld [smem:$0x3FFC];
	_ =	sdelay $0x3  }
0xc: {  	_ =	strace s3  }
0xd: {  	s3 =	sld [smem:$0x3FFD];
	_ =	sdelay $0x3  }
0xe: {  	_ =	strace s3  }
0xf: {  	_ =	strace $0x8FFFFFFF  }
0x10: {  	s20 =	sld [smem:$0x3FDB];
	_ =	sdelay $0x1  }
0x11: {  	s4 =	simm.s32 $_scs_section_size  }
0x12: {  	s5 =	simm.s32 $_size__tile_overlayer_lowered;
	s6 =	simm.s32 $_tile_overlayer_lowered  }
0x13: {  	s23 =	simm.s32 $0x1BFF;
	s22 =	sshll.u32 s6, $0x1;
	s3 =	sadd.s32 s4, s20  }
0x14: {  	s7 =	simm.s32 $0x0;
	s21 =	sshll.u32 s5, $0x1;
	s5 =	sadd.s32 s22, s3  }
0x15: {  	[timem:s7], [sflag:s23] =	dma.local [hbm:s5], s21  }
0x16: {  	_ =	swait.ge [sflag:s23], s21  }
0x17: {  	s4 =	ssub.s32 $0x0, s21;
	[sflag:s23] =	ssyncset.done $0x0  }
0x18: {  	[sflag:s23] =	ssyncadd.s32 s4;
	_ =	sdelay $0x1  }
0x19: {  	s24 =	simm.s32 $0x1B8B  }
0x1a: {  	_ =	swait.ge [sflag:s24], $0x1  }
0x1b: {  	[sflag:s24] =	ssyncset.done $0x0  }
0x1c: {  	s26 =	simm.s32 $0x1B8E;
	s25 =	sld [smem:$0x3FFE];
	[sflag:s24] =	ssyncadd.s32 $0xFFFFFFFF  }
0x1d: {  	s27 =	simm.s32 $execute0_lowered;
	[smem:$0x3FD2] =	sst s26  }
0x1e: {  	s5 =	sshll.u32 s27, $0x1;
	_ =	strace $0x80000049;
	[dreg:$0x1] =	wrdreg $0xFFFFFFFF  }
0x1f: {  	s28 =	simm.s32 $_size_execute0_lowered;
	s3 =	sadd.s32 s3, s5;
	[dreg:$0x0] =	wrdreg $0x0  }
0x20: {  	s5 =	sshll.u32 s28, $0x1;
	[dreg:$0x2] =	wrdreg s3  }
0x21: {  	[dreg:$0x3] =	wrdreg s5  }
0x22: {  	[dreg:$0x4] =	wrdreg $0xC0  }
0x23: {  	_ =	task [dreg:s7], $0x5FFFF  }
0x24: {  	[dreg:$0x1] =	wrdreg $0xFFFFFFFF  }
0x25: {  	[dreg:$0x0] =	wrdreg $0x60  }
0x26: {  	[dreg:$0x2] =	wrdreg s25  }
0x27: {  	[dreg:$0x3] =	wrdreg s2  }
0x28: {  	[dreg:$0x4] =	wrdreg $0x9  }
0x29: {  	_ =	task.clear_ibuf [dreg:s7], $0x5FFFF;
	_ =	strace $0x90000049  }
0x2a: {  	s29 =	simm.s32 $0x9;
	_ =	strace $0x8000004B  }
0x2b: {  	_ =	swait.ge [sflag:s29], $0x1  }
0x2c: {  	[sflag:s29] =	ssyncadd.s32 $0xFFFFFFFF  }
0x2d: {  	_ =	strace $0x9000004B  }
0x2e: {  	_ =	sfence  }
0x2f: {  	s30 =	sld [smem:$0x0];
	_ =	sdelay $0x2  }
0x30: {  	s31 =	sshll.u32 s1, $0xD;
	s1 =	sshrl.u32 s1, $0x2  }
0x31: {  	s3 =	sand.u32 $0x4000, s31;
	s1 =	sadd.s32 s1, s30  }
0x32: {  	s0 =	sor.u32 s3, s0;
	s1 =	sshll.u32 s1, $0x11  }
0x33: {  	s0 =	sor.u32 s1, s0  }
0x34: {  	s0 =	sadd.s32 $0x8F2B, s0  }
0x35: {  	[sflag:s0] =	ssyncadd.remote.s32 $0x1  }
0x36: {  	_ =	sfence.sel $0xFFFF  }
0x37: {  	[dreg:$0x0] =	wrdreg $0xFFFFFFFF;
	(pc) =	sbr.abs _section_cstart, $3  }
0x38: {  	[dreg:$0x1] =	wrdreg $0xFFFFFFFF  }
0x39: {  	_ =	task.clear_ibuf [dreg:s7], $0x2FFFF;
	_ =	strace $0x9FFFFFFF  }
0x3a: {  	(tm) =	ssettm $0x7FFFFFFF  }
0x3b: {  	_ =	shalt  }
tec
execute0_lowered:
.L_overlay_start_1:
0x0: {  	(tag) =	ssettag $0x1  }
0x1: {  	s0 =	srdreg.scid  }
0x2: {  	s1 =	sshll.u32 s0, $0x4  }
0x3: {  	s0 =	stileid.u32;
	s1 =	sand.u32 $0x10, s1  }
0x4: {  	s1 =	sor.u32 s0, s1  }
0x5: {  	s6 =	rddreg [dreg:$0x0];
	s4 =	simm.s32 $0x1;
	s2 =	sshll.u32 s1, $0x7  }
0x6: {  	s7 =	simm.s32 $0x2;
	s12 =	simm.s32 $0x0;
	s1 =	ssub.s32 $0x1000, s2  }
0x7: {  	s8 =	simm.s32 $0x8000;
	s13 =	simm.s32 $0x0;
	s3 =	sand.u32 $0xF80, s1  }
0x8: {  	s9 =	simm.s32 $0x0;
	s5 =	sshrl.u32 s1, $0xC;
	p0 =	sne.s32 s3, $0x0  }
.Ltmp0:
0x9: {  	s1 =	rddreg [dreg:$0x2];
	s4 =	simm.s32 @!p0 $0x0;
	(pc) =	sbr.rel .LBB1_1-.Ltmp0, $4  }
0xa: {  	s11 =	simm.s32 $0x0;
	s3 =	rddreg [dreg:$0x1];
	s5 =	sadd.s32 s4, s5  }
0xb: {  	_ =	strace $0x8000004A;
	s4 =	simm.s32 $0x1;
	s5 =	smul.u32 $0xC8, s5  }
0xc: {  	s6 =	sadd.s32 $0xA00, s6;
	s10 =	smov.u32 s2;
	[sflag:s4] =	ssyncpa.u1 $0x0  }
0xd: {  	p0 =	por $0x0, $0x0;
	[sflag:s7] =	ssyncpa.u1 $0x0;
	s7 =	sor.u32 $0x1, s5  }
.LBB1_4:
0xe: {  	s16 =	sshll.u32 s13, $0x3;
	s17 =	sand.u32 $0x78, s13  }
0xf: {  	s30 =	sand.u32 $0x3E00, s13;
	s12 =	sshll.u32 s12, $0xE;
	s16 =	sand.u32 $0xC00, s16  }
0x10: {  	s31 =	sand.u32 $0x7, s13;
	s16 =	sor.u32 s17, s16;
	s17 =	sadd.s32 s3, s30  }
0x11: {  	s13 =	sshll.u32 s31, $0x12;
	s16 =	sshrl.u32 s16, $0x3;
	s12 =	sadd.s32 s12, s17  }
0x12: {  	[tilespmem:s15+$0x0 ss:$0x81] =	vst.msk $0xffff, v0;
	s13 =	sor.u32 $0x400, s13;
	s12 =	sadd.s32 s16, s12  }
0x13: {  	[hbm4b:s12+s13] =	stream.strided.scatter [tilespmem:s14], [sflag:$0x2], $0x1000, s8, s13, $0x20;
	[tilespmem:$0x4040] =	vst v63  }
.LBB1_5:
0x14: {  	s14 =	sadd.s32 $0x1, s9  }
0x15: {  	s12 =	sadd.s32 $0x1000, s10;
	s16 =	smov.u32 s10;
	p2 =	sgt.s32 s14, $0xC7  }
0x16: {  	s16 =	smov.u32 @p2 s12  }
0x17: {  	s14 =	simm.s32 @p2 $0x0;
	p2 =	sgt.s32 s16, $0xFFF  }
0x18: {  	s16 =	smov.u32 @p2 s2;
	p2 =	sne.s32 s11, s7  }
.Ltmp1:
0x19: {  	p1 =	slt.u32 s11, $0x2;
	(pc) =	sbr.rel @!p2 .LBB1_6-.Ltmp1, $4  }
0x1a: {  	s15 =	simm.s32 @!p1 $0x2  }
0x1b: {  	s13 =	smov.u32 s10;
	p0 =	por !p0, !p0;
	_ =	swait.ge @!p1 [sflag:s15], $0x1000  }
0x1c: {  	s12 =	smov.u32 s9;
	[sflag:s15] =	ssyncset.done @!p1 $0x0;
	s9 =	smov.u32 s14  }
0x1d: {  	s11 =	sadd.s32 $0x1, s11;
	[sflag:s15] =	ssyncadd.s32 @!p1 $0xFFFFF000;
	s10 =	smov.u32 s16  }
.LBB1_1:
0x1e: {  	p1 =	sge.u32 s11, s5  }
0x1f: {  	s14 =	sand.u32 @!p1 $0x1FFFFFF, s9  }
0x20: {  	s15 =	smulhi.u32 @!p1 $0x147AE15, s14;
	_ =	sdelay $0x1  }
0x21: {  	s15 =	smul.u32 @!p1 $0xC8, s15  }
0x22: {  	s16 =	sxor.u32 @!p1 $0xFFFFFFFF, s11;
	s17 =	smul.u32 @!p1 $0xC80, s10  }
0x23: {  	s31 =	sadd.s32 $0xFFFFFFFF, s11;
	s16 =	sshll.u32 @!p1 s16, $0xC;
	s14 =	ssub.s32 @!p1 s14, s15  }
0x24: {  	s15 =	sand.u32 @!p1 $0x1000, s16;
	s16 =	sadd.s32 @!p1 s6, s17;
	s14 =	sshll.u32 @!p1 s14, $0x4  }
0x25: {  	s17 =	simm.s32 @!p1 $0x6400;
	s14 =	sadd.s32 @!p1 s14, s16;
	s16 =	simm.s32 @!p1 $0x20  }
0x26: {  	[tilespmem:s15], [sflag:$0x1] =	stream.strided.gather @!p1 [hbm4b:s14+s16], $0x1000, s17, s16, $0x38;
	[tilespmem:$0x4040] =	vst v63  }
0x27: {  	p1 =	sge.u32 s31, s5  }
.Ltmp2:
0x28: {  	_ = 	snop;
	(pc) =	sbr.rel @p1 .LBB1_5-.Ltmp2, $1  }
0x29: {  	_ =	sdelay $0x3  }
0x2a: {  	s14 =	simm.s32 $0x1  }
0x2b: {  	_ =	swait.ge [sflag:s4], $0x1000;
	s14 =	simm.s32 @!p0 $0x0  }
0x2c: {  	[sflag:s4] =	ssyncset.done $0x0;
	s15 =	sshll.u32 s14, $0xC  }
0x2d: {  	[sflag:s4] =	ssyncadd.s32 $0xFFFFF000;
	s18 =	sor.u32 $0x10, s15  }
0x2e: {  	s14 =	smul.u32 $0x4080, s14;
	v1 =	vld [tilespmem:s18+$0x0]  }
0x2f: {  	s30 =	sand.u32 $0x1, s11;
	v0 =	vld [tilespmem:s18+$0xFFFFFFF0]  }
0x30: {  	s15 =	smul.u32 $0x4080, s30;
	s14 =	sshrl.u32 s14, $0x2  }
0x31: {  	s16 =	sor.u32 $0x2000, s14  }
0x32: {  	s31 =	sshrl.u32 s15, $0x2;
	s15 =	sadd.s32 $0x0, s16  }
0x33: {  	s17 =	simm.s32 $0x4;
	s18 =	sadd.s32 $0x20, s18;
	s14 =	sor.u32 $0x2000, s31;
	[tilespmem:s15+$0x810 ss:$0x81] =	vst.msk $0xffff, v1  }
.LBB1_3:
0x34: {  	v1 =	vld [tilespmem:s18+$0x0];
	p1 =	sne.s32 s17, $0x1FC;
	[tilespmem:s15+$0x0 ss:$0x81] =	vst.msk $0xffff, v0;
	s15 =	smov.u32 s17;
	s17 =	sadd.s32 $0x4, s17  }
.Ltmp3:
0x35: {  	v0 =	vld [tilespmem:s18+$0xFFFFFFF0];
	(pc) =	sbr.rel @p1 .LBB1_3-.Ltmp3, $4  }
0x36: {  	_ = 	snop  }
0x37: {  	s15 =	sshra.s32 s15, $0x2  }
0x38: {  	s15 =	sadd.s32 s15, s16  }
0x39: {  	s18 =	sadd.s32 $0x20, s18;
	[tilespmem:s15+$0x810 ss:$0x81] =	vst.msk $0xffff, v1  }
.Ltmp4:
0x3a: {  	_ = 	snop;
	(pc) =	sbr.rel .LBB1_4-.Ltmp4, $1  }
0x3b: {  	_ =	sdelay $0x3  }
.LBB1_6:
0x3c: {  	_ =	sfence.sel $0x180000  }
0x3d: {  	s2 =	simm.s32 $0x1;
	[bflag:$0x0] =	sbarrier.arrive $0xFFFF  }
0x3e: {  	s31 =	simm.s32 $0x2;
	[sflag:s2] =	ssyncpa.u1 $0x1  }
0x3f: {  	[sflag:s31] =	ssyncpa.u1 $0x1  }
0x40: {  	p0 =	sne.s32 s0, $0x0;
	_ =	strace $0x9000004A  }
0x41: {  	s0 =	sadd.s32 @!p0 $0x100000, s1;
	[bflag:$0x2] =	sbarrier.arrive $0xFFFF  }
0x42: {  	[sflag:s0] =	ssyncadd.tile.s32 @!p0 $0x1;
	_ =	shalt  }
.Lfunc_end1:
_tile_overlayer_lowered:
.L_overlay_start_2:
0x43: {  	(tag) =	ssettag $0x2  }
0x44: {  	s0 =	rddreg [dreg:$0x0];
	s2 =	stileid.u32  }
0x45: {  	s1 =	rddreg [dreg:$0x1];
	p0 =	sne.s32 s2, $0x0  }
0x46: {  	s3 =	rddreg [dreg:$0x2];
	[bflag:$0x3] =	sbarrier.arrive $0xFFFF;
	s2 =	simm.s32 @!p0 $0x1C01  }
0x47: {  	[timem:s3], [sflag:s2] =	dma.local @!p0 [hbm:s0], s1  }
0x48: {  	s0 =	simm.s32 @!p0 $0x1  }
0x49: {  	_ =	swait.ge @!p0 [sflag:s0], s1  }
0x4a: {  	s1 =	ssub.s32 @!p0 $0x0, s1;
	[sflag:s0] =	ssyncset.done @!p0 $0x0  }
0x4b: {  	[sflag:s0] =	ssyncadd.s32 @!p0 s1  }
0x4c: {  	[bflag:$0x3] =	sbarrier.arrive $0xFFFF  }
0x4d: {  	_ =	shalt  }

</sc_bundles>
